<compile_context>
chip_gen: v7x
topology: tpu7x:2x2x1
jax: 0.10.2.dev20260603
libtpu: 0.0.44.dev20260713+nightly
codegen_flags: <defaults>
</compile_context>

<pallas_src>
import functools

import jax
import jax.numpy as jnp
from jax import lax
from jax.experimental import pallas as pl
from jax.experimental.pallas import tpu as pltpu
from jax.experimental.pallas import tpu_sc as plsc


def _make_emb_kernel(F, V, D, B):
    info = plsc.get_sparse_core_info()
    NC, NS = info.num_cores, info.num_subcores
    NW = NC * NS
    assert B % NW == 0
    BPW = B // NW

    mesh = plsc.VectorSubcoreMesh(core_axis_name="c", subcore_axis_name="s")

    @functools.partial(
        pl.kernel,
        mesh=mesh,
        out_type=jax.ShapeDtypeStruct((F * B, 128), jnp.float32),
        scratch_types=[
            pltpu.VMEM((BPW, F), jnp.int32),
            pltpu.VMEM((F, BPW), jnp.int32),
            pltpu.VMEM((2, BPW, D), jnp.float32),
            pltpu.SemaphoreType.DMA,
            pltpu.SemaphoreType.DMA,
            pltpu.SemaphoreType.DMA,
            pltpu.SemaphoreType.DMA,
        ],
        compiler_params=pltpu.CompilerParams(
            use_tc_tiling_on_sc=False, needs_layout_passes=False
        ),
    )
    def emb(fv_hbm, tab_hbm, out_hbm, fv_v, idx_v, rows_v, sg0, sg1, sw0, sw1):
        wid = lax.axis_index("s") * NC + lax.axis_index("c")
        base = wid * BPW
        pltpu.sync_copy(fv_hbm.at[pl.ds(base, BPW)], fv_v)

        def tr_body(j, carry):
            rows = lax.iota(jnp.int32, 16) + j * 16
            for i in range(F):
                col = jnp.full((16,), i, jnp.int32)
                v = plsc.load_gather(fv_v, [rows, col])
                idx_v[i, pl.ds(pl.multiple_of(j * 16, 16), 16)] = v
            return carry

        lax.fori_loop(0, BPW // 16, tr_body, 0)
        sg = (sg0, sg1)
        sw = (sw0, sw1)
        wb = [None, None]
        for i in range(F):
            b = i % 2
            if wb[b] is not None:
                wb[b].wait()
            pltpu.async_copy(tab_hbm.at[i].at[idx_v.at[i]], rows_v.at[b], sg[b]).wait()
            wb[b] = pltpu.async_copy(
                rows_v.at[b],
                out_hbm.at[pl.ds(i * B + base, BPW), pl.ds(0, D)],
                sw[b],
            )
        wb[0].wait()
        wb[1].wait()

    return emb


def kernel(feature_value, tables):
    F, V, D = tables.shape
    B = feature_value.shape[0]
    emb = _make_emb_kernel(F, V, D, B)
    s = emb(feature_value, tables)
    return s.reshape(F, B, 128)[:, :, :D]

# --- scband reference (transcript-rebuilt; emitter-appended) ---
"""Pipeline reference for scband-embedding-layer-1228360647192 (READ-ONLY COPY).

The authoritative reference and input builder live on the scoring server;
editing this copy changes nothing except your own understanding.
"""

import jax, jax.numpy as jnp
import numpy as np

NUM_FIELDS = 26
VOCAB = 100000
EMBED_DIM = 32
BATCH = 16384


def setup_inputs(seed: int = 0) -> dict:
    key = jax.random.key(seed)
    k_idx, k_tab = jax.random.split(key)
    feature_value = jax.random.randint(k_idx, (BATCH, NUM_FIELDS), 0, VOCAB, dtype=jnp.int32)
    # One embedding table per sparse field, stacked: tables[i] is the table for field i
    # (matches self.embeddings['f{i}'] = Variable(random_normal(shape=(vocab, dim))))
    tables = jax.random.normal(k_tab, (NUM_FIELDS, VOCAB, EMBED_DIM), dtype=jnp.float32) * 0.05
    return {"feature_value": feature_value, "tables": tables}


def reference(feature_value, tables):
    # Faithful translation of EmbeddingLayer.call:
    #   for i in range(len(feature_names)):
    #       outputs.append(tf.nn.embedding_lookup(self.embeddings[name_i], feature_values[:, i]))
    # Each field i does an embedding gather with its own table; the list of per-field
    # outputs is stacked along axis 0 -> [n_fields, batch, embed_dim].
    outputs = []
    for i in range(tables.shape[0]):
        outputs.append(jnp.take(tables[i], feature_value[:, i], axis=0))
    return jnp.stack(outputs, axis=0)

if __name__ == "__main__":
    import jax
    _d = setup_inputs()
    print(jax.jit(kernel)(*tuple(_d.values())))

</pallas_src>

<mosaic_0001>
#map = affine_map<(d0, d1) -> (0, 0)>
#map1 = affine_map<(d0, d1) -> (0, 0, 0)>
module attributes {stable_mosaic.version = 14 : i64} {
  func.func @emb(%arg0: i32, %arg1: i32, %arg2: memref<16384x26xi32, #tpu.memory_space<hbm>>, %arg3: memref<26x100000x32xf32, #tpu.memory_space<hbm>>, %arg4: memref<425984x128xf32, #tpu.memory_space<hbm>>, %arg5: memref<512x26xi32, #tpu.memory_space<vmem>>, %arg6: memref<26x512xi32, #tpu.memory_space<vmem>>, %arg7: memref<2x512x32xf32, #tpu.memory_space<vmem>>, %arg8: memref<!tpu.dma_semaphore, #tpu.memory_space<semaphore_mem>>, %arg9: memref<!tpu.dma_semaphore, #tpu.memory_space<semaphore_mem>>, %arg10: memref<!tpu.dma_semaphore, #tpu.memory_space<semaphore_mem>>, %arg11: memref<!tpu.dma_semaphore, #tpu.memory_space<semaphore_mem>>) attributes {dimension_semantics = [#tpu.dimension_semantics<core_parallel>, #tpu.dimension_semantics<subcore_parallel>], iteration_bounds = array<i64: 2, 16>, scalar_prefetch = 0 : i64, scratch_operands = 7 : i64, tpu.core_type = #tpu.core_type<sc_vector_subcore>, window_params = [{transform_indices = #map}, {transform_indices = #map1}, {transform_indices = #map}]} {
    %mul3A = arith.constant 2 : i32
    %mul3A_0 = arith.muli %arg1, %mul3A : i32
    %add3A = arith.addi %mul3A_0, %arg0 : i32
    %mul3A_1 = arith.constant 512 : i32
    %mul3A_2 = arith.muli %add3A, %mul3A_1 : i32
    "tpu.region"() ({
      %run_scoped3A = tpu.sem_alloc : memref<!tpu.dma_semaphore, #tpu.memory_space<semaphore_mem>>
      %dma_start3A_1618 = arith.constant 0 : i32
      %dma_start3A_1619 = tpu.memref_slice %arg2[%mul3A_2, %dma_start3A_1618] : memref<16384x26xi32, #tpu.memory_space<hbm>> -> memref<512x26xi32, #tpu.memory_space<hbm>>
      %dma_start3A_1620 = arith.constant 0 : i32
      %dma_start3A_1621 = tpu.memref_slice %arg2[%mul3A_2, %dma_start3A_1620] : memref<16384x26xi32, #tpu.memory_space<hbm>> -> memref<512x26xi32, #tpu.memory_space<hbm>>
      tpu.enqueue_dma source(%dma_start3A_1621 : memref<512x26xi32, #tpu.memory_space<hbm>>) target(%arg5 : memref<512x26xi32, #tpu.memory_space<vmem>>) target_semaphore(%run_scoped3A : memref<!tpu.dma_semaphore, #tpu.memory_space<semaphore_mem>>)
      %dma_wait3A_1622 = arith.constant 0 : i32
      %dma_wait3A_1623 = tpu.memref_slice %arg2[%mul3A_2, %dma_wait3A_1622] : memref<16384x26xi32, #tpu.memory_space<hbm>> -> memref<512x26xi32, #tpu.memory_space<hbm>>
      %dma_wait3A_1624 = arith.constant 0 : i32
      %dma_wait3A_1625 = tpu.memref_slice %arg2[%mul3A_2, %dma_wait3A_1624] : memref<16384x26xi32, #tpu.memory_space<hbm>> -> memref<512x26xi32, #tpu.memory_space<hbm>>
      tpu.wait_dma2 semaphore(%run_scoped3A : memref<!tpu.dma_semaphore, #tpu.memory_space<semaphore_mem>>) src(%dma_wait3A_1625 : memref<512x26xi32, #tpu.memory_space<hbm>>) dst(%arg5 : memref<512x26xi32, #tpu.memory_space<vmem>>)
      tpu.yield
    }) : () -> ()
    %scan3A = arith.constant 0 : i32
    %scan3A_3 = arith.constant 0 : i32
    %scan3A_4 = arith.constant 32 : i32
    %scan3A_5 = arith.addi %scan3A_3, %scan3A_4 : i32
    %scan3A_6 = arith.constant 1 : i32
    scf.for %scan3A_1618 = %scan3A_3 to %scan3A_5 step %scan3A_6  : i32 {
      %iota3A = tpu.iota {dimensions = array<i32: 0>} : vector<16xi32>
      %mul3A_1619 = arith.constant 16 : i32
      %mul3A_1620 = arith.muli %scan3A_1618, %mul3A_1619 : i32
      %add3A_1621 = vector.broadcast %mul3A_1620 : i32 to vector<16xi32>
      %add3A_1622 = arith.addi %iota3A, %add3A_1621 : vector<16xi32>
      %broadcast_in_dim3A = arith.constant 0 : i32
      %broadcast_in_dim3A_1623 = vector.broadcast %broadcast_in_dim3A : i32 to vector<16xi32>
      %gather3A = tpu.vector_load_idx %arg5[%add3A_1622, %broadcast_in_dim3A_1623] : memref<512x26xi32, #tpu.memory_space<vmem>>[vector<16xi32>, vector<16xi32>], vector<16xi32>,
      %mul3A_1624 = arith.constant 16 : i32
      %mul3A_1625 = arith.muli %scan3A_1618, %mul3A_1624 : i32
      %multiple_of3A = tpu.assume_multiple %mul3A_1625, 16 : i32
      %swap3A = arith.constant 0 : i32
      %swap3A_1626 = arith.index_cast %swap3A : i32 to index
      %swap3A_1627 = arith.index_cast %multiple_of3A : i32 to index
      %swap3A_1628 = tpu.vector_load %arg6[%swap3A_1626, %swap3A_1627] {strides = array<i32>} : memref<26x512xi32, #tpu.memory_space<vmem>>, vector<16xi32>,
      tpu.vector_store %arg6[%swap3A_1626, %swap3A_1627], %gather3A {strides = array<i32>} : memref<26x512xi32, #tpu.memory_space<vmem>>, vector<16xi32>,
      %broadcast_in_dim3A_1629 = arith.constant 1 : i32
      %broadcast_in_dim3A_1630 = vector.broadcast %broadcast_in_dim3A_1629 : i32 to vector<16xi32>
      %gather3A_1631 = tpu.vector_load_idx %arg5[%add3A_1622, %broadcast_in_dim3A_1630] : memref<512x26xi32, #tpu.memory_space<vmem>>[vector<16xi32>, vector<16xi32>], vector<16xi32>,
      %mul3A_1632 = arith.constant 16 : i32
      %mul3A_1633 = arith.muli %scan3A_1618, %mul3A_1632 : i32
      %multiple_of3A_1634 = tpu.assume_multiple %mul3A_1633, 16 : i32
      %swap3A_1635 = arith.constant 1 : i32
      %swap3A_1636 = arith.index_cast %swap3A_1635 : i32 to index
      %swap3A_1637 = arith.index_cast %multiple_of3A_1634 : i32 to index
      %swap3A_1638 = tpu.vector_load %arg6[%swap3A_1636, %swap3A_1637] {strides = array<i32>} : memref<26x512xi32, #tpu.memory_space<vmem>>, vector<16xi32>,
      tpu.vector_store %arg6[%swap3A_1636, %swap3A_1637], %gather3A_1631 {strides = array<i32>} : memref<26x512xi32, #tpu.memory_space<vmem>>, vector<16xi32>,
      %broadcast_in_dim3A_1639 = arith.constant 2 : i32
      %broadcast_in_dim3A_1640 = vector.broadcast %broadcast_in_dim3A_1639 : i32 to vector<16xi32>
      %gather3A_1641 = tpu.vector_load_idx %arg5[%add3A_1622, %broadcast_in_dim3A_1640] : memref<512x26xi32, #tpu.memory_space<vmem>>[vector<16xi32>, vector<16xi32>], vector<16xi32>,
      %mul3A_1642 = arith.constant 16 : i32
      %mul3A_1643 = arith.muli %scan3A_1618, %mul3A_1642 : i32
      %multiple_of3A_1644 = tpu.assume_multiple %mul3A_1643, 16 : i32
      %swap3A_1645 = arith.constant 2 : i32
      %swap3A_1646 = arith.index_cast %swap3A_1645 : i32 to index
      %swap3A_1647 = arith.index_cast %multiple_of3A_1644 : i32 to index
      %swap3A_1648 = tpu.vector_load %arg6[%swap3A_1646, %swap3A_1647] {strides = array<i32>} : memref<26x512xi32, #tpu.memory_space<vmem>>, vector<16xi32>,
      tpu.vector_store %arg6[%swap3A_1646, %swap3A_1647], %gather3A_1641 {strides = array<i32>} : memref<26x512xi32, #tpu.memory_space<vmem>>, vector<16xi32>,
      %broadcast_in_dim3A_1649 = arith.constant 3 : i32
      %broadcast_in_dim3A_1650 = vector.broadcast %broadcast_in_dim3A_1649 : i32 to vector<16xi32>
      %gather3A_1651 = tpu.vector_load_idx %arg5[%add3A_1622, %broadcast_in_dim3A_1650] : memref<512x26xi32, #tpu.memory_space<vmem>>[vector<16xi32>, vector<16xi32>], vector<16xi32>,
      %mul3A_1652 = arith.constant 16 : i32
      %mul3A_1653 = arith.muli %scan3A_1618, %mul3A_1652 : i32
      %multiple_of3A_1654 = tpu.assume_multiple %mul3A_1653, 16 : i32
      %swap3A_1655 = arith.constant 3 : i32
      %swap3A_1656 = arith.index_cast %swap3A_1655 : i32 to index
      %swap3A_1657 = arith.index_cast %multiple_of3A_1654 : i32 to index
      %swap3A_1658 = tpu.vector_load %arg6[%swap3A_1656, %swap3A_1657] {strides = array<i32>} : memref<26x512xi32, #tpu.memory_space<vmem>>, vector<16xi32>,
      tpu.vector_store %arg6[%swap3A_1656, %swap3A_1657], %gather3A_1651 {strides = array<i32>} : memref<26x512xi32, #tpu.memory_space<vmem>>, vector<16xi32>,
      %broadcast_in_dim3A_1659 = arith.constant 4 : i32
      %broadcast_in_dim3A_1660 = vector.broadcast %broadcast_in_dim3A_1659 : i32 to vector<16xi32>
      %gather3A_1661 = tpu.vector_load_idx %arg5[%add3A_1622, %broadcast_in_dim3A_1660] : memref<512x26xi32, #tpu.memory_space<vmem>>[vector<16xi32>, vector<16xi32>], vector<16xi32>,
      %mul3A_1662 = arith.constant 16 : i32
      %mul3A_1663 = arith.muli %scan3A_1618, %mul3A_1662 : i32
      %multiple_of3A_1664 = tpu.assume_multiple %mul3A_1663, 16 : i32
      %swap3A_1665 = arith.constant 4 : i32
      %swap3A_1666 = arith.index_cast %swap3A_1665 : i32 to index
      %swap3A_1667 = arith.index_cast %multiple_of3A_1664 : i32 to index
      %swap3A_1668 = tpu.vector_load %arg6[%swap3A_1666, %swap3A_1667] {strides = array<i32>} : memref<26x512xi32, #tpu.memory_space<vmem>>, vector<16xi32>,
      tpu.vector_store %arg6[%swap3A_1666, %swap3A_1667], %gather3A_1661 {strides = array<i32>} : memref<26x512xi32, #tpu.memory_space<vmem>>, vector<16xi32>,
      %broadcast_in_dim3A_1669 = arith.constant 5 : i32
      %broadcast_in_dim3A_1670 = vector.broadcast %broadcast_in_dim3A_1669 : i32 to vector<16xi32>
      %gather3A_1671 = tpu.vector_load_idx %arg5[%add3A_1622, %broadcast_in_dim3A_1670] : memref<512x26xi32, #tpu.memory_space<vmem>>[vector<16xi32>, vector<16xi32>], vector<16xi32>,
      %mul3A_1672 = arith.constant 16 : i32
      %mul3A_1673 = arith.muli %scan3A_1618, %mul3A_1672 : i32
      %multiple_of3A_1674 = tpu.assume_multiple %mul3A_1673, 16 : i32
      %swap3A_1675 = arith.constant 5 : i32
      %swap3A_1676 = arith.index_cast %swap3A_1675 : i32 to index
      %swap3A_1677 = arith.index_cast %multiple_of3A_1674 : i32 to index
      %swap3A_1678 = tpu.vector_load %arg6[%swap3A_1676, %swap3A_1677] {strides = array<i32>} : memref<26x512xi32, #tpu.memory_space<vmem>>, vector<16xi32>,
      tpu.vector_store %arg6[%swap3A_1676, %swap3A_1677], %gather3A_1671 {strides = array<i32>} : memref<26x512xi32, #tpu.memory_space<vmem>>, vector<16xi32>,
      %broadcast_in_dim3A_1679 = arith.constant 6 : i32
      %broadcast_in_dim3A_1680 = vector.broadcast %broadcast_in_dim3A_1679 : i32 to vector<16xi32>
      %gather3A_1681 = tpu.vector_load_idx %arg5[%add3A_1622, %broadcast_in_dim3A_1680] : memref<512x26xi32, #tpu.memory_space<vmem>>[vector<16xi32>, vector<16xi32>], vector<16xi32>,
      %mul3A_1682 = arith.constant 16 : i32
      %mul3A_1683 = arith.muli %scan3A_1618, %mul3A_1682 : i32
      %multiple_of3A_1684 = tpu.assume_multiple %mul3A_1683, 16 : i32
      %swap3A_1685 = arith.constant 6 : i32
      %swap3A_1686 = arith.index_cast %swap3A_1685 : i32 to index
      %swap3A_1687 = arith.index_cast %multiple_of3A_1684 : i32 to index
      %swap3A_1688 = tpu.vector_load %arg6[%swap3A_1686, %swap3A_1687] {strides = array<i32>} : memref<26x512xi32, #tpu.memory_space<vmem>>, vector<16xi32>,
      tpu.vector_store %arg6[%swap3A_1686, %swap3A_1687], %gather3A_1681 {strides = array<i32>} : memref<26x512xi32, #tpu.memory_space<vmem>>, vector<16xi32>,
      %broadcast_in_dim3A_1689 = arith.constant 7 : i32
      %broadcast_in_dim3A_1690 = vector.broadcast %broadcast_in_dim3A_1689 : i32 to vector<16xi32>
      %gather3A_1691 = tpu.vector_load_idx %arg5[%add3A_1622, %broadcast_in_dim3A_1690] : memref<512x26xi32, #tpu.memory_space<vmem>>[vector<16xi32>, vector<16xi32>], vector<16xi32>,
      %mul3A_1692 = arith.constant 16 : i32
      %mul3A_1693 = arith.muli %scan3A_1618, %mul3A_1692 : i32
      %multiple_of3A_1694 = tpu.assume_multiple %mul3A_1693, 16 : i32
      %swap3A_1695 = arith.constant 7 : i32
      %swap3A_1696 = arith.index_cast %swap3A_1695 : i32 to index
      %swap3A_1697 = arith.index_cast %multiple_of3A_1694 : i32 to index
      %swap3A_1698 = tpu.vector_load %arg6[%swap3A_1696, %swap3A_1697] {strides = array<i32>} : memref<26x512xi32, #tpu.memory_space<vmem>>, vector<16xi32>,
      tpu.vector_store %arg6[%swap3A_1696, %swap3A_1697], %gather3A_1691 {strides = array<i32>} : memref<26x512xi32, #tpu.memory_space<vmem>>, vector<16xi32>,
      %broadcast_in_dim3A_1699 = arith.constant 8 : i32
      %broadcast_in_dim3A_1700 = vector.broadcast %broadcast_in_dim3A_1699 : i32 to vector<16xi32>
      %gather3A_1701 = tpu.vector_load_idx %arg5[%add3A_1622, %broadcast_in_dim3A_1700] : memref<512x26xi32, #tpu.memory_space<vmem>>[vector<16xi32>, vector<16xi32>], vector<16xi32>,
      %mul3A_1702 = arith.constant 16 : i32
      %mul3A_1703 = arith.muli %scan3A_1618, %mul3A_1702 : i32
      %multiple_of3A_1704 = tpu.assume_multiple %mul3A_1703, 16 : i32
      %swap3A_1705 = arith.constant 8 : i32
      %swap3A_1706 = arith.index_cast %swap3A_1705 : i32 to index
      %swap3A_1707 = arith.index_cast %multiple_of3A_1704 : i32 to index
      %swap3A_1708 = tpu.vector_load %arg6[%swap3A_1706, %swap3A_1707] {strides = array<i32>} : memref<26x512xi32, #tpu.memory_space<vmem>>, vector<16xi32>,
      tpu.vector_store %arg6[%swap3A_1706, %swap3A_1707], %gather3A_1701 {strides = array<i32>} : memref<26x512xi32, #tpu.memory_space<vmem>>, vector<16xi32>,
      %broadcast_in_dim3A_1709 = arith.constant 9 : i32
      %broadcast_in_dim3A_1710 = vector.broadcast %broadcast_in_dim3A_1709 : i32 to vector<16xi32>
      %gather3A_1711 = tpu.vector_load_idx %arg5[%add3A_1622, %broadcast_in_dim3A_1710] : memref<512x26xi32, #tpu.memory_space<vmem>>[vector<16xi32>, vector<16xi32>], vector<16xi32>,
      %mul3A_1712 = arith.constant 16 : i32
      %mul3A_1713 = arith.muli %scan3A_1618, %mul3A_1712 : i32
      %multiple_of3A_1714 = tpu.assume_multiple %mul3A_1713, 16 : i32
      %swap3A_1715 = arith.constant 9 : i32
      %swap3A_1716 = arith.index_cast %swap3A_1715 : i32 to index
      %swap3A_1717 = arith.index_cast %multiple_of3A_1714 : i32 to index
      %swap3A_1718 = tpu.vector_load %arg6[%swap3A_1716, %swap3A_1717] {strides = array<i32>} : memref<26x512xi32, #tpu.memory_space<vmem>>, vector<16xi32>,
      tpu.vector_store %arg6[%swap3A_1716, %swap3A_1717], %gather3A_1711 {strides = array<i32>} : memref<26x512xi32, #tpu.memory_space<vmem>>, vector<16xi32>,
      %broadcast_in_dim3A_1719 = arith.constant 10 : i32
      %broadcast_in_dim3A_1720 = vector.broadcast %broadcast_in_dim3A_1719 : i32 to vector<16xi32>
      %gather3A_1721 = tpu.vector_load_idx %arg5[%add3A_1622, %broadcast_in_dim3A_1720] : memref<512x26xi32, #tpu.memory_space<vmem>>[vector<16xi32>, vector<16xi32>], vector<16xi32>,
      %mul3A_1722 = arith.constant 16 : i32
      %mul3A_1723 = arith.muli %scan3A_1618, %mul3A_1722 : i32
      %multiple_of3A_1724 = tpu.assume_multiple %mul3A_1723, 16 : i32
      %swap3A_1725 = arith.constant 10 : i32
      %swap3A_1726 = arith.index_cast %swap3A_1725 : i32 to index
      %swap3A_1727 = arith.index_cast %multiple_of3A_1724 : i32 to index
      %swap3A_1728 = tpu.vector_load %arg6[%swap3A_1726, %swap3A_1727] {strides = array<i32>} : memref<26x512xi32, #tpu.memory_space<vmem>>, vector<16xi32>,
      tpu.vector_store %arg6[%swap3A_1726, %swap3A_1727], %gather3A_1721 {strides = array<i32>} : memref<26x512xi32, #tpu.memory_space<vmem>>, vector<16xi32>,
      %broadcast_in_dim3A_1729 = arith.constant 11 : i32
      %broadcast_in_dim3A_1730 = vector.broadcast %broadcast_in_dim3A_1729 : i32 to vector<16xi32>
      %gather3A_1731 = tpu.vector_load_idx %arg5[%add3A_1622, %broadcast_in_dim3A_1730] : memref<512x26xi32, #tpu.memory_space<vmem>>[vector<16xi32>, vector<16xi32>], vector<16xi32>,
      %mul3A_1732 = arith.constant 16 : i32
      %mul3A_1733 = arith.muli %scan3A_1618, %mul3A_1732 : i32
      %multiple_of3A_1734 = tpu.assume_multiple %mul3A_1733, 16 : i32
      %swap3A_1735 = arith.constant 11 : i32
      %swap3A_1736 = arith.index_cast %swap3A_1735 : i32 to index
      %swap3A_1737 = arith.index_cast %multiple_of3A_1734 : i32 to index
      %swap3A_1738 = tpu.vector_load %arg6[%swap3A_1736, %swap3A_1737] {strides = array<i32>} : memref<26x512xi32, #tpu.memory_space<vmem>>, vector<16xi32>,
      tpu.vector_store %arg6[%swap3A_1736, %swap3A_1737], %gather3A_1731 {strides = array<i32>} : memref<26x512xi32, #tpu.memory_space<vmem>>, vector<16xi32>,
      %broadcast_in_dim3A_1739 = arith.constant 12 : i32
      %broadcast_in_dim3A_1740 = vector.broadcast %broadcast_in_dim3A_1739 : i32 to vector<16xi32>
      %gather3A_1741 = tpu.vector_load_idx %arg5[%add3A_1622, %broadcast_in_dim3A_1740] : memref<512x26xi32, #tpu.memory_space<vmem>>[vector<16xi32>, vector<16xi32>], vector<16xi32>,
      %mul3A_1742 = arith.constant 16 : i32
      %mul3A_1743 = arith.muli %scan3A_1618, %mul3A_1742 : i32
      %multiple_of3A_1744 = tpu.assume_multiple %mul3A_1743, 16 : i32
      %swap3A_1745 = arith.constant 12 : i32
      %swap3A_1746 = arith.index_cast %swap3A_1745 : i32 to index
      %swap3A_1747 = arith.index_cast %multiple_of3A_1744 : i32 to index
      %swap3A_1748 = tpu.vector_load %arg6[%swap3A_1746, %swap3A_1747] {strides = array<i32>} : memref<26x512xi32, #tpu.memory_space<vmem>>, vector<16xi32>,
      tpu.vector_store %arg6[%swap3A_1746, %swap3A_1747], %gather3A_1741 {strides = array<i32>} : memref<26x512xi32, #tpu.memory_space<vmem>>, vector<16xi32>,
      %broadcast_in_dim3A_1749 = arith.constant 13 : i32
      %broadcast_in_dim3A_1750 = vector.broadcast %broadcast_in_dim3A_1749 : i32 to vector<16xi32>
      %gather3A_1751 = tpu.vector_load_idx %arg5[%add3A_1622, %broadcast_in_dim3A_1750] : memref<512x26xi32, #tpu.memory_space<vmem>>[vector<16xi32>, vector<16xi32>], vector<16xi32>,
      %mul3A_1752 = arith.constant 16 : i32
      %mul3A_1753 = arith.muli %scan3A_1618, %mul3A_1752 : i32
      %multiple_of3A_1754 = tpu.assume_multiple %mul3A_1753, 16 : i32
      %swap3A_1755 = arith.constant 13 : i32
      %swap3A_1756 = arith.index_cast %swap3A_1755 : i32 to index
      %swap3A_1757 = arith.index_cast %multiple_of3A_1754 : i32 to index
      %swap3A_1758 = tpu.vector_load %arg6[%swap3A_1756, %swap3A_1757] {strides = array<i32>} : memref<26x512xi32, #tpu.memory_space<vmem>>, vector<16xi32>,
      tpu.vector_store %arg6[%swap3A_1756, %swap3A_1757], %gather3A_1751 {strides = array<i32>} : memref<26x512xi32, #tpu.memory_space<vmem>>, vector<16xi32>,
      %broadcast_in_dim3A_1759 = arith.constant 14 : i32
      %broadcast_in_dim3A_1760 = vector.broadcast %broadcast_in_dim3A_1759 : i32 to vector<16xi32>
      %gather3A_1761 = tpu.vector_load_idx %arg5[%add3A_1622, %broadcast_in_dim3A_1760] : memref<512x26xi32, #tpu.memory_space<vmem>>[vector<16xi32>, vector<16xi32>], vector<16xi32>,
      %mul3A_1762 = arith.constant 16 : i32
      %mul3A_1763 = arith.muli %scan3A_1618, %mul3A_1762 : i32
      %multiple_of3A_1764 = tpu.assume_multiple %mul3A_1763, 16 : i32
      %swap3A_1765 = arith.constant 14 : i32
      %swap3A_1766 = arith.index_cast %swap3A_1765 : i32 to index
      %swap3A_1767 = arith.index_cast %multiple_of3A_1764 : i32 to index
      %swap3A_1768 = tpu.vector_load %arg6[%swap3A_1766, %swap3A_1767] {strides = array<i32>} : memref<26x512xi32, #tpu.memory_space<vmem>>, vector<16xi32>,
      tpu.vector_store %arg6[%swap3A_1766, %swap3A_1767], %gather3A_1761 {strides = array<i32>} : memref<26x512xi32, #tpu.memory_space<vmem>>, vector<16xi32>,
      %broadcast_in_dim3A_1769 = arith.constant 15 : i32
      %broadcast_in_dim3A_1770 = vector.broadcast %broadcast_in_dim3A_1769 : i32 to vector<16xi32>
      %gather3A_1771 = tpu.vector_load_idx %arg5[%add3A_1622, %broadcast_in_dim3A_1770] : memref<512x26xi32, #tpu.memory_space<vmem>>[vector<16xi32>, vector<16xi32>], vector<16xi32>,
      %mul3A_1772 = arith.constant 16 : i32
      %mul3A_1773 = arith.muli %scan3A_1618, %mul3A_1772 : i32
      %multiple_of3A_1774 = tpu.assume_multiple %mul3A_1773, 16 : i32
      %swap3A_1775 = arith.constant 15 : i32
      %swap3A_1776 = arith.index_cast %swap3A_1775 : i32 to index
      %swap3A_1777 = arith.index_cast %multiple_of3A_1774 : i32 to index
      %swap3A_1778 = tpu.vector_load %arg6[%swap3A_1776, %swap3A_1777] {strides = array<i32>} : memref<26x512xi32, #tpu.memory_space<vmem>>, vector<16xi32>,
      tpu.vector_store %arg6[%swap3A_1776, %swap3A_1777], %gather3A_1771 {strides = array<i32>} : memref<26x512xi32, #tpu.memory_space<vmem>>, vector<16xi32>,
      %broadcast_in_dim3A_1779 = arith.constant 16 : i32
      %broadcast_in_dim3A_1780 = vector.broadcast %broadcast_in_dim3A_1779 : i32 to vector<16xi32>
      %gather3A_1781 = tpu.vector_load_idx %arg5[%add3A_1622, %broadcast_in_dim3A_1780] : memref<512x26xi32, #tpu.memory_space<vmem>>[vector<16xi32>, vector<16xi32>], vector<16xi32>,
      %mul3A_1782 = arith.constant 16 : i32
      %mul3A_1783 = arith.muli %scan3A_1618, %mul3A_1782 : i32
      %multiple_of3A_1784 = tpu.assume_multiple %mul3A_1783, 16 : i32
      %swap3A_1785 = arith.constant 16 : i32
      %swap3A_1786 = arith.index_cast %swap3A_1785 : i32 to index
      %swap3A_1787 = arith.index_cast %multiple_of3A_1784 : i32 to index
      %swap3A_1788 = tpu.vector_load %arg6[%swap3A_1786, %swap3A_1787] {strides = array<i32>} : memref<26x512xi32, #tpu.memory_space<vmem>>, vector<16xi32>,
      tpu.vector_store %arg6[%swap3A_1786, %swap3A_1787], %gather3A_1781 {strides = array<i32>} : memref<26x512xi32, #tpu.memory_space<vmem>>, vector<16xi32>,
      %broadcast_in_dim3A_1789 = arith.constant 17 : i32
      %broadcast_in_dim3A_1790 = vector.broadcast %broadcast_in_dim3A_1789 : i32 to vector<16xi32>
      %gather3A_1791 = tpu.vector_load_idx %arg5[%add3A_1622, %broadcast_in_dim3A_1790] : memref<512x26xi32, #tpu.memory_space<vmem>>[vector<16xi32>, vector<16xi32>], vector<16xi32>,
      %mul3A_1792 = arith.constant 16 : i32
      %mul3A_1793 = arith.muli %scan3A_1618, %mul3A_1792 : i32
      %multiple_of3A_1794 = tpu.assume_multiple %mul3A_1793, 16 : i32
      %swap3A_1795 = arith.constant 17 : i32
      %swap3A_1796 = arith.index_cast %swap3A_1795 : i32 to index
      %swap3A_1797 = arith.index_cast %multiple_of3A_1794 : i32 to index
      %swap3A_1798 = tpu.vector_load %arg6[%swap3A_1796, %swap3A_1797] {strides = array<i32>} : memref<26x512xi32, #tpu.memory_space<vmem>>, vector<16xi32>,
      tpu.vector_store %arg6[%swap3A_1796, %swap3A_1797], %gather3A_1791 {strides = array<i32>} : memref<26x512xi32, #tpu.memory_space<vmem>>, vector<16xi32>,
      %broadcast_in_dim3A_1799 = arith.constant 18 : i32
      %broadcast_in_dim3A_1800 = vector.broadcast %broadcast_in_dim3A_1799 : i32 to vector<16xi32>
      %gather3A_1801 = tpu.vector_load_idx %arg5[%add3A_1622, %broadcast_in_dim3A_1800] : memref<512x26xi32, #tpu.memory_space<vmem>>[vector<16xi32>, vector<16xi32>], vector<16xi32>,
      %mul3A_1802 = arith.constant 16 : i32
      %mul3A_1803 = arith.muli %scan3A_1618, %mul3A_1802 : i32
      %multiple_of3A_1804 = tpu.assume_multiple %mul3A_1803, 16 : i32
      %swap3A_1805 = arith.constant 18 : i32
      %swap3A_1806 = arith.index_cast %swap3A_1805 : i32 to index
      %swap3A_1807 = arith.index_cast %multiple_of3A_1804 : i32 to index
      %swap3A_1808 = tpu.vector_load %arg6[%swap3A_1806, %swap3A_1807] {strides = array<i32>} : memref<26x512xi32, #tpu.memory_space<vmem>>, vector<16xi32>,
      tpu.vector_store %arg6[%swap3A_1806, %swap3A_1807], %gather3A_1801 {strides = array<i32>} : memref<26x512xi32, #tpu.memory_space<vmem>>, vector<16xi32>,
      %broadcast_in_dim3A_1809 = arith.constant 19 : i32
      %broadcast_in_dim3A_1810 = vector.broadcast %broadcast_in_dim3A_1809 : i32 to vector<16xi32>
      %gather3A_1811 = tpu.vector_load_idx %arg5[%add3A_1622, %broadcast_in_dim3A_1810] : memref<512x26xi32, #tpu.memory_space<vmem>>[vector<16xi32>, vector<16xi32>], vector<16xi32>,
      %mul3A_1812 = arith.constant 16 : i32
      %mul3A_1813 = arith.muli %scan3A_1618, %mul3A_1812 : i32
      %multiple_of3A_1814 = tpu.assume_multiple %mul3A_1813, 16 : i32
      %swap3A_1815 = arith.constant 19 : i32
      %swap3A_1816 = arith.index_cast %swap3A_1815 : i32 to index
      %swap3A_1817 = arith.index_cast %multiple_of3A_1814 : i32 to index
      %swap3A_1818 = tpu.vector_load %arg6[%swap3A_1816, %swap3A_1817] {strides = array<i32>} : memref<26x512xi32, #tpu.memory_space<vmem>>, vector<16xi32>,
      tpu.vector_store %arg6[%swap3A_1816, %swap3A_1817], %gather3A_1811 {strides = array<i32>} : memref<26x512xi32, #tpu.memory_space<vmem>>, vector<16xi32>,
      %broadcast_in_dim3A_1819 = arith.constant 20 : i32
      %broadcast_in_dim3A_1820 = vector.broadcast %broadcast_in_dim3A_1819 : i32 to vector<16xi32>
      %gather3A_1821 = tpu.vector_load_idx %arg5[%add3A_1622, %broadcast_in_dim3A_1820] : memref<512x26xi32, #tpu.memory_space<vmem>>[vector<16xi32>, vector<16xi32>], vector<16xi32>,
      %mul3A_1822 = arith.constant 16 : i32
      %mul3A_1823 = arith.muli %scan3A_1618, %mul3A_1822 : i32
      %multiple_of3A_1824 = tpu.assume_multiple %mul3A_1823, 16 : i32
      %swap3A_1825 = arith.constant 20 : i32
      %swap3A_1826 = arith.index_cast %swap3A_1825 : i32 to index
      %swap3A_1827 = arith.index_cast %multiple_of3A_1824 : i32 to index
      %swap3A_1828 = tpu.vector_load %arg6[%swap3A_1826, %swap3A_1827] {strides = array<i32>} : memref<26x512xi32, #tpu.memory_space<vmem>>, vector<16xi32>,
      tpu.vector_store %arg6[%swap3A_1826, %swap3A_1827], %gather3A_1821 {strides = array<i32>} : memref<26x512xi32, #tpu.memory_space<vmem>>, vector<16xi32>,
      %broadcast_in_dim3A_1829 = arith.constant 21 : i32
      %broadcast_in_dim3A_1830 = vector.broadcast %broadcast_in_dim3A_1829 : i32 to vector<16xi32>
      %gather3A_1831 = tpu.vector_load_idx %arg5[%add3A_1622, %broadcast_in_dim3A_1830] : memref<512x26xi32, #tpu.memory_space<vmem>>[vector<16xi32>, vector<16xi32>], vector<16xi32>,
      %mul3A_1832 = arith.constant 16 : i32
      %mul3A_1833 = arith.muli %scan3A_1618, %mul3A_1832 : i32
      %multiple_of3A_1834 = tpu.assume_multiple %mul3A_1833, 16 : i32
      %swap3A_1835 = arith.constant 21 : i32
      %swap3A_1836 = arith.index_cast %swap3A_1835 : i32 to index
      %swap3A_1837 = arith.index_cast %multiple_of3A_1834 : i32 to index
      %swap3A_1838 = tpu.vector_load %arg6[%swap3A_1836, %swap3A_1837] {strides = array<i32>} : memref<26x512xi32, #tpu.memory_space<vmem>>, vector<16xi32>,
      tpu.vector_store %arg6[%swap3A_1836, %swap3A_1837], %gather3A_1831 {strides = array<i32>} : memref<26x512xi32, #tpu.memory_space<vmem>>, vector<16xi32>,
      %broadcast_in_dim3A_1839 = arith.constant 22 : i32
      %broadcast_in_dim3A_1840 = vector.broadcast %broadcast_in_dim3A_1839 : i32 to vector<16xi32>
      %gather3A_1841 = tpu.vector_load_idx %arg5[%add3A_1622, %broadcast_in_dim3A_1840] : memref<512x26xi32, #tpu.memory_space<vmem>>[vector<16xi32>, vector<16xi32>], vector<16xi32>,
      %mul3A_1842 = arith.constant 16 : i32
      %mul3A_1843 = arith.muli %scan3A_1618, %mul3A_1842 : i32
      %multiple_of3A_1844 = tpu.assume_multiple %mul3A_1843, 16 : i32
      %swap3A_1845 = arith.constant 22 : i32
      %swap3A_1846 = arith.index_cast %swap3A_1845 : i32 to index
      %swap3A_1847 = arith.index_cast %multiple_of3A_1844 : i32 to index
      %swap3A_1848 = tpu.vector_load %arg6[%swap3A_1846, %swap3A_1847] {strides = array<i32>} : memref<26x512xi32, #tpu.memory_space<vmem>>, vector<16xi32>,
      tpu.vector_store %arg6[%swap3A_1846, %swap3A_1847], %gather3A_1841 {strides = array<i32>} : memref<26x512xi32, #tpu.memory_space<vmem>>, vector<16xi32>,
      %broadcast_in_dim3A_1849 = arith.constant 23 : i32
      %broadcast_in_dim3A_1850 = vector.broadcast %broadcast_in_dim3A_1849 : i32 to vector<16xi32>
      %gather3A_1851 = tpu.vector_load_idx %arg5[%add3A_1622, %broadcast_in_dim3A_1850] : memref<512x26xi32, #tpu.memory_space<vmem>>[vector<16xi32>, vector<16xi32>], vector<16xi32>,
      %mul3A_1852 = arith.constant 16 : i32
      %mul3A_1853 = arith.muli %scan3A_1618, %mul3A_1852 : i32
      %multiple_of3A_1854 = tpu.assume_multiple %mul3A_1853, 16 : i32
      %swap3A_1855 = arith.constant 23 : i32
      %swap3A_1856 = arith.index_cast %swap3A_1855 : i32 to index
      %swap3A_1857 = arith.index_cast %multiple_of3A_1854 : i32 to index
      %swap3A_1858 = tpu.vector_load %arg6[%swap3A_1856, %swap3A_1857] {strides = array<i32>} : memref<26x512xi32, #tpu.memory_space<vmem>>, vector<16xi32>,
      tpu.vector_store %arg6[%swap3A_1856, %swap3A_1857], %gather3A_1851 {strides = array<i32>} : memref<26x512xi32, #tpu.memory_space<vmem>>, vector<16xi32>,
      %broadcast_in_dim3A_1859 = arith.constant 24 : i32
      %broadcast_in_dim3A_1860 = vector.broadcast %broadcast_in_dim3A_1859 : i32 to vector<16xi32>
      %gather3A_1861 = tpu.vector_load_idx %arg5[%add3A_1622, %broadcast_in_dim3A_1860] : memref<512x26xi32, #tpu.memory_space<vmem>>[vector<16xi32>, vector<16xi32>], vector<16xi32>,
      %mul3A_1862 = arith.constant 16 : i32
      %mul3A_1863 = arith.muli %scan3A_1618, %mul3A_1862 : i32
      %multiple_of3A_1864 = tpu.assume_multiple %mul3A_1863, 16 : i32
      %swap3A_1865 = arith.constant 24 : i32
      %swap3A_1866 = arith.index_cast %swap3A_1865 : i32 to index
      %swap3A_1867 = arith.index_cast %multiple_of3A_1864 : i32 to index
      %swap3A_1868 = tpu.vector_load %arg6[%swap3A_1866, %swap3A_1867] {strides = array<i32>} : memref<26x512xi32, #tpu.memory_space<vmem>>, vector<16xi32>,
      tpu.vector_store %arg6[%swap3A_1866, %swap3A_1867], %gather3A_1861 {strides = array<i32>} : memref<26x512xi32, #tpu.memory_space<vmem>>, vector<16xi32>,
      %broadcast_in_dim3A_1869 = arith.constant 25 : i32
      %broadcast_in_dim3A_1870 = vector.broadcast %broadcast_in_dim3A_1869 : i32 to vector<16xi32>
      %gather3A_1871 = tpu.vector_load_idx %arg5[%add3A_1622, %broadcast_in_dim3A_1870] : memref<512x26xi32, #tpu.memory_space<vmem>>[vector<16xi32>, vector<16xi32>], vector<16xi32>,
      %mul3A_1872 = arith.constant 16 : i32
      %mul3A_1873 = arith.muli %scan3A_1618, %mul3A_1872 : i32
      %multiple_of3A_1874 = tpu.assume_multiple %mul3A_1873, 16 : i32
      %swap3A_1875 = arith.constant 25 : i32
      %swap3A_1876 = arith.index_cast %swap3A_1875 : i32 to index
      %swap3A_1877 = arith.index_cast %multiple_of3A_1874 : i32 to index
      %swap3A_1878 = tpu.vector_load %arg6[%swap3A_1876, %swap3A_1877] {strides = array<i32>} : memref<26x512xi32, #tpu.memory_space<vmem>>, vector<16xi32>,
      tpu.vector_store %arg6[%swap3A_1876, %swap3A_1877], %gather3A_1871 {strides = array<i32>} : memref<26x512xi32, #tpu.memory_space<vmem>>, vector<16xi32>,
    }
    %scan3A_7 = arith.constant 32 : i32
    %dma_start3A = arith.constant 0 : i32
    %dma_start3A_8 = arith.constant 0 : i32
    %dma_start3A_9 = arith.constant 0 : i32
    %dma_start3A_10 = arith.constant 0 : i32
    %dma_start3A_11 = arith.constant 0 : i32
    %dma_start3A_12 = tpu.memref_slice %arg7[%dma_start3A_9, %dma_start3A_10, %dma_start3A_11] : memref<2x512x32xf32, #tpu.memory_space<vmem>> -> memref<1x512x32xf32, #tpu.memory_space<vmem>>
    %dma_start3A_13 = tpu.memref_squeeze %dma_start3A_12 : memref<1x512x32xf32, #tpu.memory_space<vmem>> -> memref<512x32xf32, #tpu.memory_space<vmem>>
    %dma_start3A_14 = arith.constant 0 : i32
    %dma_start3A_15 = tpu.memref_slice %arg6[%dma_start3A_8, %dma_start3A_14] : memref<26x512xi32, #tpu.memory_space<vmem>> -> memref<1x512xi32, #tpu.memory_space<vmem>>
    %dma_start3A_16 = tpu.memref_squeeze %dma_start3A_15 : memref<1x512xi32, #tpu.memory_space<vmem>> -> memref<512xi32, #tpu.memory_space<vmem>>
    %dma_start3A_17 = arith.constant 0 : i32
    %dma_start3A_18 = arith.constant 0 : i32
    %dma_start3A_19 = tpu.memref_slice %arg3[%dma_start3A, %dma_start3A_17, %dma_start3A_18] : memref<26x100000x32xf32, #tpu.memory_space<hbm>> -> memref<1x100000x32xf32, #tpu.memory_space<hbm>>
    %dma_start3A_20 = tpu.memref_squeeze %dma_start3A_19 : memref<1x100000x32xf32, #tpu.memory_space<hbm>> -> memref<100000x32xf32, #tpu.memory_space<hbm>>
    %dma_start3A_21 = arith.constant 0 : i32
    %dma_start3A_22 = arith.constant 0 : i32
    %dma_start3A_23 = tpu.memref_slice %dma_start3A_20[%dma_start3A_21, %dma_start3A_22] : memref<100000x32xf32, #tpu.memory_space<hbm>> -> memref<100000x32xf32, #tpu.memory_space<hbm>>
    tpu.enqueue_indirect_dma source(%dma_start3A_23 : memref<100000x32xf32, #tpu.memory_space<hbm>>) target(%dma_start3A_13 : memref<512x32xf32, #tpu.memory_space<vmem>>) offsets(%dma_start3A_16 : memref<512xi32, #tpu.memory_space<vmem>>) semaphore(%arg8 : memref<!tpu.dma_semaphore, #tpu.memory_space<semaphore_mem>>)
    %dma_wait3A = arith.constant 0 : i32
    %dma_wait3A_24 = arith.constant 0 : i32
    %dma_wait3A_25 = arith.constant 0 : i32
    %dma_wait3A_26 = arith.constant 0 : i32
    %dma_wait3A_27 = arith.constant 0 : i32
    %dma_wait3A_28 = tpu.memref_slice %arg7[%dma_wait3A_25, %dma_wait3A_26, %dma_wait3A_27] : memref<2x512x32xf32, #tpu.memory_space<vmem>> -> memref<1x512x32xf32, #tpu.memory_space<vmem>>
    %dma_wait3A_29 = tpu.memref_squeeze %dma_wait3A_28 : memref<1x512x32xf32, #tpu.memory_space<vmem>> -> memref<512x32xf32, #tpu.memory_space<vmem>>
    %dma_wait3A_30 = arith.constant 0 : i32
    %dma_wait3A_31 = tpu.memref_slice %arg6[%dma_wait3A_24, %dma_wait3A_30] : memref<26x512xi32, #tpu.memory_space<vmem>> -> memref<1x512xi32, #tpu.memory_space<vmem>>
    %dma_wait3A_32 = tpu.memref_squeeze %dma_wait3A_31 : memref<1x512xi32, #tpu.memory_space<vmem>> -> memref<512xi32, #tpu.memory_space<vmem>>
    %dma_wait3A_33 = arith.constant 0 : i32
    %dma_wait3A_34 = arith.constant 0 : i32
    %dma_wait3A_35 = tpu.memref_slice %arg3[%dma_wait3A, %dma_wait3A_33, %dma_wait3A_34] : memref<26x100000x32xf32, #tpu.memory_space<hbm>> -> memref<1x100000x32xf32, #tpu.memory_space<hbm>>
    %dma_wait3A_36 = tpu.memref_squeeze %dma_wait3A_35 : memref<1x100000x32xf32, #tpu.memory_space<hbm>> -> memref<100000x32xf32, #tpu.memory_space<hbm>>
    %dma_wait3A_37 = arith.constant 0 : i32
    %dma_wait3A_38 = arith.constant 0 : i32
    %dma_wait3A_39 = tpu.memref_slice %dma_wait3A_36[%dma_wait3A_37, %dma_wait3A_38] : memref<100000x32xf32, #tpu.memory_space<hbm>> -> memref<100000x32xf32, #tpu.memory_space<hbm>>
    tpu.wait_indirect_dma semaphore(%arg8 : memref<!tpu.dma_semaphore, #tpu.memory_space<semaphore_mem>>) src(%dma_wait3A_39 : memref<100000x32xf32, #tpu.memory_space<hbm>>) dst(%dma_wait3A_29 : memref<512x32xf32, #tpu.memory_space<vmem>>)
    %add3A_40 = arith.constant 0 : i32
    %add3A_41 = arith.addi %add3A_40, %mul3A_2 : i32
    %dma_start3A_42 = arith.constant 0 : i32
    %dma_start3A_43 = arith.constant 0 : i32
    %dma_start3A_44 = arith.constant 0 : i32
    %dma_start3A_45 = tpu.memref_slice %arg7[%dma_start3A_42, %dma_start3A_43, %dma_start3A_44] : memref<2x512x32xf32, #tpu.memory_space<vmem>> -> memref<1x512x32xf32, #tpu.memory_space<vmem>>
    %dma_start3A_46 = tpu.memref_squeeze %dma_start3A_45 : memref<1x512x32xf32, #tpu.memory_space<vmem>> -> memref<512x32xf32, #tpu.memory_space<vmem>>
    %dma_start3A_47 = arith.constant 0 : i32
    %dma_start3A_48 = tpu.memref_slice %arg4[%add3A_41, %dma_start3A_47] : memref<425984x128xf32, #tpu.memory_space<hbm>> -> memref<512x32xf32, #tpu.memory_space<hbm>>
    %dma_start3A_49 = arith.constant 0 : i32
    %dma_start3A_50 = tpu.memref_slice %arg4[%add3A_41, %dma_start3A_49] : memref<425984x128xf32, #tpu.memory_space<hbm>> -> memref<512x32xf32, #tpu.memory_space<hbm>>
    %dma_start3A_51 = arith.constant 0 : i32
    %dma_start3A_52 = arith.constant 0 : i32
    %dma_start3A_53 = tpu.memref_slice %arg7[%dma_start3A_42, %dma_start3A_51, %dma_start3A_52] : memref<2x512x32xf32, #tpu.memory_space<vmem>> -> memref<1x512x32xf32, #tpu.memory_space<vmem>>
    %dma_start3A_54 = tpu.memref_squeeze %dma_start3A_53 : memref<1x512x32xf32, #tpu.memory_space<vmem>> -> memref<512x32xf32, #tpu.memory_space<vmem>>
    tpu.enqueue_dma source(%dma_start3A_54 : memref<512x32xf32, #tpu.memory_space<vmem>>) target(%dma_start3A_50 : memref<512x32xf32, #tpu.memory_space<hbm>>) target_semaphore(%arg10 : memref<!tpu.dma_semaphore, #tpu.memory_space<semaphore_mem>>)
    %dma_start3A_55 = arith.constant 1 : i32
    %dma_start3A_56 = arith.constant 1 : i32
    %dma_start3A_57 = arith.constant 1 : i32
    %dma_start3A_58 = arith.constant 0 : i32
    %dma_start3A_59 = arith.constant 0 : i32
    %dma_start3A_60 = tpu.memref_slice %arg7[%dma_start3A_57, %dma_start3A_58, %dma_start3A_59] : memref<2x512x32xf32, #tpu.memory_space<vmem>> -> memref<1x512x32xf32, #tpu.memory_space<vmem>>
    %dma_start3A_61 = tpu.memref_squeeze %dma_start3A_60 : memref<1x512x32xf32, #tpu.memory_space<vmem>> -> memref<512x32xf32, #tpu.memory_space<vmem>>
    %dma_start3A_62 = arith.constant 0 : i32
    %dma_start3A_63 = tpu.memref_slice %arg6[%dma_start3A_56, %dma_start3A_62] : memref<26x512xi32, #tpu.memory_space<vmem>> -> memref<1x512xi32, #tpu.memory_space<vmem>>
    %dma_start3A_64 = tpu.memref_squeeze %dma_start3A_63 : memref<1x512xi32, #tpu.memory_space<vmem>> -> memref<512xi32, #tpu.memory_space<vmem>>
    %dma_start3A_65 = arith.constant 0 : i32
    %dma_start3A_66 = arith.constant 0 : i32
    %dma_start3A_67 = tpu.memref_slice %arg3[%dma_start3A_55, %dma_start3A_65, %dma_start3A_66] : memref<26x100000x32xf32, #tpu.memory_space<hbm>> -> memref<1x100000x32xf32, #tpu.memory_space<hbm>>
    %dma_start3A_68 = tpu.memref_squeeze %dma_start3A_67 : memref<1x100000x32xf32, #tpu.memory_space<hbm>> -> memref<100000x32xf32, #tpu.memory_space<hbm>>
    %dma_start3A_69 = arith.constant 0 : i32
    %dma_start3A_70 = arith.constant 0 : i32
    %dma_start3A_71 = tpu.memref_slice %dma_start3A_68[%dma_start3A_69, %dma_start3A_70] : memref<100000x32xf32, #tpu.memory_space<hbm>> -> memref<100000x32xf32, #tpu.memory_space<hbm>>
    tpu.enqueue_indirect_dma source(%dma_start3A_71 : memref<100000x32xf32, #tpu.memory_space<hbm>>) target(%dma_start3A_61 : memref<512x32xf32, #tpu.memory_space<vmem>>) offsets(%dma_start3A_64 : memref<512xi32, #tpu.memory_space<vmem>>) semaphore(%arg9 : memref<!tpu.dma_semaphore, #tpu.memory_space<semaphore_mem>>)
    %dma_wait3A_72 = arith.constant 1 : i32
    %dma_wait3A_73 = arith.constant 1 : i32
    %dma_wait3A_74 = arith.constant 1 : i32
    %dma_wait3A_75 = arith.constant 0 : i32
    %dma_wait3A_76 = arith.constant 0 : i32
    %dma_wait3A_77 = tpu.memref_slice %arg7[%dma_wait3A_74, %dma_wait3A_75, %dma_wait3A_76] : memref<2x512x32xf32, #tpu.memory_space<vmem>> -> memref<1x512x32xf32, #tpu.memory_space<vmem>>
    %dma_wait3A_78 = tpu.memref_squeeze %dma_wait3A_77 : memref<1x512x32xf32, #tpu.memory_space<vmem>> -> memref<512x32xf32, #tpu.memory_space<vmem>>
    %dma_wait3A_79 = arith.constant 0 : i32
    %dma_wait3A_80 = tpu.memref_slice %arg6[%dma_wait3A_73, %dma_wait3A_79] : memref<26x512xi32, #tpu.memory_space<vmem>> -> memref<1x512xi32, #tpu.memory_space<vmem>>
    %dma_wait3A_81 = tpu.memref_squeeze %dma_wait3A_80 : memref<1x512xi32, #tpu.memory_space<vmem>> -> memref<512xi32, #tpu.memory_space<vmem>>
    %dma_wait3A_82 = arith.constant 0 : i32
    %dma_wait3A_83 = arith.constant 0 : i32
    %dma_wait3A_84 = tpu.memref_slice %arg3[%dma_wait3A_72, %dma_wait3A_82, %dma_wait3A_83] : memref<26x100000x32xf32, #tpu.memory_space<hbm>> -> memref<1x100000x32xf32, #tpu.memory_space<hbm>>
    %dma_wait3A_85 = tpu.memref_squeeze %dma_wait3A_84 : memref<1x100000x32xf32, #tpu.memory_space<hbm>> -> memref<100000x32xf32, #tpu.memory_space<hbm>>
    %dma_wait3A_86 = arith.constant 0 : i32
    %dma_wait3A_87 = arith.constant 0 : i32
    %dma_wait3A_88 = tpu.memref_slice %dma_wait3A_85[%dma_wait3A_86, %dma_wait3A_87] : memref<100000x32xf32, #tpu.memory_space<hbm>> -> memref<100000x32xf32, #tpu.memory_space<hbm>>
    tpu.wait_indirect_dma semaphore(%arg9 : memref<!tpu.dma_semaphore, #tpu.memory_space<semaphore_mem>>) src(%dma_wait3A_88 : memref<100000x32xf32, #tpu.memory_space<hbm>>) dst(%dma_wait3A_78 : memref<512x32xf32, #tpu.memory_space<vmem>>)
    %add3A_89 = arith.constant 16384 : i32
    %add3A_90 = arith.addi %add3A_89, %mul3A_2 : i32
    %dma_start3A_91 = arith.constant 1 : i32
    %dma_start3A_92 = arith.constant 0 : i32
    %dma_start3A_93 = arith.constant 0 : i32
    %dma_start3A_94 = tpu.memref_slice %arg7[%dma_start3A_91, %dma_start3A_92, %dma_start3A_93] : memref<2x512x32xf32, #tpu.memory_space<vmem>> -> memref<1x512x32xf32, #tpu.memory_space<vmem>>
    %dma_start3A_95 = tpu.memref_squeeze %dma_start3A_94 : memref<1x512x32xf32, #tpu.memory_space<vmem>> -> memref<512x32xf32, #tpu.memory_space<vmem>>
    %dma_start3A_96 = arith.constant 0 : i32
    %dma_start3A_97 = tpu.memref_slice %arg4[%add3A_90, %dma_start3A_96] : memref<425984x128xf32, #tpu.memory_space<hbm>> -> memref<512x32xf32, #tpu.memory_space<hbm>>
    %dma_start3A_98 = arith.constant 0 : i32
    %dma_start3A_99 = tpu.memref_slice %arg4[%add3A_90, %dma_start3A_98] : memref<425984x128xf32, #tpu.memory_space<hbm>> -> memref<512x32xf32, #tpu.memory_space<hbm>>
    %dma_start3A_100 = arith.constant 0 : i32
    %dma_start3A_101 = arith.constant 0 : i32
    %dma_start3A_102 = tpu.memref_slice %arg7[%dma_start3A_91, %dma_start3A_100, %dma_start3A_101] : memref<2x512x32xf32, #tpu.memory_space<vmem>> -> memref<1x512x32xf32, #tpu.memory_space<vmem>>
    %dma_start3A_103 = tpu.memref_squeeze %dma_start3A_102 : memref<1x512x32xf32, #tpu.memory_space<vmem>> -> memref<512x32xf32, #tpu.memory_space<vmem>>
    tpu.enqueue_dma source(%dma_start3A_103 : memref<512x32xf32, #tpu.memory_space<vmem>>) target(%dma_start3A_99 : memref<512x32xf32, #tpu.memory_space<hbm>>) target_semaphore(%arg11 : memref<!tpu.dma_semaphore, #tpu.memory_space<semaphore_mem>>)
    %dma_wait3A_104 = arith.constant 0 : i32
    %dma_wait3A_105 = arith.constant 0 : i32
    %dma_wait3A_106 = arith.constant 0 : i32
    %dma_wait3A_107 = tpu.memref_slice %arg7[%dma_wait3A_104, %dma_wait3A_105, %dma_wait3A_106] : memref<2x512x32xf32, #tpu.memory_space<vmem>> -> memref<1x512x32xf32, #tpu.memory_space<vmem>>
    %dma_wait3A_108 = tpu.memref_squeeze %dma_wait3A_107 : memref<1x512x32xf32, #tpu.memory_space<vmem>> -> memref<512x32xf32, #tpu.memory_space<vmem>>
    %dma_wait3A_109 = arith.constant 0 : i32
    %dma_wait3A_110 = tpu.memref_slice %arg4[%add3A_41, %dma_wait3A_109] : memref<425984x128xf32, #tpu.memory_space<hbm>> -> memref<512x32xf32, #tpu.memory_space<hbm>>
    %dma_wait3A_111 = arith.constant 0 : i32
    %dma_wait3A_112 = tpu.memref_slice %arg4[%add3A_41, %dma_wait3A_111] : memref<425984x128xf32, #tpu.memory_space<hbm>> -> memref<512x32xf32, #tpu.memory_space<hbm>>
    %dma_wait3A_113 = arith.constant 0 : i32
    %dma_wait3A_114 = arith.constant 0 : i32
    %dma_wait3A_115 = tpu.memref_slice %arg7[%dma_wait3A_104, %dma_wait3A_113, %dma_wait3A_114] : memref<2x512x32xf32, #tpu.memory_space<vmem>> -> memref<1x512x32xf32, #tpu.memory_space<vmem>>
    %dma_wait3A_116 = tpu.memref_squeeze %dma_wait3A_115 : memref<1x512x32xf32, #tpu.memory_space<vmem>> -> memref<512x32xf32, #tpu.memory_space<vmem>>
    tpu.wait_dma2 semaphore(%arg10 : memref<!tpu.dma_semaphore, #tpu.memory_space<semaphore_mem>>) src(%dma_wait3A_116 : memref<512x32xf32, #tpu.memory_space<vmem>>) dst(%dma_wait3A_112 : memref<512x32xf32, #tpu.memory_space<hbm>>)
    %dma_start3A_117 = arith.constant 2 : i32
    %dma_start3A_118 = arith.constant 2 : i32
    %dma_start3A_119 = arith.constant 0 : i32
    %dma_start3A_120 = arith.constant 0 : i32
    %dma_start3A_121 = arith.constant 0 : i32
    %dma_start3A_122 = tpu.memref_slice %arg7[%dma_start3A_119, %dma_start3A_120, %dma_start3A_121] : memref<2x512x32xf32, #tpu.memory_space<vmem>> -> memref<1x512x32xf32, #tpu.memory_space<vmem>>
    %dma_start3A_123 = tpu.memref_squeeze %dma_start3A_122 : memref<1x512x32xf32, #tpu.memory_space<vmem>> -> memref<512x32xf32, #tpu.memory_space<vmem>>
    %dma_start3A_124 = arith.constant 0 : i32
    %dma_start3A_125 = tpu.memref_slice %arg6[%dma_start3A_118, %dma_start3A_124] : memref<26x512xi32, #tpu.memory_space<vmem>> -> memref<1x512xi32, #tpu.memory_space<vmem>>
    %dma_start3A_126 = tpu.memref_squeeze %dma_start3A_125 : memref<1x512xi32, #tpu.memory_space<vmem>> -> memref<512xi32, #tpu.memory_space<vmem>>
    %dma_start3A_127 = arith.constant 0 : i32
    %dma_start3A_128 = arith.constant 0 : i32
    %dma_start3A_129 = tpu.memref_slice %arg3[%dma_start3A_117, %dma_start3A_127, %dma_start3A_128] : memref<26x100000x32xf32, #tpu.memory_space<hbm>> -> memref<1x100000x32xf32, #tpu.memory_space<hbm>>
    %dma_start3A_130 = tpu.memref_squeeze %dma_start3A_129 : memref<1x100000x32xf32, #tpu.memory_space<hbm>> -> memref<100000x32xf32, #tpu.memory_space<hbm>>
    %dma_start3A_131 = arith.constant 0 : i32
    %dma_start3A_132 = arith.constant 0 : i32
    %dma_start3A_133 = tpu.memref_slice %dma_start3A_130[%dma_start3A_131, %dma_start3A_132] : memref<100000x32xf32, #tpu.memory_space<hbm>> -> memref<100000x32xf32, #tpu.memory_space<hbm>>
    tpu.enqueue_indirect_dma source(%dma_start3A_133 : memref<100000x32xf32, #tpu.memory_space<hbm>>) target(%dma_start3A_123 : memref<512x32xf32, #tpu.memory_space<vmem>>) offsets(%dma_start3A_126 : memref<512xi32, #tpu.memory_space<vmem>>) semaphore(%arg8 : memref<!tpu.dma_semaphore, #tpu.memory_space<semaphore_mem>>)
    %dma_wait3A_134 = arith.constant 2 : i32
    %dma_wait3A_135 = arith.constant 2 : i32
    %dma_wait3A_136 = arith.constant 0 : i32
    %dma_wait3A_137 = arith.constant 0 : i32
    %dma_wait3A_138 = arith.constant 0 : i32
    %dma_wait3A_139 = tpu.memref_slice %arg7[%dma_wait3A_136, %dma_wait3A_137, %dma_wait3A_138] : memref<2x512x32xf32, #tpu.memory_space<vmem>> -> memref<1x512x32xf32, #tpu.memory_space<vmem>>
    %dma_wait3A_140 = tpu.memref_squeeze %dma_wait3A_139 : memref<1x512x32xf32, #tpu.memory_space<vmem>> -> memref<512x32xf32, #tpu.memory_space<vmem>>
    %dma_wait3A_141 = arith.constant 0 : i32
    %dma_wait3A_142 = tpu.memref_slice %arg6[%dma_wait3A_135, %dma_wait3A_141] : memref<26x512xi32, #tpu.memory_space<vmem>> -> memref<1x512xi32, #tpu.memory_space<vmem>>
    %dma_wait3A_143 = tpu.memref_squeeze %dma_wait3A_142 : memref<1x512xi32, #tpu.memory_space<vmem>> -> memref<512xi32, #tpu.memory_space<vmem>>
    %dma_wait3A_144 = arith.constant 0 : i32
    %dma_wait3A_145 = arith.constant 0 : i32
    %dma_wait3A_146 = tpu.memref_slice %arg3[%dma_wait3A_134, %dma_wait3A_144, %dma_wait3A_145] : memref<26x100000x32xf32, #tpu.memory_space<hbm>> -> memref<1x100000x32xf32, #tpu.memory_space<hbm>>
    %dma_wait3A_147 = tpu.memref_squeeze %dma_wait3A_146 : memref<1x100000x32xf32, #tpu.memory_space<hbm>> -> memref<100000x32xf32, #tpu.memory_space<hbm>>
    %dma_wait3A_148 = arith.constant 0 : i32
    %dma_wait3A_149 = arith.constant 0 : i32
    %dma_wait3A_150 = tpu.memref_slice %dma_wait3A_147[%dma_wait3A_148, %dma_wait3A_149] : memref<100000x32xf32, #tpu.memory_space<hbm>> -> memref<100000x32xf32, #tpu.memory_space<hbm>>
    tpu.wait_indirect_dma semaphore(%arg8 : memref<!tpu.dma_semaphore, #tpu.memory_space<semaphore_mem>>) src(%dma_wait3A_150 : memref<100000x32xf32, #tpu.memory_space<hbm>>) dst(%dma_wait3A_140 : memref<512x32xf32, #tpu.memory_space<vmem>>)
    %add3A_151 = arith.constant 32768 : i32
    %add3A_152 = arith.addi %add3A_151, %mul3A_2 : i32
    %dma_start3A_153 = arith.constant 0 : i32
    %dma_start3A_154 = arith.constant 0 : i32
    %dma_start3A_155 = arith.constant 0 : i32
    %dma_start3A_156 = tpu.memref_slice %arg7[%dma_start3A_153, %dma_start3A_154, %dma_start3A_155] : memref<2x512x32xf32, #tpu.memory_space<vmem>> -> memref<1x512x32xf32, #tpu.memory_space<vmem>>
    %dma_start3A_157 = tpu.memref_squeeze %dma_start3A_156 : memref<1x512x32xf32, #tpu.memory_space<vmem>> -> memref<512x32xf32, #tpu.memory_space<vmem>>
    %dma_start3A_158 = arith.constant 0 : i32
    %dma_start3A_159 = tpu.memref_slice %arg4[%add3A_152, %dma_start3A_158] : memref<425984x128xf32, #tpu.memory_space<hbm>> -> memref<512x32xf32, #tpu.memory_space<hbm>>
    %dma_start3A_160 = arith.constant 0 : i32
    %dma_start3A_161 = tpu.memref_slice %arg4[%add3A_152, %dma_start3A_160] : memref<425984x128xf32, #tpu.memory_space<hbm>> -> memref<512x32xf32, #tpu.memory_space<hbm>>
    %dma_start3A_162 = arith.constant 0 : i32
    %dma_start3A_163 = arith.constant 0 : i32
    %dma_start3A_164 = tpu.memref_slice %arg7[%dma_start3A_153, %dma_start3A_162, %dma_start3A_163] : memref<2x512x32xf32, #tpu.memory_space<vmem>> -> memref<1x512x32xf32, #tpu.memory_space<vmem>>
    %dma_start3A_165 = tpu.memref_squeeze %dma_start3A_164 : memref<1x512x32xf32, #tpu.memory_space<vmem>> -> memref<512x32xf32, #tpu.memory_space<vmem>>
    tpu.enqueue_dma source(%dma_start3A_165 : memref<512x32xf32, #tpu.memory_space<vmem>>) target(%dma_start3A_161 : memref<512x32xf32, #tpu.memory_space<hbm>>) target_semaphore(%arg10 : memref<!tpu.dma_semaphore, #tpu.memory_space<semaphore_mem>>)
    %dma_wait3A_166 = arith.constant 1 : i32
    %dma_wait3A_167 = arith.constant 0 : i32
    %dma_wait3A_168 = arith.constant 0 : i32
    %dma_wait3A_169 = tpu.memref_slice %arg7[%dma_wait3A_166, %dma_wait3A_167, %dma_wait3A_168] : memref<2x512x32xf32, #tpu.memory_space<vmem>> -> memref<1x512x32xf32, #tpu.memory_space<vmem>>
    %dma_wait3A_170 = tpu.memref_squeeze %dma_wait3A_169 : memref<1x512x32xf32, #tpu.memory_space<vmem>> -> memref<512x32xf32, #tpu.memory_space<vmem>>
    %dma_wait3A_171 = arith.constant 0 : i32
    %dma_wait3A_172 = tpu.memref_slice %arg4[%add3A_90, %dma_wait3A_171] : memref<425984x128xf32, #tpu.memory_space<hbm>> -> memref<512x32xf32, #tpu.memory_space<hbm>>
    %dma_wait3A_173 = arith.constant 0 : i32
    %dma_wait3A_174 = tpu.memref_slice %arg4[%add3A_90, %dma_wait3A_173] : memref<425984x128xf32, #tpu.memory_space<hbm>> -> memref<512x32xf32, #tpu.memory_space<hbm>>
    %dma_wait3A_175 = arith.constant 0 : i32
    %dma_wait3A_176 = arith.constant 0 : i32
    %dma_wait3A_177 = tpu.memref_slice %arg7[%dma_wait3A_166, %dma_wait3A_175, %dma_wait3A_176] : memref<2x512x32xf32, #tpu.memory_space<vmem>> -> memref<1x512x32xf32, #tpu.memory_space<vmem>>
    %dma_wait3A_178 = tpu.memref_squeeze %dma_wait3A_177 : memref<1x512x32xf32, #tpu.memory_space<vmem>> -> memref<512x32xf32, #tpu.memory_space<vmem>>
    tpu.wait_dma2 semaphore(%arg11 : memref<!tpu.dma_semaphore, #tpu.memory_space<semaphore_mem>>) src(%dma_wait3A_178 : memref<512x32xf32, #tpu.memory_space<vmem>>) dst(%dma_wait3A_174 : memref<512x32xf32, #tpu.memory_space<hbm>>)
    %dma_start3A_179 = arith.constant 3 : i32
    %dma_start3A_180 = arith.constant 3 : i32
    %dma_start3A_181 = arith.constant 1 : i32
    %dma_start3A_182 = arith.constant 0 : i32
    %dma_start3A_183 = arith.constant 0 : i32
    %dma_start3A_184 = tpu.memref_slice %arg7[%dma_start3A_181, %dma_start3A_182, %dma_start3A_183] : memref<2x512x32xf32, #tpu.memory_space<vmem>> -> memref<1x512x32xf32, #tpu.memory_space<vmem>>
    %dma_start3A_185 = tpu.memref_squeeze %dma_start3A_184 : memref<1x512x32xf32, #tpu.memory_space<vmem>> -> memref<512x32xf32, #tpu.memory_space<vmem>>
    %dma_start3A_186 = arith.constant 0 : i32
    %dma_start3A_187 = tpu.memref_slice %arg6[%dma_start3A_180, %dma_start3A_186] : memref<26x512xi32, #tpu.memory_space<vmem>> -> memref<1x512xi32, #tpu.memory_space<vmem>>
    %dma_start3A_188 = tpu.memref_squeeze %dma_start3A_187 : memref<1x512xi32, #tpu.memory_space<vmem>> -> memref<512xi32, #tpu.memory_space<vmem>>
    %dma_start3A_189 = arith.constant 0 : i32
    %dma_start3A_190 = arith.constant 0 : i32
    %dma_start3A_191 = tpu.memref_slice %arg3[%dma_start3A_179, %dma_start3A_189, %dma_start3A_190] : memref<26x100000x32xf32, #tpu.memory_space<hbm>> -> memref<1x100000x32xf32, #tpu.memory_space<hbm>>
    %dma_start3A_192 = tpu.memref_squeeze %dma_start3A_191 : memref<1x100000x32xf32, #tpu.memory_space<hbm>> -> memref<100000x32xf32, #tpu.memory_space<hbm>>
    %dma_start3A_193 = arith.constant 0 : i32
    %dma_start3A_194 = arith.constant 0 : i32
    %dma_start3A_195 = tpu.memref_slice %dma_start3A_192[%dma_start3A_193, %dma_start3A_194] : memref<100000x32xf32, #tpu.memory_space<hbm>> -> memref<100000x32xf32, #tpu.memory_space<hbm>>
    tpu.enqueue_indirect_dma source(%dma_start3A_195 : memref<100000x32xf32, #tpu.memory_space<hbm>>) target(%dma_start3A_185 : memref<512x32xf32, #tpu.memory_space<vmem>>) offsets(%dma_start3A_188 : memref<512xi32, #tpu.memory_space<vmem>>) semaphore(%arg9 : memref<!tpu.dma_semaphore, #tpu.memory_space<semaphore_mem>>)
    %dma_wait3A_196 = arith.constant 3 : i32
    %dma_wait3A_197 = arith.constant 3 : i32
    %dma_wait3A_198 = arith.constant 1 : i32
    %dma_wait3A_199 = arith.constant 0 : i32
    %dma_wait3A_200 = arith.constant 0 : i32
    %dma_wait3A_201 = tpu.memref_slice %arg7[%dma_wait3A_198, %dma_wait3A_199, %dma_wait3A_200] : memref<2x512x32xf32, #tpu.memory_space<vmem>> -> memref<1x512x32xf32, #tpu.memory_space<vmem>>
    %dma_wait3A_202 = tpu.memref_squeeze %dma_wait3A_201 : memref<1x512x32xf32, #tpu.memory_space<vmem>> -> memref<512x32xf32, #tpu.memory_space<vmem>>
    %dma_wait3A_203 = arith.constant 0 : i32
    %dma_wait3A_204 = tpu.memref_slice %arg6[%dma_wait3A_197, %dma_wait3A_203] : memref<26x512xi32, #tpu.memory_space<vmem>> -> memref<1x512xi32, #tpu.memory_space<vmem>>
    %dma_wait3A_205 = tpu.memref_squeeze %dma_wait3A_204 : memref<1x512xi32, #tpu.memory_space<vmem>> -> memref<512xi32, #tpu.memory_space<vmem>>
    %dma_wait3A_206 = arith.constant 0 : i32
    %dma_wait3A_207 = arith.constant 0 : i32
    %dma_wait3A_208 = tpu.memref_slice %arg3[%dma_wait3A_196, %dma_wait3A_206, %dma_wait3A_207] : memref<26x100000x32xf32, #tpu.memory_space<hbm>> -> memref<1x100000x32xf32, #tpu.memory_space<hbm>>
    %dma_wait3A_209 = tpu.memref_squeeze %dma_wait3A_208 : memref<1x100000x32xf32, #tpu.memory_space<hbm>> -> memref<100000x32xf32, #tpu.memory_space<hbm>>
    %dma_wait3A_210 = arith.constant 0 : i32
    %dma_wait3A_211 = arith.constant 0 : i32
    %dma_wait3A_212 = tpu.memref_slice %dma_wait3A_209[%dma_wait3A_210, %dma_wait3A_211] : memref<100000x32xf32, #tpu.memory_space<hbm>> -> memref<100000x32xf32, #tpu.memory_space<hbm>>
    tpu.wait_indirect_dma semaphore(%arg9 : memref<!tpu.dma_semaphore, #tpu.memory_space<semaphore_mem>>) src(%dma_wait3A_212 : memref<100000x32xf32, #tpu.memory_space<hbm>>) dst(%dma_wait3A_202 : memref<512x32xf32, #tpu.memory_space<vmem>>)
    %add3A_213 = arith.constant 49152 : i32
    %add3A_214 = arith.addi %add3A_213, %mul3A_2 : i32
    %dma_start3A_215 = arith.constant 1 : i32
    %dma_start3A_216 = arith.constant 0 : i32
    %dma_start3A_217 = arith.constant 0 : i32
    %dma_start3A_218 = tpu.memref_slice %arg7[%dma_start3A_215, %dma_start3A_216, %dma_start3A_217] : memref<2x512x32xf32, #tpu.memory_space<vmem>> -> memref<1x512x32xf32, #tpu.memory_space<vmem>>
    %dma_start3A_219 = tpu.memref_squeeze %dma_start3A_218 : memref<1x512x32xf32, #tpu.memory_space<vmem>> -> memref<512x32xf32, #tpu.memory_space<vmem>>
    %dma_start3A_220 = arith.constant 0 : i32
    %dma_start3A_221 = tpu.memref_slice %arg4[%add3A_214, %dma_start3A_220] : memref<425984x128xf32, #tpu.memory_space<hbm>> -> memref<512x32xf32, #tpu.memory_space<hbm>>
    %dma_start3A_222 = arith.constant 0 : i32
    %dma_start3A_223 = tpu.memref_slice %arg4[%add3A_214, %dma_start3A_222] : memref<425984x128xf32, #tpu.memory_space<hbm>> -> memref<512x32xf32, #tpu.memory_space<hbm>>
    %dma_start3A_224 = arith.constant 0 : i32
    %dma_start3A_225 = arith.constant 0 : i32
    %dma_start3A_226 = tpu.memref_slice %arg7[%dma_start3A_215, %dma_start3A_224, %dma_start3A_225] : memref<2x512x32xf32, #tpu.memory_space<vmem>> -> memref<1x512x32xf32, #tpu.memory_space<vmem>>
    %dma_start3A_227 = tpu.memref_squeeze %dma_start3A_226 : memref<1x512x32xf32, #tpu.memory_space<vmem>> -> memref<512x32xf32, #tpu.memory_space<vmem>>
    tpu.enqueue_dma source(%dma_start3A_227 : memref<512x32xf32, #tpu.memory_space<vmem>>) target(%dma_start3A_223 : memref<512x32xf32, #tpu.memory_space<hbm>>) target_semaphore(%arg11 : memref<!tpu.dma_semaphore, #tpu.memory_space<semaphore_mem>>)
    %dma_wait3A_228 = arith.constant 0 : i32
    %dma_wait3A_229 = arith.constant 0 : i32
    %dma_wait3A_230 = arith.constant 0 : i32
    %dma_wait3A_231 = tpu.memref_slice %arg7[%dma_wait3A_228, %dma_wait3A_229, %dma_wait3A_230] : memref<2x512x32xf32, #tpu.memory_space<vmem>> -> memref<1x512x32xf32, #tpu.memory_space<vmem>>
    %dma_wait3A_232 = tpu.memref_squeeze %dma_wait3A_231 : memref<1x512x32xf32, #tpu.memory_space<vmem>> -> memref<512x32xf32, #tpu.memory_space<vmem>>
    %dma_wait3A_233 = arith.constant 0 : i32
    %dma_wait3A_234 = tpu.memref_slice %arg4[%add3A_152, %dma_wait3A_233] : memref<425984x128xf32, #tpu.memory_space<hbm>> -> memref<512x32xf32, #tpu.memory_space<hbm>>
    %dma_wait3A_235 = arith.constant 0 : i32
    %dma_wait3A_236 = tpu.memref_slice %arg4[%add3A_152, %dma_wait3A_235] : memref<425984x128xf32, #tpu.memory_space<hbm>> -> memref<512x32xf32, #tpu.memory_space<hbm>>
    %dma_wait3A_237 = arith.constant 0 : i32
    %dma_wait3A_238 = arith.constant 0 : i32
    %dma_wait3A_239 = tpu.memref_slice %arg7[%dma_wait3A_228, %dma_wait3A_237, %dma_wait3A_238] : memref<2x512x32xf32, #tpu.memory_space<vmem>> -> memref<1x512x32xf32, #tpu.memory_space<vmem>>
    %dma_wait3A_240 = tpu.memref_squeeze %dma_wait3A_239 : memref<1x512x32xf32, #tpu.memory_space<vmem>> -> memref<512x32xf32, #tpu.memory_space<vmem>>
    tpu.wait_dma2 semaphore(%arg10 : memref<!tpu.dma_semaphore, #tpu.memory_space<semaphore_mem>>) src(%dma_wait3A_240 : memref<512x32xf32, #tpu.memory_space<vmem>>) dst(%dma_wait3A_236 : memref<512x32xf32, #tpu.memory_space<hbm>>)
    %dma_start3A_241 = arith.constant 4 : i32
    %dma_start3A_242 = arith.constant 4 : i32
    %dma_start3A_243 = arith.constant 0 : i32
    %dma_start3A_244 = arith.constant 0 : i32
    %dma_start3A_245 = arith.constant 0 : i32
    %dma_start3A_246 = tpu.memref_slice %arg7[%dma_start3A_243, %dma_start3A_244, %dma_start3A_245] : memref<2x512x32xf32, #tpu.memory_space<vmem>> -> memref<1x512x32xf32, #tpu.memory_space<vmem>>
    %dma_start3A_247 = tpu.memref_squeeze %dma_start3A_246 : memref<1x512x32xf32, #tpu.memory_space<vmem>> -> memref<512x32xf32, #tpu.memory_space<vmem>>
    %dma_start3A_248 = arith.constant 0 : i32
    %dma_start3A_249 = tpu.memref_slice %arg6[%dma_start3A_242, %dma_start3A_248] : memref<26x512xi32, #tpu.memory_space<vmem>> -> memref<1x512xi32, #tpu.memory_space<vmem>>
    %dma_start3A_250 = tpu.memref_squeeze %dma_start3A_249 : memref<1x512xi32, #tpu.memory_space<vmem>> -> memref<512xi32, #tpu.memory_space<vmem>>
    %dma_start3A_251 = arith.constant 0 : i32
    %dma_start3A_252 = arith.constant 0 : i32
    %dma_start3A_253 = tpu.memref_slice %arg3[%dma_start3A_241, %dma_start3A_251, %dma_start3A_252] : memref<26x100000x32xf32, #tpu.memory_space<hbm>> -> memref<1x100000x32xf32, #tpu.memory_space<hbm>>
    %dma_start3A_254 = tpu.memref_squeeze %dma_start3A_253 : memref<1x100000x32xf32, #tpu.memory_space<hbm>> -> memref<100000x32xf32, #tpu.memory_space<hbm>>
    %dma_start3A_255 = arith.constant 0 : i32
    %dma_start3A_256 = arith.constant 0 : i32
    %dma_start3A_257 = tpu.memref_slice %dma_start3A_254[%dma_start3A_255, %dma_start3A_256] : memref<100000x32xf32, #tpu.memory_space<hbm>> -> memref<100000x32xf32, #tpu.memory_space<hbm>>
    tpu.enqueue_indirect_dma source(%dma_start3A_257 : memref<100000x32xf32, #tpu.memory_space<hbm>>) target(%dma_start3A_247 : memref<512x32xf32, #tpu.memory_space<vmem>>) offsets(%dma_start3A_250 : memref<512xi32, #tpu.memory_space<vmem>>) semaphore(%arg8 : memref<!tpu.dma_semaphore, #tpu.memory_space<semaphore_mem>>)
    %dma_wait3A_258 = arith.constant 4 : i32
    %dma_wait3A_259 = arith.constant 4 : i32
    %dma_wait3A_260 = arith.constant 0 : i32
    %dma_wait3A_261 = arith.constant 0 : i32
    %dma_wait3A_262 = arith.constant 0 : i32
    %dma_wait3A_263 = tpu.memref_slice %arg7[%dma_wait3A_260, %dma_wait3A_261, %dma_wait3A_262] : memref<2x512x32xf32, #tpu.memory_space<vmem>> -> memref<1x512x32xf32, #tpu.memory_space<vmem>>
    %dma_wait3A_264 = tpu.memref_squeeze %dma_wait3A_263 : memref<1x512x32xf32, #tpu.memory_space<vmem>> -> memref<512x32xf32, #tpu.memory_space<vmem>>
    %dma_wait3A_265 = arith.constant 0 : i32
    %dma_wait3A_266 = tpu.memref_slice %arg6[%dma_wait3A_259, %dma_wait3A_265] : memref<26x512xi32, #tpu.memory_space<vmem>> -> memref<1x512xi32, #tpu.memory_space<vmem>>
    %dma_wait3A_267 = tpu.memref_squeeze %dma_wait3A_266 : memref<1x512xi32, #tpu.memory_space<vmem>> -> memref<512xi32, #tpu.memory_space<vmem>>
    %dma_wait3A_268 = arith.constant 0 : i32
    %dma_wait3A_269 = arith.constant 0 : i32
    %dma_wait3A_270 = tpu.memref_slice %arg3[%dma_wait3A_258, %dma_wait3A_268, %dma_wait3A_269] : memref<26x100000x32xf32, #tpu.memory_space<hbm>> -> memref<1x100000x32xf32, #tpu.memory_space<hbm>>
    %dma_wait3A_271 = tpu.memref_squeeze %dma_wait3A_270 : memref<1x100000x32xf32, #tpu.memory_space<hbm>> -> memref<100000x32xf32, #tpu.memory_space<hbm>>
    %dma_wait3A_272 = arith.constant 0 : i32
    %dma_wait3A_273 = arith.constant 0 : i32
    %dma_wait3A_274 = tpu.memref_slice %dma_wait3A_271[%dma_wait3A_272, %dma_wait3A_273] : memref<100000x32xf32, #tpu.memory_space<hbm>> -> memref<100000x32xf32, #tpu.memory_space<hbm>>
    tpu.wait_indirect_dma semaphore(%arg8 : memref<!tpu.dma_semaphore, #tpu.memory_space<semaphore_mem>>) src(%dma_wait3A_274 : memref<100000x32xf32, #tpu.memory_space<hbm>>) dst(%dma_wait3A_264 : memref<512x32xf32, #tpu.memory_space<vmem>>)
    %add3A_275 = arith.constant 65536 : i32
    %add3A_276 = arith.addi %add3A_275, %mul3A_2 : i32
    %dma_start3A_277 = arith.constant 0 : i32
    %dma_start3A_278 = arith.constant 0 : i32
    %dma_start3A_279 = arith.constant 0 : i32
    %dma_start3A_280 = tpu.memref_slice %arg7[%dma_start3A_277, %dma_start3A_278, %dma_start3A_279] : memref<2x512x32xf32, #tpu.memory_space<vmem>> -> memref<1x512x32xf32, #tpu.memory_space<vmem>>
    %dma_start3A_281 = tpu.memref_squeeze %dma_start3A_280 : memref<1x512x32xf32, #tpu.memory_space<vmem>> -> memref<512x32xf32, #tpu.memory_space<vmem>>
    %dma_start3A_282 = arith.constant 0 : i32
    %dma_start3A_283 = tpu.memref_slice %arg4[%add3A_276, %dma_start3A_282] : memref<425984x128xf32, #tpu.memory_space<hbm>> -> memref<512x32xf32, #tpu.memory_space<hbm>>
    %dma_start3A_284 = arith.constant 0 : i32
    %dma_start3A_285 = tpu.memref_slice %arg4[%add3A_276, %dma_start3A_284] : memref<425984x128xf32, #tpu.memory_space<hbm>> -> memref<512x32xf32, #tpu.memory_space<hbm>>
    %dma_start3A_286 = arith.constant 0 : i32
    %dma_start3A_287 = arith.constant 0 : i32
    %dma_start3A_288 = tpu.memref_slice %arg7[%dma_start3A_277, %dma_start3A_286, %dma_start3A_287] : memref<2x512x32xf32, #tpu.memory_space<vmem>> -> memref<1x512x32xf32, #tpu.memory_space<vmem>>
    %dma_start3A_289 = tpu.memref_squeeze %dma_start3A_288 : memref<1x512x32xf32, #tpu.memory_space<vmem>> -> memref<512x32xf32, #tpu.memory_space<vmem>>
    tpu.enqueue_dma source(%dma_start3A_289 : memref<512x32xf32, #tpu.memory_space<vmem>>) target(%dma_start3A_285 : memref<512x32xf32, #tpu.memory_space<hbm>>) target_semaphore(%arg10 : memref<!tpu.dma_semaphore, #tpu.memory_space<semaphore_mem>>)
    %dma_wait3A_290 = arith.constant 1 : i32
    %dma_wait3A_291 = arith.constant 0 : i32
    %dma_wait3A_292 = arith.constant 0 : i32
    %dma_wait3A_293 = tpu.memref_slice %arg7[%dma_wait3A_290, %dma_wait3A_291, %dma_wait3A_292] : memref<2x512x32xf32, #tpu.memory_space<vmem>> -> memref<1x512x32xf32, #tpu.memory_space<vmem>>
    %dma_wait3A_294 = tpu.memref_squeeze %dma_wait3A_293 : memref<1x512x32xf32, #tpu.memory_space<vmem>> -> memref<512x32xf32, #tpu.memory_space<vmem>>
    %dma_wait3A_295 = arith.constant 0 : i32
    %dma_wait3A_296 = tpu.memref_slice %arg4[%add3A_214, %dma_wait3A_295] : memref<425984x128xf32, #tpu.memory_space<hbm>> -> memref<512x32xf32, #tpu.memory_space<hbm>>
    %dma_wait3A_297 = arith.constant 0 : i32
    %dma_wait3A_298 = tpu.memref_slice %arg4[%add3A_214, %dma_wait3A_297] : memref<425984x128xf32, #tpu.memory_space<hbm>> -> memref<512x32xf32, #tpu.memory_space<hbm>>
    %dma_wait3A_299 = arith.constant 0 : i32
    %dma_wait3A_300 = arith.constant 0 : i32
    %dma_wait3A_301 = tpu.memref_slice %arg7[%dma_wait3A_290, %dma_wait3A_299, %dma_wait3A_300] : memref<2x512x32xf32, #tpu.memory_space<vmem>> -> memref<1x512x32xf32, #tpu.memory_space<vmem>>
    %dma_wait3A_302 = tpu.memref_squeeze %dma_wait3A_301 : memref<1x512x32xf32, #tpu.memory_space<vmem>> -> memref<512x32xf32, #tpu.memory_space<vmem>>
    tpu.wait_dma2 semaphore(%arg11 : memref<!tpu.dma_semaphore, #tpu.memory_space<semaphore_mem>>) src(%dma_wait3A_302 : memref<512x32xf32, #tpu.memory_space<vmem>>) dst(%dma_wait3A_298 : memref<512x32xf32, #tpu.memory_space<hbm>>)
    %dma_start3A_303 = arith.constant 5 : i32
    %dma_start3A_304 = arith.constant 5 : i32
    %dma_start3A_305 = arith.constant 1 : i32
    %dma_start3A_306 = arith.constant 0 : i32
    %dma_start3A_307 = arith.constant 0 : i32
    %dma_start3A_308 = tpu.memref_slice %arg7[%dma_start3A_305, %dma_start3A_306, %dma_start3A_307] : memref<2x512x32xf32, #tpu.memory_space<vmem>> -> memref<1x512x32xf32, #tpu.memory_space<vmem>>
    %dma_start3A_309 = tpu.memref_squeeze %dma_start3A_308 : memref<1x512x32xf32, #tpu.memory_space<vmem>> -> memref<512x32xf32, #tpu.memory_space<vmem>>
    %dma_start3A_310 = arith.constant 0 : i32
    %dma_start3A_311 = tpu.memref_slice %arg6[%dma_start3A_304, %dma_start3A_310] : memref<26x512xi32, #tpu.memory_space<vmem>> -> memref<1x512xi32, #tpu.memory_space<vmem>>
    %dma_start3A_312 = tpu.memref_squeeze %dma_start3A_311 : memref<1x512xi32, #tpu.memory_space<vmem>> -> memref<512xi32, #tpu.memory_space<vmem>>
    %dma_start3A_313 = arith.constant 0 : i32
    %dma_start3A_314 = arith.constant 0 : i32
    %dma_start3A_315 = tpu.memref_slice %arg3[%dma_start3A_303, %dma_start3A_313, %dma_start3A_314] : memref<26x100000x32xf32, #tpu.memory_space<hbm>> -> memref<1x100000x32xf32, #tpu.memory_space<hbm>>
    %dma_start3A_316 = tpu.memref_squeeze %dma_start3A_315 : memref<1x100000x32xf32, #tpu.memory_space<hbm>> -> memref<100000x32xf32, #tpu.memory_space<hbm>>
    %dma_start3A_317 = arith.constant 0 : i32
    %dma_start3A_318 = arith.constant 0 : i32
    %dma_start3A_319 = tpu.memref_slice %dma_start3A_316[%dma_start3A_317, %dma_start3A_318] : memref<100000x32xf32, #tpu.memory_space<hbm>> -> memref<100000x32xf32, #tpu.memory_space<hbm>>
    tpu.enqueue_indirect_dma source(%dma_start3A_319 : memref<100000x32xf32, #tpu.memory_space<hbm>>) target(%dma_start3A_309 : memref<512x32xf32, #tpu.memory_space<vmem>>) offsets(%dma_start3A_312 : memref<512xi32, #tpu.memory_space<vmem>>) semaphore(%arg9 : memref<!tpu.dma_semaphore, #tpu.memory_space<semaphore_mem>>)
    %dma_wait3A_320 = arith.constant 5 : i32
    %dma_wait3A_321 = arith.constant 5 : i32
    %dma_wait3A_322 = arith.constant 1 : i32
    %dma_wait3A_323 = arith.constant 0 : i32
    %dma_wait3A_324 = arith.constant 0 : i32
    %dma_wait3A_325 = tpu.memref_slice %arg7[%dma_wait3A_322, %dma_wait3A_323, %dma_wait3A_324] : memref<2x512x32xf32, #tpu.memory_space<vmem>> -> memref<1x512x32xf32, #tpu.memory_space<vmem>>
    %dma_wait3A_326 = tpu.memref_squeeze %dma_wait3A_325 : memref<1x512x32xf32, #tpu.memory_space<vmem>> -> memref<512x32xf32, #tpu.memory_space<vmem>>
    %dma_wait3A_327 = arith.constant 0 : i32
    %dma_wait3A_328 = tpu.memref_slice %arg6[%dma_wait3A_321, %dma_wait3A_327] : memref<26x512xi32, #tpu.memory_space<vmem>> -> memref<1x512xi32, #tpu.memory_space<vmem>>
    %dma_wait3A_329 = tpu.memref_squeeze %dma_wait3A_328 : memref<1x512xi32, #tpu.memory_space<vmem>> -> memref<512xi32, #tpu.memory_space<vmem>>
    %dma_wait3A_330 = arith.constant 0 : i32
    %dma_wait3A_331 = arith.constant 0 : i32
    %dma_wait3A_332 = tpu.memref_slice %arg3[%dma_wait3A_320, %dma_wait3A_330, %dma_wait3A_331] : memref<26x100000x32xf32, #tpu.memory_space<hbm>> -> memref<1x100000x32xf32, #tpu.memory_space<hbm>>
    %dma_wait3A_333 = tpu.memref_squeeze %dma_wait3A_332 : memref<1x100000x32xf32, #tpu.memory_space<hbm>> -> memref<100000x32xf32, #tpu.memory_space<hbm>>
    %dma_wait3A_334 = arith.constant 0 : i32
    %dma_wait3A_335 = arith.constant 0 : i32
    %dma_wait3A_336 = tpu.memref_slice %dma_wait3A_333[%dma_wait3A_334, %dma_wait3A_335] : memref<100000x32xf32, #tpu.memory_space<hbm>> -> memref<100000x32xf32, #tpu.memory_space<hbm>>
    tpu.wait_indirect_dma semaphore(%arg9 : memref<!tpu.dma_semaphore, #tpu.memory_space<semaphore_mem>>) src(%dma_wait3A_336 : memref<100000x32xf32, #tpu.memory_space<hbm>>) dst(%dma_wait3A_326 : memref<512x32xf32, #tpu.memory_space<vmem>>)
    %add3A_337 = arith.constant 81920 : i32
    %add3A_338 = arith.addi %add3A_337, %mul3A_2 : i32
    %dma_start3A_339 = arith.constant 1 : i32
    %dma_start3A_340 = arith.constant 0 : i32
    %dma_start3A_341 = arith.constant 0 : i32
    %dma_start3A_342 = tpu.memref_slice %arg7[%dma_start3A_339, %dma_start3A_340, %dma_start3A_341] : memref<2x512x32xf32, #tpu.memory_space<vmem>> -> memref<1x512x32xf32, #tpu.memory_space<vmem>>
    %dma_start3A_343 = tpu.memref_squeeze %dma_start3A_342 : memref<1x512x32xf32, #tpu.memory_space<vmem>> -> memref<512x32xf32, #tpu.memory_space<vmem>>
    %dma_start3A_344 = arith.constant 0 : i32
    %dma_start3A_345 = tpu.memref_slice %arg4[%add3A_338, %dma_start3A_344] : memref<425984x128xf32, #tpu.memory_space<hbm>> -> memref<512x32xf32, #tpu.memory_space<hbm>>
    %dma_start3A_346 = arith.constant 0 : i32
    %dma_start3A_347 = tpu.memref_slice %arg4[%add3A_338, %dma_start3A_346] : memref<425984x128xf32, #tpu.memory_space<hbm>> -> memref<512x32xf32, #tpu.memory_space<hbm>>
    %dma_start3A_348 = arith.constant 0 : i32
    %dma_start3A_349 = arith.constant 0 : i32
    %dma_start3A_350 = tpu.memref_slice %arg7[%dma_start3A_339, %dma_start3A_348, %dma_start3A_349] : memref<2x512x32xf32, #tpu.memory_space<vmem>> -> memref<1x512x32xf32, #tpu.memory_space<vmem>>
    %dma_start3A_351 = tpu.memref_squeeze %dma_start3A_350 : memref<1x512x32xf32, #tpu.memory_space<vmem>> -> memref<512x32xf32, #tpu.memory_space<vmem>>
    tpu.enqueue_dma source(%dma_start3A_351 : memref<512x32xf32, #tpu.memory_space<vmem>>) target(%dma_start3A_347 : memref<512x32xf32, #tpu.memory_space<hbm>>) target_semaphore(%arg11 : memref<!tpu.dma_semaphore, #tpu.memory_space<semaphore_mem>>)
    %dma_wait3A_352 = arith.constant 0 : i32
    %dma_wait3A_353 = arith.constant 0 : i32
    %dma_wait3A_354 = arith.constant 0 : i32
    %dma_wait3A_355 = tpu.memref_slice %arg7[%dma_wait3A_352, %dma_wait3A_353, %dma_wait3A_354] : memref<2x512x32xf32, #tpu.memory_space<vmem>> -> memref<1x512x32xf32, #tpu.memory_space<vmem>>
    %dma_wait3A_356 = tpu.memref_squeeze %dma_wait3A_355 : memref<1x512x32xf32, #tpu.memory_space<vmem>> -> memref<512x32xf32, #tpu.memory_space<vmem>>
    %dma_wait3A_357 = arith.constant 0 : i32
    %dma_wait3A_358 = tpu.memref_slice %arg4[%add3A_276, %dma_wait3A_357] : memref<425984x128xf32, #tpu.memory_space<hbm>> -> memref<512x32xf32, #tpu.memory_space<hbm>>
    %dma_wait3A_359 = arith.constant 0 : i32
    %dma_wait3A_360 = tpu.memref_slice %arg4[%add3A_276, %dma_wait3A_359] : memref<425984x128xf32, #tpu.memory_space<hbm>> -> memref<512x32xf32, #tpu.memory_space<hbm>>
    %dma_wait3A_361 = arith.constant 0 : i32
    %dma_wait3A_362 = arith.constant 0 : i32
    %dma_wait3A_363 = tpu.memref_slice %arg7[%dma_wait3A_352, %dma_wait3A_361, %dma_wait3A_362] : memref<2x512x32xf32, #tpu.memory_space<vmem>> -> memref<1x512x32xf32, #tpu.memory_space<vmem>>
    %dma_wait3A_364 = tpu.memref_squeeze %dma_wait3A_363 : memref<1x512x32xf32, #tpu.memory_space<vmem>> -> memref<512x32xf32, #tpu.memory_space<vmem>>
    tpu.wait_dma2 semaphore(%arg10 : memref<!tpu.dma_semaphore, #tpu.memory_space<semaphore_mem>>) src(%dma_wait3A_364 : memref<512x32xf32, #tpu.memory_space<vmem>>) dst(%dma_wait3A_360 : memref<512x32xf32, #tpu.memory_space<hbm>>)
    %dma_start3A_365 = arith.constant 6 : i32
    %dma_start3A_366 = arith.constant 6 : i32
    %dma_start3A_367 = arith.constant 0 : i32
    %dma_start3A_368 = arith.constant 0 : i32
    %dma_start3A_369 = arith.constant 0 : i32
    %dma_start3A_370 = tpu.memref_slice %arg7[%dma_start3A_367, %dma_start3A_368, %dma_start3A_369] : memref<2x512x32xf32, #tpu.memory_space<vmem>> -> memref<1x512x32xf32, #tpu.memory_space<vmem>>
    %dma_start3A_371 = tpu.memref_squeeze %dma_start3A_370 : memref<1x512x32xf32, #tpu.memory_space<vmem>> -> memref<512x32xf32, #tpu.memory_space<vmem>>
    %dma_start3A_372 = arith.constant 0 : i32
    %dma_start3A_373 = tpu.memref_slice %arg6[%dma_start3A_366, %dma_start3A_372] : memref<26x512xi32, #tpu.memory_space<vmem>> -> memref<1x512xi32, #tpu.memory_space<vmem>>
    %dma_start3A_374 = tpu.memref_squeeze %dma_start3A_373 : memref<1x512xi32, #tpu.memory_space<vmem>> -> memref<512xi32, #tpu.memory_space<vmem>>
    %dma_start3A_375 = arith.constant 0 : i32
    %dma_start3A_376 = arith.constant 0 : i32
    %dma_start3A_377 = tpu.memref_slice %arg3[%dma_start3A_365, %dma_start3A_375, %dma_start3A_376] : memref<26x100000x32xf32, #tpu.memory_space<hbm>> -> memref<1x100000x32xf32, #tpu.memory_space<hbm>>
    %dma_start3A_378 = tpu.memref_squeeze %dma_start3A_377 : memref<1x100000x32xf32, #tpu.memory_space<hbm>> -> memref<100000x32xf32, #tpu.memory_space<hbm>>
    %dma_start3A_379 = arith.constant 0 : i32
    %dma_start3A_380 = arith.constant 0 : i32
    %dma_start3A_381 = tpu.memref_slice %dma_start3A_378[%dma_start3A_379, %dma_start3A_380] : memref<100000x32xf32, #tpu.memory_space<hbm>> -> memref<100000x32xf32, #tpu.memory_space<hbm>>
    tpu.enqueue_indirect_dma source(%dma_start3A_381 : memref<100000x32xf32, #tpu.memory_space<hbm>>) target(%dma_start3A_371 : memref<512x32xf32, #tpu.memory_space<vmem>>) offsets(%dma_start3A_374 : memref<512xi32, #tpu.memory_space<vmem>>) semaphore(%arg8 : memref<!tpu.dma_semaphore, #tpu.memory_space<semaphore_mem>>)
    %dma_wait3A_382 = arith.constant 6 : i32
    %dma_wait3A_383 = arith.constant 6 : i32
    %dma_wait3A_384 = arith.constant 0 : i32
    %dma_wait3A_385 = arith.constant 0 : i32
    %dma_wait3A_386 = arith.constant 0 : i32
    %dma_wait3A_387 = tpu.memref_slice %arg7[%dma_wait3A_384, %dma_wait3A_385, %dma_wait3A_386] : memref<2x512x32xf32, #tpu.memory_space<vmem>> -> memref<1x512x32xf32, #tpu.memory_space<vmem>>
    %dma_wait3A_388 = tpu.memref_squeeze %dma_wait3A_387 : memref<1x512x32xf32, #tpu.memory_space<vmem>> -> memref<512x32xf32, #tpu.memory_space<vmem>>
    %dma_wait3A_389 = arith.constant 0 : i32
    %dma_wait3A_390 = tpu.memref_slice %arg6[%dma_wait3A_383, %dma_wait3A_389] : memref<26x512xi32, #tpu.memory_space<vmem>> -> memref<1x512xi32, #tpu.memory_space<vmem>>
    %dma_wait3A_391 = tpu.memref_squeeze %dma_wait3A_390 : memref<1x512xi32, #tpu.memory_space<vmem>> -> memref<512xi32, #tpu.memory_space<vmem>>
    %dma_wait3A_392 = arith.constant 0 : i32
    %dma_wait3A_393 = arith.constant 0 : i32
    %dma_wait3A_394 = tpu.memref_slice %arg3[%dma_wait3A_382, %dma_wait3A_392, %dma_wait3A_393] : memref<26x100000x32xf32, #tpu.memory_space<hbm>> -> memref<1x100000x32xf32, #tpu.memory_space<hbm>>
    %dma_wait3A_395 = tpu.memref_squeeze %dma_wait3A_394 : memref<1x100000x32xf32, #tpu.memory_space<hbm>> -> memref<100000x32xf32, #tpu.memory_space<hbm>>
    %dma_wait3A_396 = arith.constant 0 : i32
    %dma_wait3A_397 = arith.constant 0 : i32
    %dma_wait3A_398 = tpu.memref_slice %dma_wait3A_395[%dma_wait3A_396, %dma_wait3A_397] : memref<100000x32xf32, #tpu.memory_space<hbm>> -> memref<100000x32xf32, #tpu.memory_space<hbm>>
    tpu.wait_indirect_dma semaphore(%arg8 : memref<!tpu.dma_semaphore, #tpu.memory_space<semaphore_mem>>) src(%dma_wait3A_398 : memref<100000x32xf32, #tpu.memory_space<hbm>>) dst(%dma_wait3A_388 : memref<512x32xf32, #tpu.memory_space<vmem>>)
    %add3A_399 = arith.constant 98304 : i32
    %add3A_400 = arith.addi %add3A_399, %mul3A_2 : i32
    %dma_start3A_401 = arith.constant 0 : i32
    %dma_start3A_402 = arith.constant 0 : i32
    %dma_start3A_403 = arith.constant 0 : i32
    %dma_start3A_404 = tpu.memref_slice %arg7[%dma_start3A_401, %dma_start3A_402, %dma_start3A_403] : memref<2x512x32xf32, #tpu.memory_space<vmem>> -> memref<1x512x32xf32, #tpu.memory_space<vmem>>
    %dma_start3A_405 = tpu.memref_squeeze %dma_start3A_404 : memref<1x512x32xf32, #tpu.memory_space<vmem>> -> memref<512x32xf32, #tpu.memory_space<vmem>>
    %dma_start3A_406 = arith.constant 0 : i32
    %dma_start3A_407 = tpu.memref_slice %arg4[%add3A_400, %dma_start3A_406] : memref<425984x128xf32, #tpu.memory_space<hbm>> -> memref<512x32xf32, #tpu.memory_space<hbm>>
    %dma_start3A_408 = arith.constant 0 : i32
    %dma_start3A_409 = tpu.memref_slice %arg4[%add3A_400, %dma_start3A_408] : memref<425984x128xf32, #tpu.memory_space<hbm>> -> memref<512x32xf32, #tpu.memory_space<hbm>>
    %dma_start3A_410 = arith.constant 0 : i32
    %dma_start3A_411 = arith.constant 0 : i32
    %dma_start3A_412 = tpu.memref_slice %arg7[%dma_start3A_401, %dma_start3A_410, %dma_start3A_411] : memref<2x512x32xf32, #tpu.memory_space<vmem>> -> memref<1x512x32xf32, #tpu.memory_space<vmem>>
    %dma_start3A_413 = tpu.memref_squeeze %dma_start3A_412 : memref<1x512x32xf32, #tpu.memory_space<vmem>> -> memref<512x32xf32, #tpu.memory_space<vmem>>
    tpu.enqueue_dma source(%dma_start3A_413 : memref<512x32xf32, #tpu.memory_space<vmem>>) target(%dma_start3A_409 : memref<512x32xf32, #tpu.memory_space<hbm>>) target_semaphore(%arg10 : memref<!tpu.dma_semaphore, #tpu.memory_space<semaphore_mem>>)
    %dma_wait3A_414 = arith.constant 1 : i32
    %dma_wait3A_415 = arith.constant 0 : i32
    %dma_wait3A_416 = arith.constant 0 : i32
    %dma_wait3A_417 = tpu.memref_slice %arg7[%dma_wait3A_414, %dma_wait3A_415, %dma_wait3A_416] : memref<2x512x32xf32, #tpu.memory_space<vmem>> -> memref<1x512x32xf32, #tpu.memory_space<vmem>>
    %dma_wait3A_418 = tpu.memref_squeeze %dma_wait3A_417 : memref<1x512x32xf32, #tpu.memory_space<vmem>> -> memref<512x32xf32, #tpu.memory_space<vmem>>
    %dma_wait3A_419 = arith.constant 0 : i32
    %dma_wait3A_420 = tpu.memref_slice %arg4[%add3A_338, %dma_wait3A_419] : memref<425984x128xf32, #tpu.memory_space<hbm>> -> memref<512x32xf32, #tpu.memory_space<hbm>>
    %dma_wait3A_421 = arith.constant 0 : i32
    %dma_wait3A_422 = tpu.memref_slice %arg4[%add3A_338, %dma_wait3A_421] : memref<425984x128xf32, #tpu.memory_space<hbm>> -> memref<512x32xf32, #tpu.memory_space<hbm>>
    %dma_wait3A_423 = arith.constant 0 : i32
    %dma_wait3A_424 = arith.constant 0 : i32
    %dma_wait3A_425 = tpu.memref_slice %arg7[%dma_wait3A_414, %dma_wait3A_423, %dma_wait3A_424] : memref<2x512x32xf32, #tpu.memory_space<vmem>> -> memref<1x512x32xf32, #tpu.memory_space<vmem>>
    %dma_wait3A_426 = tpu.memref_squeeze %dma_wait3A_425 : memref<1x512x32xf32, #tpu.memory_space<vmem>> -> memref<512x32xf32, #tpu.memory_space<vmem>>
    tpu.wait_dma2 semaphore(%arg11 : memref<!tpu.dma_semaphore, #tpu.memory_space<semaphore_mem>>) src(%dma_wait3A_426 : memref<512x32xf32, #tpu.memory_space<vmem>>) dst(%dma_wait3A_422 : memref<512x32xf32, #tpu.memory_space<hbm>>)
    %dma_start3A_427 = arith.constant 7 : i32
    %dma_start3A_428 = arith.constant 7 : i32
    %dma_start3A_429 = arith.constant 1 : i32
    %dma_start3A_430 = arith.constant 0 : i32
    %dma_start3A_431 = arith.constant 0 : i32
    %dma_start3A_432 = tpu.memref_slice %arg7[%dma_start3A_429, %dma_start3A_430, %dma_start3A_431] : memref<2x512x32xf32, #tpu.memory_space<vmem>> -> memref<1x512x32xf32, #tpu.memory_space<vmem>>
    %dma_start3A_433 = tpu.memref_squeeze %dma_start3A_432 : memref<1x512x32xf32, #tpu.memory_space<vmem>> -> memref<512x32xf32, #tpu.memory_space<vmem>>
    %dma_start3A_434 = arith.constant 0 : i32
    %dma_start3A_435 = tpu.memref_slice %arg6[%dma_start3A_428, %dma_start3A_434] : memref<26x512xi32, #tpu.memory_space<vmem>> -> memref<1x512xi32, #tpu.memory_space<vmem>>
    %dma_start3A_436 = tpu.memref_squeeze %dma_start3A_435 : memref<1x512xi32, #tpu.memory_space<vmem>> -> memref<512xi32, #tpu.memory_space<vmem>>
    %dma_start3A_437 = arith.constant 0 : i32
    %dma_start3A_438 = arith.constant 0 : i32
    %dma_start3A_439 = tpu.memref_slice %arg3[%dma_start3A_427, %dma_start3A_437, %dma_start3A_438] : memref<26x100000x32xf32, #tpu.memory_space<hbm>> -> memref<1x100000x32xf32, #tpu.memory_space<hbm>>
    %dma_start3A_440 = tpu.memref_squeeze %dma_start3A_439 : memref<1x100000x32xf32, #tpu.memory_space<hbm>> -> memref<100000x32xf32, #tpu.memory_space<hbm>>
    %dma_start3A_441 = arith.constant 0 : i32
    %dma_start3A_442 = arith.constant 0 : i32
    %dma_start3A_443 = tpu.memref_slice %dma_start3A_440[%dma_start3A_441, %dma_start3A_442] : memref<100000x32xf32, #tpu.memory_space<hbm>> -> memref<100000x32xf32, #tpu.memory_space<hbm>>
    tpu.enqueue_indirect_dma source(%dma_start3A_443 : memref<100000x32xf32, #tpu.memory_space<hbm>>) target(%dma_start3A_433 : memref<512x32xf32, #tpu.memory_space<vmem>>) offsets(%dma_start3A_436 : memref<512xi32, #tpu.memory_space<vmem>>) semaphore(%arg9 : memref<!tpu.dma_semaphore, #tpu.memory_space<semaphore_mem>>)
    %dma_wait3A_444 = arith.constant 7 : i32
    %dma_wait3A_445 = arith.constant 7 : i32
    %dma_wait3A_446 = arith.constant 1 : i32
    %dma_wait3A_447 = arith.constant 0 : i32
    %dma_wait3A_448 = arith.constant 0 : i32
    %dma_wait3A_449 = tpu.memref_slice %arg7[%dma_wait3A_446, %dma_wait3A_447, %dma_wait3A_448] : memref<2x512x32xf32, #tpu.memory_space<vmem>> -> memref<1x512x32xf32, #tpu.memory_space<vmem>>
    %dma_wait3A_450 = tpu.memref_squeeze %dma_wait3A_449 : memref<1x512x32xf32, #tpu.memory_space<vmem>> -> memref<512x32xf32, #tpu.memory_space<vmem>>
    %dma_wait3A_451 = arith.constant 0 : i32
    %dma_wait3A_452 = tpu.memref_slice %arg6[%dma_wait3A_445, %dma_wait3A_451] : memref<26x512xi32, #tpu.memory_space<vmem>> -> memref<1x512xi32, #tpu.memory_space<vmem>>
    %dma_wait3A_453 = tpu.memref_squeeze %dma_wait3A_452 : memref<1x512xi32, #tpu.memory_space<vmem>> -> memref<512xi32, #tpu.memory_space<vmem>>
    %dma_wait3A_454 = arith.constant 0 : i32
    %dma_wait3A_455 = arith.constant 0 : i32
    %dma_wait3A_456 = tpu.memref_slice %arg3[%dma_wait3A_444, %dma_wait3A_454, %dma_wait3A_455] : memref<26x100000x32xf32, #tpu.memory_space<hbm>> -> memref<1x100000x32xf32, #tpu.memory_space<hbm>>
    %dma_wait3A_457 = tpu.memref_squeeze %dma_wait3A_456 : memref<1x100000x32xf32, #tpu.memory_space<hbm>> -> memref<100000x32xf32, #tpu.memory_space<hbm>>
    %dma_wait3A_458 = arith.constant 0 : i32
    %dma_wait3A_459 = arith.constant 0 : i32
    %dma_wait3A_460 = tpu.memref_slice %dma_wait3A_457[%dma_wait3A_458, %dma_wait3A_459] : memref<100000x32xf32, #tpu.memory_space<hbm>> -> memref<100000x32xf32, #tpu.memory_space<hbm>>
    tpu.wait_indirect_dma semaphore(%arg9 : memref<!tpu.dma_semaphore, #tpu.memory_space<semaphore_mem>>) src(%dma_wait3A_460 : memref<100000x32xf32, #tpu.memory_space<hbm>>) dst(%dma_wait3A_450 : memref<512x32xf32, #tpu.memory_space<vmem>>)
    %add3A_461 = arith.constant 114688 : i32
    %add3A_462 = arith.addi %add3A_461, %mul3A_2 : i32
    %dma_start3A_463 = arith.constant 1 : i32
    %dma_start3A_464 = arith.constant 0 : i32
    %dma_start3A_465 = arith.constant 0 : i32
    %dma_start3A_466 = tpu.memref_slice %arg7[%dma_start3A_463, %dma_start3A_464, %dma_start3A_465] : memref<2x512x32xf32, #tpu.memory_space<vmem>> -> memref<1x512x32xf32, #tpu.memory_space<vmem>>
    %dma_start3A_467 = tpu.memref_squeeze %dma_start3A_466 : memref<1x512x32xf32, #tpu.memory_space<vmem>> -> memref<512x32xf32, #tpu.memory_space<vmem>>
    %dma_start3A_468 = arith.constant 0 : i32
    %dma_start3A_469 = tpu.memref_slice %arg4[%add3A_462, %dma_start3A_468] : memref<425984x128xf32, #tpu.memory_space<hbm>> -> memref<512x32xf32, #tpu.memory_space<hbm>>
    %dma_start3A_470 = arith.constant 0 : i32
    %dma_start3A_471 = tpu.memref_slice %arg4[%add3A_462, %dma_start3A_470] : memref<425984x128xf32, #tpu.memory_space<hbm>> -> memref<512x32xf32, #tpu.memory_space<hbm>>
    %dma_start3A_472 = arith.constant 0 : i32
    %dma_start3A_473 = arith.constant 0 : i32
    %dma_start3A_474 = tpu.memref_slice %arg7[%dma_start3A_463, %dma_start3A_472, %dma_start3A_473] : memref<2x512x32xf32, #tpu.memory_space<vmem>> -> memref<1x512x32xf32, #tpu.memory_space<vmem>>
    %dma_start3A_475 = tpu.memref_squeeze %dma_start3A_474 : memref<1x512x32xf32, #tpu.memory_space<vmem>> -> memref<512x32xf32, #tpu.memory_space<vmem>>
    tpu.enqueue_dma source(%dma_start3A_475 : memref<512x32xf32, #tpu.memory_space<vmem>>) target(%dma_start3A_471 : memref<512x32xf32, #tpu.memory_space<hbm>>) target_semaphore(%arg11 : memref<!tpu.dma_semaphore, #tpu.memory_space<semaphore_mem>>)
    %dma_wait3A_476 = arith.constant 0 : i32
    %dma_wait3A_477 = arith.constant 0 : i32
    %dma_wait3A_478 = arith.constant 0 : i32
    %dma_wait3A_479 = tpu.memref_slice %arg7[%dma_wait3A_476, %dma_wait3A_477, %dma_wait3A_478] : memref<2x512x32xf32, #tpu.memory_space<vmem>> -> memref<1x512x32xf32, #tpu.memory_space<vmem>>
    %dma_wait3A_480 = tpu.memref_squeeze %dma_wait3A_479 : memref<1x512x32xf32, #tpu.memory_space<vmem>> -> memref<512x32xf32, #tpu.memory_space<vmem>>
    %dma_wait3A_481 = arith.constant 0 : i32
    %dma_wait3A_482 = tpu.memref_slice %arg4[%add3A_400, %dma_wait3A_481] : memref<425984x128xf32, #tpu.memory_space<hbm>> -> memref<512x32xf32, #tpu.memory_space<hbm>>
    %dma_wait3A_483 = arith.constant 0 : i32
    %dma_wait3A_484 = tpu.memref_slice %arg4[%add3A_400, %dma_wait3A_483] : memref<425984x128xf32, #tpu.memory_space<hbm>> -> memref<512x32xf32, #tpu.memory_space<hbm>>
    %dma_wait3A_485 = arith.constant 0 : i32
    %dma_wait3A_486 = arith.constant 0 : i32
    %dma_wait3A_487 = tpu.memref_slice %arg7[%dma_wait3A_476, %dma_wait3A_485, %dma_wait3A_486] : memref<2x512x32xf32, #tpu.memory_space<vmem>> -> memref<1x512x32xf32, #tpu.memory_space<vmem>>
    %dma_wait3A_488 = tpu.memref_squeeze %dma_wait3A_487 : memref<1x512x32xf32, #tpu.memory_space<vmem>> -> memref<512x32xf32, #tpu.memory_space<vmem>>
    tpu.wait_dma2 semaphore(%arg10 : memref<!tpu.dma_semaphore, #tpu.memory_space<semaphore_mem>>) src(%dma_wait3A_488 : memref<512x32xf32, #tpu.memory_space<vmem>>) dst(%dma_wait3A_484 : memref<512x32xf32, #tpu.memory_space<hbm>>)
    %dma_start3A_489 = arith.constant 8 : i32
    %dma_start3A_490 = arith.constant 8 : i32
    %dma_start3A_491 = arith.constant 0 : i32
    %dma_start3A_492 = arith.constant 0 : i32
    %dma_start3A_493 = arith.constant 0 : i32
    %dma_start3A_494 = tpu.memref_slice %arg7[%dma_start3A_491, %dma_start3A_492, %dma_start3A_493] : memref<2x512x32xf32, #tpu.memory_space<vmem>> -> memref<1x512x32xf32, #tpu.memory_space<vmem>>
    %dma_start3A_495 = tpu.memref_squeeze %dma_start3A_494 : memref<1x512x32xf32, #tpu.memory_space<vmem>> -> memref<512x32xf32, #tpu.memory_space<vmem>>
    %dma_start3A_496 = arith.constant 0 : i32
    %dma_start3A_497 = tpu.memref_slice %arg6[%dma_start3A_490, %dma_start3A_496] : memref<26x512xi32, #tpu.memory_space<vmem>> -> memref<1x512xi32, #tpu.memory_space<vmem>>
    %dma_start3A_498 = tpu.memref_squeeze %dma_start3A_497 : memref<1x512xi32, #tpu.memory_space<vmem>> -> memref<512xi32, #tpu.memory_space<vmem>>
    %dma_start3A_499 = arith.constant 0 : i32
    %dma_start3A_500 = arith.constant 0 : i32
    %dma_start3A_501 = tpu.memref_slice %arg3[%dma_start3A_489, %dma_start3A_499, %dma_start3A_500] : memref<26x100000x32xf32, #tpu.memory_space<hbm>> -> memref<1x100000x32xf32, #tpu.memory_space<hbm>>
    %dma_start3A_502 = tpu.memref_squeeze %dma_start3A_501 : memref<1x100000x32xf32, #tpu.memory_space<hbm>> -> memref<100000x32xf32, #tpu.memory_space<hbm>>
    %dma_start3A_503 = arith.constant 0 : i32
    %dma_start3A_504 = arith.constant 0 : i32
    %dma_start3A_505 = tpu.memref_slice %dma_start3A_502[%dma_start3A_503, %dma_start3A_504] : memref<100000x32xf32, #tpu.memory_space<hbm>> -> memref<100000x32xf32, #tpu.memory_space<hbm>>
    tpu.enqueue_indirect_dma source(%dma_start3A_505 : memref<100000x32xf32, #tpu.memory_space<hbm>>) target(%dma_start3A_495 : memref<512x32xf32, #tpu.memory_space<vmem>>) offsets(%dma_start3A_498 : memref<512xi32, #tpu.memory_space<vmem>>) semaphore(%arg8 : memref<!tpu.dma_semaphore, #tpu.memory_space<semaphore_mem>>)
    %dma_wait3A_506 = arith.constant 8 : i32
    %dma_wait3A_507 = arith.constant 8 : i32
    %dma_wait3A_508 = arith.constant 0 : i32
    %dma_wait3A_509 = arith.constant 0 : i32
    %dma_wait3A_510 = arith.constant 0 : i32
    %dma_wait3A_511 = tpu.memref_slice %arg7[%dma_wait3A_508, %dma_wait3A_509, %dma_wait3A_510] : memref<2x512x32xf32, #tpu.memory_space<vmem>> -> memref<1x512x32xf32, #tpu.memory_space<vmem>>
    %dma_wait3A_512 = tpu.memref_squeeze %dma_wait3A_511 : memref<1x512x32xf32, #tpu.memory_space<vmem>> -> memref<512x32xf32, #tpu.memory_space<vmem>>
    %dma_wait3A_513 = arith.constant 0 : i32
    %dma_wait3A_514 = tpu.memref_slice %arg6[%dma_wait3A_507, %dma_wait3A_513] : memref<26x512xi32, #tpu.memory_space<vmem>> -> memref<1x512xi32, #tpu.memory_space<vmem>>
    %dma_wait3A_515 = tpu.memref_squeeze %dma_wait3A_514 : memref<1x512xi32, #tpu.memory_space<vmem>> -> memref<512xi32, #tpu.memory_space<vmem>>
    %dma_wait3A_516 = arith.constant 0 : i32
    %dma_wait3A_517 = arith.constant 0 : i32
    %dma_wait3A_518 = tpu.memref_slice %arg3[%dma_wait3A_506, %dma_wait3A_516, %dma_wait3A_517] : memref<26x100000x32xf32, #tpu.memory_space<hbm>> -> memref<1x100000x32xf32, #tpu.memory_space<hbm>>
    %dma_wait3A_519 = tpu.memref_squeeze %dma_wait3A_518 : memref<1x100000x32xf32, #tpu.memory_space<hbm>> -> memref<100000x32xf32, #tpu.memory_space<hbm>>
    %dma_wait3A_520 = arith.constant 0 : i32
    %dma_wait3A_521 = arith.constant 0 : i32
    %dma_wait3A_522 = tpu.memref_slice %dma_wait3A_519[%dma_wait3A_520, %dma_wait3A_521] : memref<100000x32xf32, #tpu.memory_space<hbm>> -> memref<100000x32xf32, #tpu.memory_space<hbm>>
    tpu.wait_indirect_dma semaphore(%arg8 : memref<!tpu.dma_semaphore, #tpu.memory_space<semaphore_mem>>) src(%dma_wait3A_522 : memref<100000x32xf32, #tpu.memory_space<hbm>>) dst(%dma_wait3A_512 : memref<512x32xf32, #tpu.memory_space<vmem>>)
    %add3A_523 = arith.constant 131072 : i32
    %add3A_524 = arith.addi %add3A_523, %mul3A_2 : i32
    %dma_start3A_525 = arith.constant 0 : i32
    %dma_start3A_526 = arith.constant 0 : i32
    %dma_start3A_527 = arith.constant 0 : i32
    %dma_start3A_528 = tpu.memref_slice %arg7[%dma_start3A_525, %dma_start3A_526, %dma_start3A_527] : memref<2x512x32xf32, #tpu.memory_space<vmem>> -> memref<1x512x32xf32, #tpu.memory_space<vmem>>
    %dma_start3A_529 = tpu.memref_squeeze %dma_start3A_528 : memref<1x512x32xf32, #tpu.memory_space<vmem>> -> memref<512x32xf32, #tpu.memory_space<vmem>>
    %dma_start3A_530 = arith.constant 0 : i32
    %dma_start3A_531 = tpu.memref_slice %arg4[%add3A_524, %dma_start3A_530] : memref<425984x128xf32, #tpu.memory_space<hbm>> -> memref<512x32xf32, #tpu.memory_space<hbm>>
    %dma_start3A_532 = arith.constant 0 : i32
    %dma_start3A_533 = tpu.memref_slice %arg4[%add3A_524, %dma_start3A_532] : memref<425984x128xf32, #tpu.memory_space<hbm>> -> memref<512x32xf32, #tpu.memory_space<hbm>>
    %dma_start3A_534 = arith.constant 0 : i32
    %dma_start3A_535 = arith.constant 0 : i32
    %dma_start3A_536 = tpu.memref_slice %arg7[%dma_start3A_525, %dma_start3A_534, %dma_start3A_535] : memref<2x512x32xf32, #tpu.memory_space<vmem>> -> memref<1x512x32xf32, #tpu.memory_space<vmem>>
    %dma_start3A_537 = tpu.memref_squeeze %dma_start3A_536 : memref<1x512x32xf32, #tpu.memory_space<vmem>> -> memref<512x32xf32, #tpu.memory_space<vmem>>
    tpu.enqueue_dma source(%dma_start3A_537 : memref<512x32xf32, #tpu.memory_space<vmem>>) target(%dma_start3A_533 : memref<512x32xf32, #tpu.memory_space<hbm>>) target_semaphore(%arg10 : memref<!tpu.dma_semaphore, #tpu.memory_space<semaphore_mem>>)
    %dma_wait3A_538 = arith.constant 1 : i32
    %dma_wait3A_539 = arith.constant 0 : i32
    %dma_wait3A_540 = arith.constant 0 : i32
    %dma_wait3A_541 = tpu.memref_slice %arg7[%dma_wait3A_538, %dma_wait3A_539, %dma_wait3A_540] : memref<2x512x32xf32, #tpu.memory_space<vmem>> -> memref<1x512x32xf32, #tpu.memory_space<vmem>>
    %dma_wait3A_542 = tpu.memref_squeeze %dma_wait3A_541 : memref<1x512x32xf32, #tpu.memory_space<vmem>> -> memref<512x32xf32, #tpu.memory_space<vmem>>
    %dma_wait3A_543 = arith.constant 0 : i32
    %dma_wait3A_544 = tpu.memref_slice %arg4[%add3A_462, %dma_wait3A_543] : memref<425984x128xf32, #tpu.memory_space<hbm>> -> memref<512x32xf32, #tpu.memory_space<hbm>>
    %dma_wait3A_545 = arith.constant 0 : i32
    %dma_wait3A_546 = tpu.memref_slice %arg4[%add3A_462, %dma_wait3A_545] : memref<425984x128xf32, #tpu.memory_space<hbm>> -> memref<512x32xf32, #tpu.memory_space<hbm>>
    %dma_wait3A_547 = arith.constant 0 : i32
    %dma_wait3A_548 = arith.constant 0 : i32
    %dma_wait3A_549 = tpu.memref_slice %arg7[%dma_wait3A_538, %dma_wait3A_547, %dma_wait3A_548] : memref<2x512x32xf32, #tpu.memory_space<vmem>> -> memref<1x512x32xf32, #tpu.memory_space<vmem>>
    %dma_wait3A_550 = tpu.memref_squeeze %dma_wait3A_549 : memref<1x512x32xf32, #tpu.memory_space<vmem>> -> memref<512x32xf32, #tpu.memory_space<vmem>>
    tpu.wait_dma2 semaphore(%arg11 : memref<!tpu.dma_semaphore, #tpu.memory_space<semaphore_mem>>) src(%dma_wait3A_550 : memref<512x32xf32, #tpu.memory_space<vmem>>) dst(%dma_wait3A_546 : memref<512x32xf32, #tpu.memory_space<hbm>>)
    %dma_start3A_551 = arith.constant 9 : i32
    %dma_start3A_552 = arith.constant 9 : i32
    %dma_start3A_553 = arith.constant 1 : i32
    %dma_start3A_554 = arith.constant 0 : i32
    %dma_start3A_555 = arith.constant 0 : i32
    %dma_start3A_556 = tpu.memref_slice %arg7[%dma_start3A_553, %dma_start3A_554, %dma_start3A_555] : memref<2x512x32xf32, #tpu.memory_space<vmem>> -> memref<1x512x32xf32, #tpu.memory_space<vmem>>
    %dma_start3A_557 = tpu.memref_squeeze %dma_start3A_556 : memref<1x512x32xf32, #tpu.memory_space<vmem>> -> memref<512x32xf32, #tpu.memory_space<vmem>>
    %dma_start3A_558 = arith.constant 0 : i32
    %dma_start3A_559 = tpu.memref_slice %arg6[%dma_start3A_552, %dma_start3A_558] : memref<26x512xi32, #tpu.memory_space<vmem>> -> memref<1x512xi32, #tpu.memory_space<vmem>>
    %dma_start3A_560 = tpu.memref_squeeze %dma_start3A_559 : memref<1x512xi32, #tpu.memory_space<vmem>> -> memref<512xi32, #tpu.memory_space<vmem>>
    %dma_start3A_561 = arith.constant 0 : i32
    %dma_start3A_562 = arith.constant 0 : i32
    %dma_start3A_563 = tpu.memref_slice %arg3[%dma_start3A_551, %dma_start3A_561, %dma_start3A_562] : memref<26x100000x32xf32, #tpu.memory_space<hbm>> -> memref<1x100000x32xf32, #tpu.memory_space<hbm>>
    %dma_start3A_564 = tpu.memref_squeeze %dma_start3A_563 : memref<1x100000x32xf32, #tpu.memory_space<hbm>> -> memref<100000x32xf32, #tpu.memory_space<hbm>>
    %dma_start3A_565 = arith.constant 0 : i32
    %dma_start3A_566 = arith.constant 0 : i32
    %dma_start3A_567 = tpu.memref_slice %dma_start3A_564[%dma_start3A_565, %dma_start3A_566] : memref<100000x32xf32, #tpu.memory_space<hbm>> -> memref<100000x32xf32, #tpu.memory_space<hbm>>
    tpu.enqueue_indirect_dma source(%dma_start3A_567 : memref<100000x32xf32, #tpu.memory_space<hbm>>) target(%dma_start3A_557 : memref<512x32xf32, #tpu.memory_space<vmem>>) offsets(%dma_start3A_560 : memref<512xi32, #tpu.memory_space<vmem>>) semaphore(%arg9 : memref<!tpu.dma_semaphore, #tpu.memory_space<semaphore_mem>>)
    %dma_wait3A_568 = arith.constant 9 : i32
    %dma_wait3A_569 = arith.constant 9 : i32
    %dma_wait3A_570 = arith.constant 1 : i32
    %dma_wait3A_571 = arith.constant 0 : i32
    %dma_wait3A_572 = arith.constant 0 : i32
    %dma_wait3A_573 = tpu.memref_slice %arg7[%dma_wait3A_570, %dma_wait3A_571, %dma_wait3A_572] : memref<2x512x32xf32, #tpu.memory_space<vmem>> -> memref<1x512x32xf32, #tpu.memory_space<vmem>>
    %dma_wait3A_574 = tpu.memref_squeeze %dma_wait3A_573 : memref<1x512x32xf32, #tpu.memory_space<vmem>> -> memref<512x32xf32, #tpu.memory_space<vmem>>
    %dma_wait3A_575 = arith.constant 0 : i32
    %dma_wait3A_576 = tpu.memref_slice %arg6[%dma_wait3A_569, %dma_wait3A_575] : memref<26x512xi32, #tpu.memory_space<vmem>> -> memref<1x512xi32, #tpu.memory_space<vmem>>
    %dma_wait3A_577 = tpu.memref_squeeze %dma_wait3A_576 : memref<1x512xi32, #tpu.memory_space<vmem>> -> memref<512xi32, #tpu.memory_space<vmem>>
    %dma_wait3A_578 = arith.constant 0 : i32
    %dma_wait3A_579 = arith.constant 0 : i32
    %dma_wait3A_580 = tpu.memref_slice %arg3[%dma_wait3A_568, %dma_wait3A_578, %dma_wait3A_579] : memref<26x100000x32xf32, #tpu.memory_space<hbm>> -> memref<1x100000x32xf32, #tpu.memory_space<hbm>>
    %dma_wait3A_581 = tpu.memref_squeeze %dma_wait3A_580 : memref<1x100000x32xf32, #tpu.memory_space<hbm>> -> memref<100000x32xf32, #tpu.memory_space<hbm>>
    %dma_wait3A_582 = arith.constant 0 : i32
    %dma_wait3A_583 = arith.constant 0 : i32
    %dma_wait3A_584 = tpu.memref_slice %dma_wait3A_581[%dma_wait3A_582, %dma_wait3A_583] : memref<100000x32xf32, #tpu.memory_space<hbm>> -> memref<100000x32xf32, #tpu.memory_space<hbm>>
    tpu.wait_indirect_dma semaphore(%arg9 : memref<!tpu.dma_semaphore, #tpu.memory_space<semaphore_mem>>) src(%dma_wait3A_584 : memref<100000x32xf32, #tpu.memory_space<hbm>>) dst(%dma_wait3A_574 : memref<512x32xf32, #tpu.memory_space<vmem>>)
    %add3A_585 = arith.constant 147456 : i32
    %add3A_586 = arith.addi %add3A_585, %mul3A_2 : i32
    %dma_start3A_587 = arith.constant 1 : i32
    %dma_start3A_588 = arith.constant 0 : i32
    %dma_start3A_589 = arith.constant 0 : i32
    %dma_start3A_590 = tpu.memref_slice %arg7[%dma_start3A_587, %dma_start3A_588, %dma_start3A_589] : memref<2x512x32xf32, #tpu.memory_space<vmem>> -> memref<1x512x32xf32, #tpu.memory_space<vmem>>
    %dma_start3A_591 = tpu.memref_squeeze %dma_start3A_590 : memref<1x512x32xf32, #tpu.memory_space<vmem>> -> memref<512x32xf32, #tpu.memory_space<vmem>>
    %dma_start3A_592 = arith.constant 0 : i32
    %dma_start3A_593 = tpu.memref_slice %arg4[%add3A_586, %dma_start3A_592] : memref<425984x128xf32, #tpu.memory_space<hbm>> -> memref<512x32xf32, #tpu.memory_space<hbm>>
    %dma_start3A_594 = arith.constant 0 : i32
    %dma_start3A_595 = tpu.memref_slice %arg4[%add3A_586, %dma_start3A_594] : memref<425984x128xf32, #tpu.memory_space<hbm>> -> memref<512x32xf32, #tpu.memory_space<hbm>>
    %dma_start3A_596 = arith.constant 0 : i32
    %dma_start3A_597 = arith.constant 0 : i32
    %dma_start3A_598 = tpu.memref_slice %arg7[%dma_start3A_587, %dma_start3A_596, %dma_start3A_597] : memref<2x512x32xf32, #tpu.memory_space<vmem>> -> memref<1x512x32xf32, #tpu.memory_space<vmem>>
    %dma_start3A_599 = tpu.memref_squeeze %dma_start3A_598 : memref<1x512x32xf32, #tpu.memory_space<vmem>> -> memref<512x32xf32, #tpu.memory_space<vmem>>
    tpu.enqueue_dma source(%dma_start3A_599 : memref<512x32xf32, #tpu.memory_space<vmem>>) target(%dma_start3A_595 : memref<512x32xf32, #tpu.memory_space<hbm>>) target_semaphore(%arg11 : memref<!tpu.dma_semaphore, #tpu.memory_space<semaphore_mem>>)
    %dma_wait3A_600 = arith.constant 0 : i32
    %dma_wait3A_601 = arith.constant 0 : i32
    %dma_wait3A_602 = arith.constant 0 : i32
    %dma_wait3A_603 = tpu.memref_slice %arg7[%dma_wait3A_600, %dma_wait3A_601, %dma_wait3A_602] : memref<2x512x32xf32, #tpu.memory_space<vmem>> -> memref<1x512x32xf32, #tpu.memory_space<vmem>>
    %dma_wait3A_604 = tpu.memref_squeeze %dma_wait3A_603 : memref<1x512x32xf32, #tpu.memory_space<vmem>> -> memref<512x32xf32, #tpu.memory_space<vmem>>
    %dma_wait3A_605 = arith.constant 0 : i32
    %dma_wait3A_606 = tpu.memref_slice %arg4[%add3A_524, %dma_wait3A_605] : memref<425984x128xf32, #tpu.memory_space<hbm>> -> memref<512x32xf32, #tpu.memory_space<hbm>>
    %dma_wait3A_607 = arith.constant 0 : i32
    %dma_wait3A_608 = tpu.memref_slice %arg4[%add3A_524, %dma_wait3A_607] : memref<425984x128xf32, #tpu.memory_space<hbm>> -> memref<512x32xf32, #tpu.memory_space<hbm>>
    %dma_wait3A_609 = arith.constant 0 : i32
    %dma_wait3A_610 = arith.constant 0 : i32
    %dma_wait3A_611 = tpu.memref_slice %arg7[%dma_wait3A_600, %dma_wait3A_609, %dma_wait3A_610] : memref<2x512x32xf32, #tpu.memory_space<vmem>> -> memref<1x512x32xf32, #tpu.memory_space<vmem>>
    %dma_wait3A_612 = tpu.memref_squeeze %dma_wait3A_611 : memref<1x512x32xf32, #tpu.memory_space<vmem>> -> memref<512x32xf32, #tpu.memory_space<vmem>>
    tpu.wait_dma2 semaphore(%arg10 : memref<!tpu.dma_semaphore, #tpu.memory_space<semaphore_mem>>) src(%dma_wait3A_612 : memref<512x32xf32, #tpu.memory_space<vmem>>) dst(%dma_wait3A_608 : memref<512x32xf32, #tpu.memory_space<hbm>>)
    %dma_start3A_613 = arith.constant 10 : i32
    %dma_start3A_614 = arith.constant 10 : i32
    %dma_start3A_615 = arith.constant 0 : i32
    %dma_start3A_616 = arith.constant 0 : i32
    %dma_start3A_617 = arith.constant 0 : i32
    %dma_start3A_618 = tpu.memref_slice %arg7[%dma_start3A_615, %dma_start3A_616, %dma_start3A_617] : memref<2x512x32xf32, #tpu.memory_space<vmem>> -> memref<1x512x32xf32, #tpu.memory_space<vmem>>
    %dma_start3A_619 = tpu.memref_squeeze %dma_start3A_618 : memref<1x512x32xf32, #tpu.memory_space<vmem>> -> memref<512x32xf32, #tpu.memory_space<vmem>>
    %dma_start3A_620 = arith.constant 0 : i32
    %dma_start3A_621 = tpu.memref_slice %arg6[%dma_start3A_614, %dma_start3A_620] : memref<26x512xi32, #tpu.memory_space<vmem>> -> memref<1x512xi32, #tpu.memory_space<vmem>>
    %dma_start3A_622 = tpu.memref_squeeze %dma_start3A_621 : memref<1x512xi32, #tpu.memory_space<vmem>> -> memref<512xi32, #tpu.memory_space<vmem>>
    %dma_start3A_623 = arith.constant 0 : i32
    %dma_start3A_624 = arith.constant 0 : i32
    %dma_start3A_625 = tpu.memref_slice %arg3[%dma_start3A_613, %dma_start3A_623, %dma_start3A_624] : memref<26x100000x32xf32, #tpu.memory_space<hbm>> -> memref<1x100000x32xf32, #tpu.memory_space<hbm>>
    %dma_start3A_626 = tpu.memref_squeeze %dma_start3A_625 : memref<1x100000x32xf32, #tpu.memory_space<hbm>> -> memref<100000x32xf32, #tpu.memory_space<hbm>>
    %dma_start3A_627 = arith.constant 0 : i32
    %dma_start3A_628 = arith.constant 0 : i32
    %dma_start3A_629 = tpu.memref_slice %dma_start3A_626[%dma_start3A_627, %dma_start3A_628] : memref<100000x32xf32, #tpu.memory_space<hbm>> -> memref<100000x32xf32, #tpu.memory_space<hbm>>
    tpu.enqueue_indirect_dma source(%dma_start3A_629 : memref<100000x32xf32, #tpu.memory_space<hbm>>) target(%dma_start3A_619 : memref<512x32xf32, #tpu.memory_space<vmem>>) offsets(%dma_start3A_622 : memref<512xi32, #tpu.memory_space<vmem>>) semaphore(%arg8 : memref<!tpu.dma_semaphore, #tpu.memory_space<semaphore_mem>>)
    %dma_wait3A_630 = arith.constant 10 : i32
    %dma_wait3A_631 = arith.constant 10 : i32
    %dma_wait3A_632 = arith.constant 0 : i32
    %dma_wait3A_633 = arith.constant 0 : i32
    %dma_wait3A_634 = arith.constant 0 : i32
    %dma_wait3A_635 = tpu.memref_slice %arg7[%dma_wait3A_632, %dma_wait3A_633, %dma_wait3A_634] : memref<2x512x32xf32, #tpu.memory_space<vmem>> -> memref<1x512x32xf32, #tpu.memory_space<vmem>>
    %dma_wait3A_636 = tpu.memref_squeeze %dma_wait3A_635 : memref<1x512x32xf32, #tpu.memory_space<vmem>> -> memref<512x32xf32, #tpu.memory_space<vmem>>
    %dma_wait3A_637 = arith.constant 0 : i32
    %dma_wait3A_638 = tpu.memref_slice %arg6[%dma_wait3A_631, %dma_wait3A_637] : memref<26x512xi32, #tpu.memory_space<vmem>> -> memref<1x512xi32, #tpu.memory_space<vmem>>
    %dma_wait3A_639 = tpu.memref_squeeze %dma_wait3A_638 : memref<1x512xi32, #tpu.memory_space<vmem>> -> memref<512xi32, #tpu.memory_space<vmem>>
    %dma_wait3A_640 = arith.constant 0 : i32
    %dma_wait3A_641 = arith.constant 0 : i32
    %dma_wait3A_642 = tpu.memref_slice %arg3[%dma_wait3A_630, %dma_wait3A_640, %dma_wait3A_641] : memref<26x100000x32xf32, #tpu.memory_space<hbm>> -> memref<1x100000x32xf32, #tpu.memory_space<hbm>>
    %dma_wait3A_643 = tpu.memref_squeeze %dma_wait3A_642 : memref<1x100000x32xf32, #tpu.memory_space<hbm>> -> memref<100000x32xf32, #tpu.memory_space<hbm>>
    %dma_wait3A_644 = arith.constant 0 : i32
    %dma_wait3A_645 = arith.constant 0 : i32
    %dma_wait3A_646 = tpu.memref_slice %dma_wait3A_643[%dma_wait3A_644, %dma_wait3A_645] : memref<100000x32xf32, #tpu.memory_space<hbm>> -> memref<100000x32xf32, #tpu.memory_space<hbm>>
    tpu.wait_indirect_dma semaphore(%arg8 : memref<!tpu.dma_semaphore, #tpu.memory_space<semaphore_mem>>) src(%dma_wait3A_646 : memref<100000x32xf32, #tpu.memory_space<hbm>>) dst(%dma_wait3A_636 : memref<512x32xf32, #tpu.memory_space<vmem>>)
    %add3A_647 = arith.constant 163840 : i32
    %add3A_648 = arith.addi %add3A_647, %mul3A_2 : i32
    %dma_start3A_649 = arith.constant 0 : i32
    %dma_start3A_650 = arith.constant 0 : i32
    %dma_start3A_651 = arith.constant 0 : i32
    %dma_start3A_652 = tpu.memref_slice %arg7[%dma_start3A_649, %dma_start3A_650, %dma_start3A_651] : memref<2x512x32xf32, #tpu.memory_space<vmem>> -> memref<1x512x32xf32, #tpu.memory_space<vmem>>
    %dma_start3A_653 = tpu.memref_squeeze %dma_start3A_652 : memref<1x512x32xf32, #tpu.memory_space<vmem>> -> memref<512x32xf32, #tpu.memory_space<vmem>>
    %dma_start3A_654 = arith.constant 0 : i32
    %dma_start3A_655 = tpu.memref_slice %arg4[%add3A_648, %dma_start3A_654] : memref<425984x128xf32, #tpu.memory_space<hbm>> -> memref<512x32xf32, #tpu.memory_space<hbm>>
    %dma_start3A_656 = arith.constant 0 : i32
    %dma_start3A_657 = tpu.memref_slice %arg4[%add3A_648, %dma_start3A_656] : memref<425984x128xf32, #tpu.memory_space<hbm>> -> memref<512x32xf32, #tpu.memory_space<hbm>>
    %dma_start3A_658 = arith.constant 0 : i32
    %dma_start3A_659 = arith.constant 0 : i32
    %dma_start3A_660 = tpu.memref_slice %arg7[%dma_start3A_649, %dma_start3A_658, %dma_start3A_659] : memref<2x512x32xf32, #tpu.memory_space<vmem>> -> memref<1x512x32xf32, #tpu.memory_space<vmem>>
    %dma_start3A_661 = tpu.memref_squeeze %dma_start3A_660 : memref<1x512x32xf32, #tpu.memory_space<vmem>> -> memref<512x32xf32, #tpu.memory_space<vmem>>
    tpu.enqueue_dma source(%dma_start3A_661 : memref<512x32xf32, #tpu.memory_space<vmem>>) target(%dma_start3A_657 : memref<512x32xf32, #tpu.memory_space<hbm>>) target_semaphore(%arg10 : memref<!tpu.dma_semaphore, #tpu.memory_space<semaphore_mem>>)
    %dma_wait3A_662 = arith.constant 1 : i32
    %dma_wait3A_663 = arith.constant 0 : i32
    %dma_wait3A_664 = arith.constant 0 : i32
    %dma_wait3A_665 = tpu.memref_slice %arg7[%dma_wait3A_662, %dma_wait3A_663, %dma_wait3A_664] : memref<2x512x32xf32, #tpu.memory_space<vmem>> -> memref<1x512x32xf32, #tpu.memory_space<vmem>>
    %dma_wait3A_666 = tpu.memref_squeeze %dma_wait3A_665 : memref<1x512x32xf32, #tpu.memory_space<vmem>> -> memref<512x32xf32, #tpu.memory_space<vmem>>
    %dma_wait3A_667 = arith.constant 0 : i32
    %dma_wait3A_668 = tpu.memref_slice %arg4[%add3A_586, %dma_wait3A_667] : memref<425984x128xf32, #tpu.memory_space<hbm>> -> memref<512x32xf32, #tpu.memory_space<hbm>>
    %dma_wait3A_669 = arith.constant 0 : i32
    %dma_wait3A_670 = tpu.memref_slice %arg4[%add3A_586, %dma_wait3A_669] : memref<425984x128xf32, #tpu.memory_space<hbm>> -> memref<512x32xf32, #tpu.memory_space<hbm>>
    %dma_wait3A_671 = arith.constant 0 : i32
    %dma_wait3A_672 = arith.constant 0 : i32
    %dma_wait3A_673 = tpu.memref_slice %arg7[%dma_wait3A_662, %dma_wait3A_671, %dma_wait3A_672] : memref<2x512x32xf32, #tpu.memory_space<vmem>> -> memref<1x512x32xf32, #tpu.memory_space<vmem>>
    %dma_wait3A_674 = tpu.memref_squeeze %dma_wait3A_673 : memref<1x512x32xf32, #tpu.memory_space<vmem>> -> memref<512x32xf32, #tpu.memory_space<vmem>>
    tpu.wait_dma2 semaphore(%arg11 : memref<!tpu.dma_semaphore, #tpu.memory_space<semaphore_mem>>) src(%dma_wait3A_674 : memref<512x32xf32, #tpu.memory_space<vmem>>) dst(%dma_wait3A_670 : memref<512x32xf32, #tpu.memory_space<hbm>>)
    %dma_start3A_675 = arith.constant 11 : i32
    %dma_start3A_676 = arith.constant 11 : i32
    %dma_start3A_677 = arith.constant 1 : i32
    %dma_start3A_678 = arith.constant 0 : i32
    %dma_start3A_679 = arith.constant 0 : i32
    %dma_start3A_680 = tpu.memref_slice %arg7[%dma_start3A_677, %dma_start3A_678, %dma_start3A_679] : memref<2x512x32xf32, #tpu.memory_space<vmem>> -> memref<1x512x32xf32, #tpu.memory_space<vmem>>
    %dma_start3A_681 = tpu.memref_squeeze %dma_start3A_680 : memref<1x512x32xf32, #tpu.memory_space<vmem>> -> memref<512x32xf32, #tpu.memory_space<vmem>>
    %dma_start3A_682 = arith.constant 0 : i32
    %dma_start3A_683 = tpu.memref_slice %arg6[%dma_start3A_676, %dma_start3A_682] : memref<26x512xi32, #tpu.memory_space<vmem>> -> memref<1x512xi32, #tpu.memory_space<vmem>>
    %dma_start3A_684 = tpu.memref_squeeze %dma_start3A_683 : memref<1x512xi32, #tpu.memory_space<vmem>> -> memref<512xi32, #tpu.memory_space<vmem>>
    %dma_start3A_685 = arith.constant 0 : i32
    %dma_start3A_686 = arith.constant 0 : i32
    %dma_start3A_687 = tpu.memref_slice %arg3[%dma_start3A_675, %dma_start3A_685, %dma_start3A_686] : memref<26x100000x32xf32, #tpu.memory_space<hbm>> -> memref<1x100000x32xf32, #tpu.memory_space<hbm>>
    %dma_start3A_688 = tpu.memref_squeeze %dma_start3A_687 : memref<1x100000x32xf32, #tpu.memory_space<hbm>> -> memref<100000x32xf32, #tpu.memory_space<hbm>>
    %dma_start3A_689 = arith.constant 0 : i32
    %dma_start3A_690 = arith.constant 0 : i32
    %dma_start3A_691 = tpu.memref_slice %dma_start3A_688[%dma_start3A_689, %dma_start3A_690] : memref<100000x32xf32, #tpu.memory_space<hbm>> -> memref<100000x32xf32, #tpu.memory_space<hbm>>
    tpu.enqueue_indirect_dma source(%dma_start3A_691 : memref<100000x32xf32, #tpu.memory_space<hbm>>) target(%dma_start3A_681 : memref<512x32xf32, #tpu.memory_space<vmem>>) offsets(%dma_start3A_684 : memref<512xi32, #tpu.memory_space<vmem>>) semaphore(%arg9 : memref<!tpu.dma_semaphore, #tpu.memory_space<semaphore_mem>>)
    %dma_wait3A_692 = arith.constant 11 : i32
    %dma_wait3A_693 = arith.constant 11 : i32
    %dma_wait3A_694 = arith.constant 1 : i32
    %dma_wait3A_695 = arith.constant 0 : i32
    %dma_wait3A_696 = arith.constant 0 : i32
    %dma_wait3A_697 = tpu.memref_slice %arg7[%dma_wait3A_694, %dma_wait3A_695, %dma_wait3A_696] : memref<2x512x32xf32, #tpu.memory_space<vmem>> -> memref<1x512x32xf32, #tpu.memory_space<vmem>>
    %dma_wait3A_698 = tpu.memref_squeeze %dma_wait3A_697 : memref<1x512x32xf32, #tpu.memory_space<vmem>> -> memref<512x32xf32, #tpu.memory_space<vmem>>
    %dma_wait3A_699 = arith.constant 0 : i32
    %dma_wait3A_700 = tpu.memref_slice %arg6[%dma_wait3A_693, %dma_wait3A_699] : memref<26x512xi32, #tpu.memory_space<vmem>> -> memref<1x512xi32, #tpu.memory_space<vmem>>
    %dma_wait3A_701 = tpu.memref_squeeze %dma_wait3A_700 : memref<1x512xi32, #tpu.memory_space<vmem>> -> memref<512xi32, #tpu.memory_space<vmem>>
    %dma_wait3A_702 = arith.constant 0 : i32
    %dma_wait3A_703 = arith.constant 0 : i32
    %dma_wait3A_704 = tpu.memref_slice %arg3[%dma_wait3A_692, %dma_wait3A_702, %dma_wait3A_703] : memref<26x100000x32xf32, #tpu.memory_space<hbm>> -> memref<1x100000x32xf32, #tpu.memory_space<hbm>>
    %dma_wait3A_705 = tpu.memref_squeeze %dma_wait3A_704 : memref<1x100000x32xf32, #tpu.memory_space<hbm>> -> memref<100000x32xf32, #tpu.memory_space<hbm>>
    %dma_wait3A_706 = arith.constant 0 : i32
    %dma_wait3A_707 = arith.constant 0 : i32
    %dma_wait3A_708 = tpu.memref_slice %dma_wait3A_705[%dma_wait3A_706, %dma_wait3A_707] : memref<100000x32xf32, #tpu.memory_space<hbm>> -> memref<100000x32xf32, #tpu.memory_space<hbm>>
    tpu.wait_indirect_dma semaphore(%arg9 : memref<!tpu.dma_semaphore, #tpu.memory_space<semaphore_mem>>) src(%dma_wait3A_708 : memref<100000x32xf32, #tpu.memory_space<hbm>>) dst(%dma_wait3A_698 : memref<512x32xf32, #tpu.memory_space<vmem>>)
    %add3A_709 = arith.constant 180224 : i32
    %add3A_710 = arith.addi %add3A_709, %mul3A_2 : i32
    %dma_start3A_711 = arith.constant 1 : i32
    %dma_start3A_712 = arith.constant 0 : i32
    %dma_start3A_713 = arith.constant 0 : i32
    %dma_start3A_714 = tpu.memref_slice %arg7[%dma_start3A_711, %dma_start3A_712, %dma_start3A_713] : memref<2x512x32xf32, #tpu.memory_space<vmem>> -> memref<1x512x32xf32, #tpu.memory_space<vmem>>
    %dma_start3A_715 = tpu.memref_squeeze %dma_start3A_714 : memref<1x512x32xf32, #tpu.memory_space<vmem>> -> memref<512x32xf32, #tpu.memory_space<vmem>>
    %dma_start3A_716 = arith.constant 0 : i32
    %dma_start3A_717 = tpu.memref_slice %arg4[%add3A_710, %dma_start3A_716] : memref<425984x128xf32, #tpu.memory_space<hbm>> -> memref<512x32xf32, #tpu.memory_space<hbm>>
    %dma_start3A_718 = arith.constant 0 : i32
    %dma_start3A_719 = tpu.memref_slice %arg4[%add3A_710, %dma_start3A_718] : memref<425984x128xf32, #tpu.memory_space<hbm>> -> memref<512x32xf32, #tpu.memory_space<hbm>>
    %dma_start3A_720 = arith.constant 0 : i32
    %dma_start3A_721 = arith.constant 0 : i32
    %dma_start3A_722 = tpu.memref_slice %arg7[%dma_start3A_711, %dma_start3A_720, %dma_start3A_721] : memref<2x512x32xf32, #tpu.memory_space<vmem>> -> memref<1x512x32xf32, #tpu.memory_space<vmem>>
    %dma_start3A_723 = tpu.memref_squeeze %dma_start3A_722 : memref<1x512x32xf32, #tpu.memory_space<vmem>> -> memref<512x32xf32, #tpu.memory_space<vmem>>
    tpu.enqueue_dma source(%dma_start3A_723 : memref<512x32xf32, #tpu.memory_space<vmem>>) target(%dma_start3A_719 : memref<512x32xf32, #tpu.memory_space<hbm>>) target_semaphore(%arg11 : memref<!tpu.dma_semaphore, #tpu.memory_space<semaphore_mem>>)
    %dma_wait3A_724 = arith.constant 0 : i32
    %dma_wait3A_725 = arith.constant 0 : i32
    %dma_wait3A_726 = arith.constant 0 : i32
    %dma_wait3A_727 = tpu.memref_slice %arg7[%dma_wait3A_724, %dma_wait3A_725, %dma_wait3A_726] : memref<2x512x32xf32, #tpu.memory_space<vmem>> -> memref<1x512x32xf32, #tpu.memory_space<vmem>>
    %dma_wait3A_728 = tpu.memref_squeeze %dma_wait3A_727 : memref<1x512x32xf32, #tpu.memory_space<vmem>> -> memref<512x32xf32, #tpu.memory_space<vmem>>
    %dma_wait3A_729 = arith.constant 0 : i32
    %dma_wait3A_730 = tpu.memref_slice %arg4[%add3A_648, %dma_wait3A_729] : memref<425984x128xf32, #tpu.memory_space<hbm>> -> memref<512x32xf32, #tpu.memory_space<hbm>>
    %dma_wait3A_731 = arith.constant 0 : i32
    %dma_wait3A_732 = tpu.memref_slice %arg4[%add3A_648, %dma_wait3A_731] : memref<425984x128xf32, #tpu.memory_space<hbm>> -> memref<512x32xf32, #tpu.memory_space<hbm>>
    %dma_wait3A_733 = arith.constant 0 : i32
    %dma_wait3A_734 = arith.constant 0 : i32
    %dma_wait3A_735 = tpu.memref_slice %arg7[%dma_wait3A_724, %dma_wait3A_733, %dma_wait3A_734] : memref<2x512x32xf32, #tpu.memory_space<vmem>> -> memref<1x512x32xf32, #tpu.memory_space<vmem>>
    %dma_wait3A_736 = tpu.memref_squeeze %dma_wait3A_735 : memref<1x512x32xf32, #tpu.memory_space<vmem>> -> memref<512x32xf32, #tpu.memory_space<vmem>>
    tpu.wait_dma2 semaphore(%arg10 : memref<!tpu.dma_semaphore, #tpu.memory_space<semaphore_mem>>) src(%dma_wait3A_736 : memref<512x32xf32, #tpu.memory_space<vmem>>) dst(%dma_wait3A_732 : memref<512x32xf32, #tpu.memory_space<hbm>>)
    %dma_start3A_737 = arith.constant 12 : i32
    %dma_start3A_738 = arith.constant 12 : i32
    %dma_start3A_739 = arith.constant 0 : i32
    %dma_start3A_740 = arith.constant 0 : i32
    %dma_start3A_741 = arith.constant 0 : i32
    %dma_start3A_742 = tpu.memref_slice %arg7[%dma_start3A_739, %dma_start3A_740, %dma_start3A_741] : memref<2x512x32xf32, #tpu.memory_space<vmem>> -> memref<1x512x32xf32, #tpu.memory_space<vmem>>
    %dma_start3A_743 = tpu.memref_squeeze %dma_start3A_742 : memref<1x512x32xf32, #tpu.memory_space<vmem>> -> memref<512x32xf32, #tpu.memory_space<vmem>>
    %dma_start3A_744 = arith.constant 0 : i32
    %dma_start3A_745 = tpu.memref_slice %arg6[%dma_start3A_738, %dma_start3A_744] : memref<26x512xi32, #tpu.memory_space<vmem>> -> memref<1x512xi32, #tpu.memory_space<vmem>>
    %dma_start3A_746 = tpu.memref_squeeze %dma_start3A_745 : memref<1x512xi32, #tpu.memory_space<vmem>> -> memref<512xi32, #tpu.memory_space<vmem>>
    %dma_start3A_747 = arith.constant 0 : i32
    %dma_start3A_748 = arith.constant 0 : i32
    %dma_start3A_749 = tpu.memref_slice %arg3[%dma_start3A_737, %dma_start3A_747, %dma_start3A_748] : memref<26x100000x32xf32, #tpu.memory_space<hbm>> -> memref<1x100000x32xf32, #tpu.memory_space<hbm>>
    %dma_start3A_750 = tpu.memref_squeeze %dma_start3A_749 : memref<1x100000x32xf32, #tpu.memory_space<hbm>> -> memref<100000x32xf32, #tpu.memory_space<hbm>>
    %dma_start3A_751 = arith.constant 0 : i32
    %dma_start3A_752 = arith.constant 0 : i32
    %dma_start3A_753 = tpu.memref_slice %dma_start3A_750[%dma_start3A_751, %dma_start3A_752] : memref<100000x32xf32, #tpu.memory_space<hbm>> -> memref<100000x32xf32, #tpu.memory_space<hbm>>
    tpu.enqueue_indirect_dma source(%dma_start3A_753 : memref<100000x32xf32, #tpu.memory_space<hbm>>) target(%dma_start3A_743 : memref<512x32xf32, #tpu.memory_space<vmem>>) offsets(%dma_start3A_746 : memref<512xi32, #tpu.memory_space<vmem>>) semaphore(%arg8 : memref<!tpu.dma_semaphore, #tpu.memory_space<semaphore_mem>>)
    %dma_wait3A_754 = arith.constant 12 : i32
    %dma_wait3A_755 = arith.constant 12 : i32
    %dma_wait3A_756 = arith.constant 0 : i32
    %dma_wait3A_757 = arith.constant 0 : i32
    %dma_wait3A_758 = arith.constant 0 : i32
    %dma_wait3A_759 = tpu.memref_slice %arg7[%dma_wait3A_756, %dma_wait3A_757, %dma_wait3A_758] : memref<2x512x32xf32, #tpu.memory_space<vmem>> -> memref<1x512x32xf32, #tpu.memory_space<vmem>>
    %dma_wait3A_760 = tpu.memref_squeeze %dma_wait3A_759 : memref<1x512x32xf32, #tpu.memory_space<vmem>> -> memref<512x32xf32, #tpu.memory_space<vmem>>
    %dma_wait3A_761 = arith.constant 0 : i32
    %dma_wait3A_762 = tpu.memref_slice %arg6[%dma_wait3A_755, %dma_wait3A_761] : memref<26x512xi32, #tpu.memory_space<vmem>> -> memref<1x512xi32, #tpu.memory_space<vmem>>
    %dma_wait3A_763 = tpu.memref_squeeze %dma_wait3A_762 : memref<1x512xi32, #tpu.memory_space<vmem>> -> memref<512xi32, #tpu.memory_space<vmem>>
    %dma_wait3A_764 = arith.constant 0 : i32
    %dma_wait3A_765 = arith.constant 0 : i32
    %dma_wait3A_766 = tpu.memref_slice %arg3[%dma_wait3A_754, %dma_wait3A_764, %dma_wait3A_765] : memref<26x100000x32xf32, #tpu.memory_space<hbm>> -> memref<1x100000x32xf32, #tpu.memory_space<hbm>>
    %dma_wait3A_767 = tpu.memref_squeeze %dma_wait3A_766 : memref<1x100000x32xf32, #tpu.memory_space<hbm>> -> memref<100000x32xf32, #tpu.memory_space<hbm>>
    %dma_wait3A_768 = arith.constant 0 : i32
    %dma_wait3A_769 = arith.constant 0 : i32
    %dma_wait3A_770 = tpu.memref_slice %dma_wait3A_767[%dma_wait3A_768, %dma_wait3A_769] : memref<100000x32xf32, #tpu.memory_space<hbm>> -> memref<100000x32xf32, #tpu.memory_space<hbm>>
    tpu.wait_indirect_dma semaphore(%arg8 : memref<!tpu.dma_semaphore, #tpu.memory_space<semaphore_mem>>) src(%dma_wait3A_770 : memref<100000x32xf32, #tpu.memory_space<hbm>>) dst(%dma_wait3A_760 : memref<512x32xf32, #tpu.memory_space<vmem>>)
    %add3A_771 = arith.constant 196608 : i32
    %add3A_772 = arith.addi %add3A_771, %mul3A_2 : i32
    %dma_start3A_773 = arith.constant 0 : i32
    %dma_start3A_774 = arith.constant 0 : i32
    %dma_start3A_775 = arith.constant 0 : i32
    %dma_start3A_776 = tpu.memref_slice %arg7[%dma_start3A_773, %dma_start3A_774, %dma_start3A_775] : memref<2x512x32xf32, #tpu.memory_space<vmem>> -> memref<1x512x32xf32, #tpu.memory_space<vmem>>
    %dma_start3A_777 = tpu.memref_squeeze %dma_start3A_776 : memref<1x512x32xf32, #tpu.memory_space<vmem>> -> memref<512x32xf32, #tpu.memory_space<vmem>>
    %dma_start3A_778 = arith.constant 0 : i32
    %dma_start3A_779 = tpu.memref_slice %arg4[%add3A_772, %dma_start3A_778] : memref<425984x128xf32, #tpu.memory_space<hbm>> -> memref<512x32xf32, #tpu.memory_space<hbm>>
    %dma_start3A_780 = arith.constant 0 : i32
    %dma_start3A_781 = tpu.memref_slice %arg4[%add3A_772, %dma_start3A_780] : memref<425984x128xf32, #tpu.memory_space<hbm>> -> memref<512x32xf32, #tpu.memory_space<hbm>>
    %dma_start3A_782 = arith.constant 0 : i32
    %dma_start3A_783 = arith.constant 0 : i32
    %dma_start3A_784 = tpu.memref_slice %arg7[%dma_start3A_773, %dma_start3A_782, %dma_start3A_783] : memref<2x512x32xf32, #tpu.memory_space<vmem>> -> memref<1x512x32xf32, #tpu.memory_space<vmem>>
    %dma_start3A_785 = tpu.memref_squeeze %dma_start3A_784 : memref<1x512x32xf32, #tpu.memory_space<vmem>> -> memref<512x32xf32, #tpu.memory_space<vmem>>
    tpu.enqueue_dma source(%dma_start3A_785 : memref<512x32xf32, #tpu.memory_space<vmem>>) target(%dma_start3A_781 : memref<512x32xf32, #tpu.memory_space<hbm>>) target_semaphore(%arg10 : memref<!tpu.dma_semaphore, #tpu.memory_space<semaphore_mem>>)
    %dma_wait3A_786 = arith.constant 1 : i32
    %dma_wait3A_787 = arith.constant 0 : i32
    %dma_wait3A_788 = arith.constant 0 : i32
    %dma_wait3A_789 = tpu.memref_slice %arg7[%dma_wait3A_786, %dma_wait3A_787, %dma_wait3A_788] : memref<2x512x32xf32, #tpu.memory_space<vmem>> -> memref<1x512x32xf32, #tpu.memory_space<vmem>>
    %dma_wait3A_790 = tpu.memref_squeeze %dma_wait3A_789 : memref<1x512x32xf32, #tpu.memory_space<vmem>> -> memref<512x32xf32, #tpu.memory_space<vmem>>
    %dma_wait3A_791 = arith.constant 0 : i32
    %dma_wait3A_792 = tpu.memref_slice %arg4[%add3A_710, %dma_wait3A_791] : memref<425984x128xf32, #tpu.memory_space<hbm>> -> memref<512x32xf32, #tpu.memory_space<hbm>>
    %dma_wait3A_793 = arith.constant 0 : i32
    %dma_wait3A_794 = tpu.memref_slice %arg4[%add3A_710, %dma_wait3A_793] : memref<425984x128xf32, #tpu.memory_space<hbm>> -> memref<512x32xf32, #tpu.memory_space<hbm>>
    %dma_wait3A_795 = arith.constant 0 : i32
    %dma_wait3A_796 = arith.constant 0 : i32
    %dma_wait3A_797 = tpu.memref_slice %arg7[%dma_wait3A_786, %dma_wait3A_795, %dma_wait3A_796] : memref<2x512x32xf32, #tpu.memory_space<vmem>> -> memref<1x512x32xf32, #tpu.memory_space<vmem>>
    %dma_wait3A_798 = tpu.memref_squeeze %dma_wait3A_797 : memref<1x512x32xf32, #tpu.memory_space<vmem>> -> memref<512x32xf32, #tpu.memory_space<vmem>>
    tpu.wait_dma2 semaphore(%arg11 : memref<!tpu.dma_semaphore, #tpu.memory_space<semaphore_mem>>) src(%dma_wait3A_798 : memref<512x32xf32, #tpu.memory_space<vmem>>) dst(%dma_wait3A_794 : memref<512x32xf32, #tpu.memory_space<hbm>>)
    %dma_start3A_799 = arith.constant 13 : i32
    %dma_start3A_800 = arith.constant 13 : i32
    %dma_start3A_801 = arith.constant 1 : i32
    %dma_start3A_802 = arith.constant 0 : i32
    %dma_start3A_803 = arith.constant 0 : i32
    %dma_start3A_804 = tpu.memref_slice %arg7[%dma_start3A_801, %dma_start3A_802, %dma_start3A_803] : memref<2x512x32xf32, #tpu.memory_space<vmem>> -> memref<1x512x32xf32, #tpu.memory_space<vmem>>
    %dma_start3A_805 = tpu.memref_squeeze %dma_start3A_804 : memref<1x512x32xf32, #tpu.memory_space<vmem>> -> memref<512x32xf32, #tpu.memory_space<vmem>>
    %dma_start3A_806 = arith.constant 0 : i32
    %dma_start3A_807 = tpu.memref_slice %arg6[%dma_start3A_800, %dma_start3A_806] : memref<26x512xi32, #tpu.memory_space<vmem>> -> memref<1x512xi32, #tpu.memory_space<vmem>>
    %dma_start3A_808 = tpu.memref_squeeze %dma_start3A_807 : memref<1x512xi32, #tpu.memory_space<vmem>> -> memref<512xi32, #tpu.memory_space<vmem>>
    %dma_start3A_809 = arith.constant 0 : i32
    %dma_start3A_810 = arith.constant 0 : i32
    %dma_start3A_811 = tpu.memref_slice %arg3[%dma_start3A_799, %dma_start3A_809, %dma_start3A_810] : memref<26x100000x32xf32, #tpu.memory_space<hbm>> -> memref<1x100000x32xf32, #tpu.memory_space<hbm>>
    %dma_start3A_812 = tpu.memref_squeeze %dma_start3A_811 : memref<1x100000x32xf32, #tpu.memory_space<hbm>> -> memref<100000x32xf32, #tpu.memory_space<hbm>>
    %dma_start3A_813 = arith.constant 0 : i32
    %dma_start3A_814 = arith.constant 0 : i32
    %dma_start3A_815 = tpu.memref_slice %dma_start3A_812[%dma_start3A_813, %dma_start3A_814] : memref<100000x32xf32, #tpu.memory_space<hbm>> -> memref<100000x32xf32, #tpu.memory_space<hbm>>
    tpu.enqueue_indirect_dma source(%dma_start3A_815 : memref<100000x32xf32, #tpu.memory_space<hbm>>) target(%dma_start3A_805 : memref<512x32xf32, #tpu.memory_space<vmem>>) offsets(%dma_start3A_808 : memref<512xi32, #tpu.memory_space<vmem>>) semaphore(%arg9 : memref<!tpu.dma_semaphore, #tpu.memory_space<semaphore_mem>>)
    %dma_wait3A_816 = arith.constant 13 : i32
    %dma_wait3A_817 = arith.constant 13 : i32
    %dma_wait3A_818 = arith.constant 1 : i32
    %dma_wait3A_819 = arith.constant 0 : i32
    %dma_wait3A_820 = arith.constant 0 : i32
    %dma_wait3A_821 = tpu.memref_slice %arg7[%dma_wait3A_818, %dma_wait3A_819, %dma_wait3A_820] : memref<2x512x32xf32, #tpu.memory_space<vmem>> -> memref<1x512x32xf32, #tpu.memory_space<vmem>>
    %dma_wait3A_822 = tpu.memref_squeeze %dma_wait3A_821 : memref<1x512x32xf32, #tpu.memory_space<vmem>> -> memref<512x32xf32, #tpu.memory_space<vmem>>
    %dma_wait3A_823 = arith.constant 0 : i32
    %dma_wait3A_824 = tpu.memref_slice %arg6[%dma_wait3A_817, %dma_wait3A_823] : memref<26x512xi32, #tpu.memory_space<vmem>> -> memref<1x512xi32, #tpu.memory_space<vmem>>
    %dma_wait3A_825 = tpu.memref_squeeze %dma_wait3A_824 : memref<1x512xi32, #tpu.memory_space<vmem>> -> memref<512xi32, #tpu.memory_space<vmem>>
    %dma_wait3A_826 = arith.constant 0 : i32
    %dma_wait3A_827 = arith.constant 0 : i32
    %dma_wait3A_828 = tpu.memref_slice %arg3[%dma_wait3A_816, %dma_wait3A_826, %dma_wait3A_827] : memref<26x100000x32xf32, #tpu.memory_space<hbm>> -> memref<1x100000x32xf32, #tpu.memory_space<hbm>>
    %dma_wait3A_829 = tpu.memref_squeeze %dma_wait3A_828 : memref<1x100000x32xf32, #tpu.memory_space<hbm>> -> memref<100000x32xf32, #tpu.memory_space<hbm>>
    %dma_wait3A_830 = arith.constant 0 : i32
    %dma_wait3A_831 = arith.constant 0 : i32
    %dma_wait3A_832 = tpu.memref_slice %dma_wait3A_829[%dma_wait3A_830, %dma_wait3A_831] : memref<100000x32xf32, #tpu.memory_space<hbm>> -> memref<100000x32xf32, #tpu.memory_space<hbm>>
    tpu.wait_indirect_dma semaphore(%arg9 : memref<!tpu.dma_semaphore, #tpu.memory_space<semaphore_mem>>) src(%dma_wait3A_832 : memref<100000x32xf32, #tpu.memory_space<hbm>>) dst(%dma_wait3A_822 : memref<512x32xf32, #tpu.memory_space<vmem>>)
    %add3A_833 = arith.constant 212992 : i32
    %add3A_834 = arith.addi %add3A_833, %mul3A_2 : i32
    %dma_start3A_835 = arith.constant 1 : i32
    %dma_start3A_836 = arith.constant 0 : i32
    %dma_start3A_837 = arith.constant 0 : i32
    %dma_start3A_838 = tpu.memref_slice %arg7[%dma_start3A_835, %dma_start3A_836, %dma_start3A_837] : memref<2x512x32xf32, #tpu.memory_space<vmem>> -> memref<1x512x32xf32, #tpu.memory_space<vmem>>
    %dma_start3A_839 = tpu.memref_squeeze %dma_start3A_838 : memref<1x512x32xf32, #tpu.memory_space<vmem>> -> memref<512x32xf32, #tpu.memory_space<vmem>>
    %dma_start3A_840 = arith.constant 0 : i32
    %dma_start3A_841 = tpu.memref_slice %arg4[%add3A_834, %dma_start3A_840] : memref<425984x128xf32, #tpu.memory_space<hbm>> -> memref<512x32xf32, #tpu.memory_space<hbm>>
    %dma_start3A_842 = arith.constant 0 : i32
    %dma_start3A_843 = tpu.memref_slice %arg4[%add3A_834, %dma_start3A_842] : memref<425984x128xf32, #tpu.memory_space<hbm>> -> memref<512x32xf32, #tpu.memory_space<hbm>>
    %dma_start3A_844 = arith.constant 0 : i32
    %dma_start3A_845 = arith.constant 0 : i32
    %dma_start3A_846 = tpu.memref_slice %arg7[%dma_start3A_835, %dma_start3A_844, %dma_start3A_845] : memref<2x512x32xf32, #tpu.memory_space<vmem>> -> memref<1x512x32xf32, #tpu.memory_space<vmem>>
    %dma_start3A_847 = tpu.memref_squeeze %dma_start3A_846 : memref<1x512x32xf32, #tpu.memory_space<vmem>> -> memref<512x32xf32, #tpu.memory_space<vmem>>
    tpu.enqueue_dma source(%dma_start3A_847 : memref<512x32xf32, #tpu.memory_space<vmem>>) target(%dma_start3A_843 : memref<512x32xf32, #tpu.memory_space<hbm>>) target_semaphore(%arg11 : memref<!tpu.dma_semaphore, #tpu.memory_space<semaphore_mem>>)
    %dma_wait3A_848 = arith.constant 0 : i32
    %dma_wait3A_849 = arith.constant 0 : i32
    %dma_wait3A_850 = arith.constant 0 : i32
    %dma_wait3A_851 = tpu.memref_slice %arg7[%dma_wait3A_848, %dma_wait3A_849, %dma_wait3A_850] : memref<2x512x32xf32, #tpu.memory_space<vmem>> -> memref<1x512x32xf32, #tpu.memory_space<vmem>>
    %dma_wait3A_852 = tpu.memref_squeeze %dma_wait3A_851 : memref<1x512x32xf32, #tpu.memory_space<vmem>> -> memref<512x32xf32, #tpu.memory_space<vmem>>
    %dma_wait3A_853 = arith.constant 0 : i32
    %dma_wait3A_854 = tpu.memref_slice %arg4[%add3A_772, %dma_wait3A_853] : memref<425984x128xf32, #tpu.memory_space<hbm>> -> memref<512x32xf32, #tpu.memory_space<hbm>>
    %dma_wait3A_855 = arith.constant 0 : i32
    %dma_wait3A_856 = tpu.memref_slice %arg4[%add3A_772, %dma_wait3A_855] : memref<425984x128xf32, #tpu.memory_space<hbm>> -> memref<512x32xf32, #tpu.memory_space<hbm>>
    %dma_wait3A_857 = arith.constant 0 : i32
    %dma_wait3A_858 = arith.constant 0 : i32
    %dma_wait3A_859 = tpu.memref_slice %arg7[%dma_wait3A_848, %dma_wait3A_857, %dma_wait3A_858] : memref<2x512x32xf32, #tpu.memory_space<vmem>> -> memref<1x512x32xf32, #tpu.memory_space<vmem>>
    %dma_wait3A_860 = tpu.memref_squeeze %dma_wait3A_859 : memref<1x512x32xf32, #tpu.memory_space<vmem>> -> memref<512x32xf32, #tpu.memory_space<vmem>>
    tpu.wait_dma2 semaphore(%arg10 : memref<!tpu.dma_semaphore, #tpu.memory_space<semaphore_mem>>) src(%dma_wait3A_860 : memref<512x32xf32, #tpu.memory_space<vmem>>) dst(%dma_wait3A_856 : memref<512x32xf32, #tpu.memory_space<hbm>>)
    %dma_start3A_861 = arith.constant 14 : i32
    %dma_start3A_862 = arith.constant 14 : i32
    %dma_start3A_863 = arith.constant 0 : i32
    %dma_start3A_864 = arith.constant 0 : i32
    %dma_start3A_865 = arith.constant 0 : i32
    %dma_start3A_866 = tpu.memref_slice %arg7[%dma_start3A_863, %dma_start3A_864, %dma_start3A_865] : memref<2x512x32xf32, #tpu.memory_space<vmem>> -> memref<1x512x32xf32, #tpu.memory_space<vmem>>
    %dma_start3A_867 = tpu.memref_squeeze %dma_start3A_866 : memref<1x512x32xf32, #tpu.memory_space<vmem>> -> memref<512x32xf32, #tpu.memory_space<vmem>>
    %dma_start3A_868 = arith.constant 0 : i32
    %dma_start3A_869 = tpu.memref_slice %arg6[%dma_start3A_862, %dma_start3A_868] : memref<26x512xi32, #tpu.memory_space<vmem>> -> memref<1x512xi32, #tpu.memory_space<vmem>>
    %dma_start3A_870 = tpu.memref_squeeze %dma_start3A_869 : memref<1x512xi32, #tpu.memory_space<vmem>> -> memref<512xi32, #tpu.memory_space<vmem>>
    %dma_start3A_871 = arith.constant 0 : i32
    %dma_start3A_872 = arith.constant 0 : i32
    %dma_start3A_873 = tpu.memref_slice %arg3[%dma_start3A_861, %dma_start3A_871, %dma_start3A_872] : memref<26x100000x32xf32, #tpu.memory_space<hbm>> -> memref<1x100000x32xf32, #tpu.memory_space<hbm>>
    %dma_start3A_874 = tpu.memref_squeeze %dma_start3A_873 : memref<1x100000x32xf32, #tpu.memory_space<hbm>> -> memref<100000x32xf32, #tpu.memory_space<hbm>>
    %dma_start3A_875 = arith.constant 0 : i32
    %dma_start3A_876 = arith.constant 0 : i32
    %dma_start3A_877 = tpu.memref_slice %dma_start3A_874[%dma_start3A_875, %dma_start3A_876] : memref<100000x32xf32, #tpu.memory_space<hbm>> -> memref<100000x32xf32, #tpu.memory_space<hbm>>
    tpu.enqueue_indirect_dma source(%dma_start3A_877 : memref<100000x32xf32, #tpu.memory_space<hbm>>) target(%dma_start3A_867 : memref<512x32xf32, #tpu.memory_space<vmem>>) offsets(%dma_start3A_870 : memref<512xi32, #tpu.memory_space<vmem>>) semaphore(%arg8 : memref<!tpu.dma_semaphore, #tpu.memory_space<semaphore_mem>>)
    %dma_wait3A_878 = arith.constant 14 : i32
    %dma_wait3A_879 = arith.constant 14 : i32
    %dma_wait3A_880 = arith.constant 0 : i32
    %dma_wait3A_881 = arith.constant 0 : i32
    %dma_wait3A_882 = arith.constant 0 : i32
    %dma_wait3A_883 = tpu.memref_slice %arg7[%dma_wait3A_880, %dma_wait3A_881, %dma_wait3A_882] : memref<2x512x32xf32, #tpu.memory_space<vmem>> -> memref<1x512x32xf32, #tpu.memory_space<vmem>>
    %dma_wait3A_884 = tpu.memref_squeeze %dma_wait3A_883 : memref<1x512x32xf32, #tpu.memory_space<vmem>> -> memref<512x32xf32, #tpu.memory_space<vmem>>
    %dma_wait3A_885 = arith.constant 0 : i32
    %dma_wait3A_886 = tpu.memref_slice %arg6[%dma_wait3A_879, %dma_wait3A_885] : memref<26x512xi32, #tpu.memory_space<vmem>> -> memref<1x512xi32, #tpu.memory_space<vmem>>
    %dma_wait3A_887 = tpu.memref_squeeze %dma_wait3A_886 : memref<1x512xi32, #tpu.memory_space<vmem>> -> memref<512xi32, #tpu.memory_space<vmem>>
    %dma_wait3A_888 = arith.constant 0 : i32
    %dma_wait3A_889 = arith.constant 0 : i32
    %dma_wait3A_890 = tpu.memref_slice %arg3[%dma_wait3A_878, %dma_wait3A_888, %dma_wait3A_889] : memref<26x100000x32xf32, #tpu.memory_space<hbm>> -> memref<1x100000x32xf32, #tpu.memory_space<hbm>>
    %dma_wait3A_891 = tpu.memref_squeeze %dma_wait3A_890 : memref<1x100000x32xf32, #tpu.memory_space<hbm>> -> memref<100000x32xf32, #tpu.memory_space<hbm>>
    %dma_wait3A_892 = arith.constant 0 : i32
    %dma_wait3A_893 = arith.constant 0 : i32
    %dma_wait3A_894 = tpu.memref_slice %dma_wait3A_891[%dma_wait3A_892, %dma_wait3A_893] : memref<100000x32xf32, #tpu.memory_space<hbm>> -> memref<100000x32xf32, #tpu.memory_space<hbm>>
    tpu.wait_indirect_dma semaphore(%arg8 : memref<!tpu.dma_semaphore, #tpu.memory_space<semaphore_mem>>) src(%dma_wait3A_894 : memref<100000x32xf32, #tpu.memory_space<hbm>>) dst(%dma_wait3A_884 : memref<512x32xf32, #tpu.memory_space<vmem>>)
    %add3A_895 = arith.constant 229376 : i32
    %add3A_896 = arith.addi %add3A_895, %mul3A_2 : i32
    %dma_start3A_897 = arith.constant 0 : i32
    %dma_start3A_898 = arith.constant 0 : i32
    %dma_start3A_899 = arith.constant 0 : i32
    %dma_start3A_900 = tpu.memref_slice %arg7[%dma_start3A_897, %dma_start3A_898, %dma_start3A_899] : memref<2x512x32xf32, #tpu.memory_space<vmem>> -> memref<1x512x32xf32, #tpu.memory_space<vmem>>
    %dma_start3A_901 = tpu.memref_squeeze %dma_start3A_900 : memref<1x512x32xf32, #tpu.memory_space<vmem>> -> memref<512x32xf32, #tpu.memory_space<vmem>>
    %dma_start3A_902 = arith.constant 0 : i32
    %dma_start3A_903 = tpu.memref_slice %arg4[%add3A_896, %dma_start3A_902] : memref<425984x128xf32, #tpu.memory_space<hbm>> -> memref<512x32xf32, #tpu.memory_space<hbm>>
    %dma_start3A_904 = arith.constant 0 : i32
    %dma_start3A_905 = tpu.memref_slice %arg4[%add3A_896, %dma_start3A_904] : memref<425984x128xf32, #tpu.memory_space<hbm>> -> memref<512x32xf32, #tpu.memory_space<hbm>>
    %dma_start3A_906 = arith.constant 0 : i32
    %dma_start3A_907 = arith.constant 0 : i32
    %dma_start3A_908 = tpu.memref_slice %arg7[%dma_start3A_897, %dma_start3A_906, %dma_start3A_907] : memref<2x512x32xf32, #tpu.memory_space<vmem>> -> memref<1x512x32xf32, #tpu.memory_space<vmem>>
    %dma_start3A_909 = tpu.memref_squeeze %dma_start3A_908 : memref<1x512x32xf32, #tpu.memory_space<vmem>> -> memref<512x32xf32, #tpu.memory_space<vmem>>
    tpu.enqueue_dma source(%dma_start3A_909 : memref<512x32xf32, #tpu.memory_space<vmem>>) target(%dma_start3A_905 : memref<512x32xf32, #tpu.memory_space<hbm>>) target_semaphore(%arg10 : memref<!tpu.dma_semaphore, #tpu.memory_space<semaphore_mem>>)
    %dma_wait3A_910 = arith.constant 1 : i32
    %dma_wait3A_911 = arith.constant 0 : i32
    %dma_wait3A_912 = arith.constant 0 : i32
    %dma_wait3A_913 = tpu.memref_slice %arg7[%dma_wait3A_910, %dma_wait3A_911, %dma_wait3A_912] : memref<2x512x32xf32, #tpu.memory_space<vmem>> -> memref<1x512x32xf32, #tpu.memory_space<vmem>>
    %dma_wait3A_914 = tpu.memref_squeeze %dma_wait3A_913 : memref<1x512x32xf32, #tpu.memory_space<vmem>> -> memref<512x32xf32, #tpu.memory_space<vmem>>
    %dma_wait3A_915 = arith.constant 0 : i32
    %dma_wait3A_916 = tpu.memref_slice %arg4[%add3A_834, %dma_wait3A_915] : memref<425984x128xf32, #tpu.memory_space<hbm>> -> memref<512x32xf32, #tpu.memory_space<hbm>>
    %dma_wait3A_917 = arith.constant 0 : i32
    %dma_wait3A_918 = tpu.memref_slice %arg4[%add3A_834, %dma_wait3A_917] : memref<425984x128xf32, #tpu.memory_space<hbm>> -> memref<512x32xf32, #tpu.memory_space<hbm>>
    %dma_wait3A_919 = arith.constant 0 : i32
    %dma_wait3A_920 = arith.constant 0 : i32
    %dma_wait3A_921 = tpu.memref_slice %arg7[%dma_wait3A_910, %dma_wait3A_919, %dma_wait3A_920] : memref<2x512x32xf32, #tpu.memory_space<vmem>> -> memref<1x512x32xf32, #tpu.memory_space<vmem>>
    %dma_wait3A_922 = tpu.memref_squeeze %dma_wait3A_921 : memref<1x512x32xf32, #tpu.memory_space<vmem>> -> memref<512x32xf32, #tpu.memory_space<vmem>>
    tpu.wait_dma2 semaphore(%arg11 : memref<!tpu.dma_semaphore, #tpu.memory_space<semaphore_mem>>) src(%dma_wait3A_922 : memref<512x32xf32, #tpu.memory_space<vmem>>) dst(%dma_wait3A_918 : memref<512x32xf32, #tpu.memory_space<hbm>>)
    %dma_start3A_923 = arith.constant 15 : i32
    %dma_start3A_924 = arith.constant 15 : i32
    %dma_start3A_925 = arith.constant 1 : i32
    %dma_start3A_926 = arith.constant 0 : i32
    %dma_start3A_927 = arith.constant 0 : i32
    %dma_start3A_928 = tpu.memref_slice %arg7[%dma_start3A_925, %dma_start3A_926, %dma_start3A_927] : memref<2x512x32xf32, #tpu.memory_space<vmem>> -> memref<1x512x32xf32, #tpu.memory_space<vmem>>
    %dma_start3A_929 = tpu.memref_squeeze %dma_start3A_928 : memref<1x512x32xf32, #tpu.memory_space<vmem>> -> memref<512x32xf32, #tpu.memory_space<vmem>>
    %dma_start3A_930 = arith.constant 0 : i32
    %dma_start3A_931 = tpu.memref_slice %arg6[%dma_start3A_924, %dma_start3A_930] : memref<26x512xi32, #tpu.memory_space<vmem>> -> memref<1x512xi32, #tpu.memory_space<vmem>>
    %dma_start3A_932 = tpu.memref_squeeze %dma_start3A_931 : memref<1x512xi32, #tpu.memory_space<vmem>> -> memref<512xi32, #tpu.memory_space<vmem>>
    %dma_start3A_933 = arith.constant 0 : i32
    %dma_start3A_934 = arith.constant 0 : i32
    %dma_start3A_935 = tpu.memref_slice %arg3[%dma_start3A_923, %dma_start3A_933, %dma_start3A_934] : memref<26x100000x32xf32, #tpu.memory_space<hbm>> -> memref<1x100000x32xf32, #tpu.memory_space<hbm>>
    %dma_start3A_936 = tpu.memref_squeeze %dma_start3A_935 : memref<1x100000x32xf32, #tpu.memory_space<hbm>> -> memref<100000x32xf32, #tpu.memory_space<hbm>>
    %dma_start3A_937 = arith.constant 0 : i32
    %dma_start3A_938 = arith.constant 0 : i32
    %dma_start3A_939 = tpu.memref_slice %dma_start3A_936[%dma_start3A_937, %dma_start3A_938] : memref<100000x32xf32, #tpu.memory_space<hbm>> -> memref<100000x32xf32, #tpu.memory_space<hbm>>
    tpu.enqueue_indirect_dma source(%dma_start3A_939 : memref<100000x32xf32, #tpu.memory_space<hbm>>) target(%dma_start3A_929 : memref<512x32xf32, #tpu.memory_space<vmem>>) offsets(%dma_start3A_932 : memref<512xi32, #tpu.memory_space<vmem>>) semaphore(%arg9 : memref<!tpu.dma_semaphore, #tpu.memory_space<semaphore_mem>>)
    %dma_wait3A_940 = arith.constant 15 : i32
    %dma_wait3A_941 = arith.constant 15 : i32
    %dma_wait3A_942 = arith.constant 1 : i32
    %dma_wait3A_943 = arith.constant 0 : i32
    %dma_wait3A_944 = arith.constant 0 : i32
    %dma_wait3A_945 = tpu.memref_slice %arg7[%dma_wait3A_942, %dma_wait3A_943, %dma_wait3A_944] : memref<2x512x32xf32, #tpu.memory_space<vmem>> -> memref<1x512x32xf32, #tpu.memory_space<vmem>>
    %dma_wait3A_946 = tpu.memref_squeeze %dma_wait3A_945 : memref<1x512x32xf32, #tpu.memory_space<vmem>> -> memref<512x32xf32, #tpu.memory_space<vmem>>
    %dma_wait3A_947 = arith.constant 0 : i32
    %dma_wait3A_948 = tpu.memref_slice %arg6[%dma_wait3A_941, %dma_wait3A_947] : memref<26x512xi32, #tpu.memory_space<vmem>> -> memref<1x512xi32, #tpu.memory_space<vmem>>
    %dma_wait3A_949 = tpu.memref_squeeze %dma_wait3A_948 : memref<1x512xi32, #tpu.memory_space<vmem>> -> memref<512xi32, #tpu.memory_space<vmem>>
    %dma_wait3A_950 = arith.constant 0 : i32
    %dma_wait3A_951 = arith.constant 0 : i32
    %dma_wait3A_952 = tpu.memref_slice %arg3[%dma_wait3A_940, %dma_wait3A_950, %dma_wait3A_951] : memref<26x100000x32xf32, #tpu.memory_space<hbm>> -> memref<1x100000x32xf32, #tpu.memory_space<hbm>>
    %dma_wait3A_953 = tpu.memref_squeeze %dma_wait3A_952 : memref<1x100000x32xf32, #tpu.memory_space<hbm>> -> memref<100000x32xf32, #tpu.memory_space<hbm>>
    %dma_wait3A_954 = arith.constant 0 : i32
    %dma_wait3A_955 = arith.constant 0 : i32
    %dma_wait3A_956 = tpu.memref_slice %dma_wait3A_953[%dma_wait3A_954, %dma_wait3A_955] : memref<100000x32xf32, #tpu.memory_space<hbm>> -> memref<100000x32xf32, #tpu.memory_space<hbm>>
    tpu.wait_indirect_dma semaphore(%arg9 : memref<!tpu.dma_semaphore, #tpu.memory_space<semaphore_mem>>) src(%dma_wait3A_956 : memref<100000x32xf32, #tpu.memory_space<hbm>>) dst(%dma_wait3A_946 : memref<512x32xf32, #tpu.memory_space<vmem>>)
    %add3A_957 = arith.constant 245760 : i32
    %add3A_958 = arith.addi %add3A_957, %mul3A_2 : i32
    %dma_start3A_959 = arith.constant 1 : i32
    %dma_start3A_960 = arith.constant 0 : i32
    %dma_start3A_961 = arith.constant 0 : i32
    %dma_start3A_962 = tpu.memref_slice %arg7[%dma_start3A_959, %dma_start3A_960, %dma_start3A_961] : memref<2x512x32xf32, #tpu.memory_space<vmem>> -> memref<1x512x32xf32, #tpu.memory_space<vmem>>
    %dma_start3A_963 = tpu.memref_squeeze %dma_start3A_962 : memref<1x512x32xf32, #tpu.memory_space<vmem>> -> memref<512x32xf32, #tpu.memory_space<vmem>>
    %dma_start3A_964 = arith.constant 0 : i32
    %dma_start3A_965 = tpu.memref_slice %arg4[%add3A_958, %dma_start3A_964] : memref<425984x128xf32, #tpu.memory_space<hbm>> -> memref<512x32xf32, #tpu.memory_space<hbm>>
    %dma_start3A_966 = arith.constant 0 : i32
    %dma_start3A_967 = tpu.memref_slice %arg4[%add3A_958, %dma_start3A_966] : memref<425984x128xf32, #tpu.memory_space<hbm>> -> memref<512x32xf32, #tpu.memory_space<hbm>>
    %dma_start3A_968 = arith.constant 0 : i32
    %dma_start3A_969 = arith.constant 0 : i32
    %dma_start3A_970 = tpu.memref_slice %arg7[%dma_start3A_959, %dma_start3A_968, %dma_start3A_969] : memref<2x512x32xf32, #tpu.memory_space<vmem>> -> memref<1x512x32xf32, #tpu.memory_space<vmem>>
    %dma_start3A_971 = tpu.memref_squeeze %dma_start3A_970 : memref<1x512x32xf32, #tpu.memory_space<vmem>> -> memref<512x32xf32, #tpu.memory_space<vmem>>
    tpu.enqueue_dma source(%dma_start3A_971 : memref<512x32xf32, #tpu.memory_space<vmem>>) target(%dma_start3A_967 : memref<512x32xf32, #tpu.memory_space<hbm>>) target_semaphore(%arg11 : memref<!tpu.dma_semaphore, #tpu.memory_space<semaphore_mem>>)
    %dma_wait3A_972 = arith.constant 0 : i32
    %dma_wait3A_973 = arith.constant 0 : i32
    %dma_wait3A_974 = arith.constant 0 : i32
    %dma_wait3A_975 = tpu.memref_slice %arg7[%dma_wait3A_972, %dma_wait3A_973, %dma_wait3A_974] : memref<2x512x32xf32, #tpu.memory_space<vmem>> -> memref<1x512x32xf32, #tpu.memory_space<vmem>>
    %dma_wait3A_976 = tpu.memref_squeeze %dma_wait3A_975 : memref<1x512x32xf32, #tpu.memory_space<vmem>> -> memref<512x32xf32, #tpu.memory_space<vmem>>
    %dma_wait3A_977 = arith.constant 0 : i32
    %dma_wait3A_978 = tpu.memref_slice %arg4[%add3A_896, %dma_wait3A_977] : memref<425984x128xf32, #tpu.memory_space<hbm>> -> memref<512x32xf32, #tpu.memory_space<hbm>>
    %dma_wait3A_979 = arith.constant 0 : i32
    %dma_wait3A_980 = tpu.memref_slice %arg4[%add3A_896, %dma_wait3A_979] : memref<425984x128xf32, #tpu.memory_space<hbm>> -> memref<512x32xf32, #tpu.memory_space<hbm>>
    %dma_wait3A_981 = arith.constant 0 : i32
    %dma_wait3A_982 = arith.constant 0 : i32
    %dma_wait3A_983 = tpu.memref_slice %arg7[%dma_wait3A_972, %dma_wait3A_981, %dma_wait3A_982] : memref<2x512x32xf32, #tpu.memory_space<vmem>> -> memref<1x512x32xf32, #tpu.memory_space<vmem>>
    %dma_wait3A_984 = tpu.memref_squeeze %dma_wait3A_983 : memref<1x512x32xf32, #tpu.memory_space<vmem>> -> memref<512x32xf32, #tpu.memory_space<vmem>>
    tpu.wait_dma2 semaphore(%arg10 : memref<!tpu.dma_semaphore, #tpu.memory_space<semaphore_mem>>) src(%dma_wait3A_984 : memref<512x32xf32, #tpu.memory_space<vmem>>) dst(%dma_wait3A_980 : memref<512x32xf32, #tpu.memory_space<hbm>>)
    %dma_start3A_985 = arith.constant 16 : i32
    %dma_start3A_986 = arith.constant 16 : i32
    %dma_start3A_987 = arith.constant 0 : i32
    %dma_start3A_988 = arith.constant 0 : i32
    %dma_start3A_989 = arith.constant 0 : i32
    %dma_start3A_990 = tpu.memref_slice %arg7[%dma_start3A_987, %dma_start3A_988, %dma_start3A_989] : memref<2x512x32xf32, #tpu.memory_space<vmem>> -> memref<1x512x32xf32, #tpu.memory_space<vmem>>
    %dma_start3A_991 = tpu.memref_squeeze %dma_start3A_990 : memref<1x512x32xf32, #tpu.memory_space<vmem>> -> memref<512x32xf32, #tpu.memory_space<vmem>>
    %dma_start3A_992 = arith.constant 0 : i32
    %dma_start3A_993 = tpu.memref_slice %arg6[%dma_start3A_986, %dma_start3A_992] : memref<26x512xi32, #tpu.memory_space<vmem>> -> memref<1x512xi32, #tpu.memory_space<vmem>>
    %dma_start3A_994 = tpu.memref_squeeze %dma_start3A_993 : memref<1x512xi32, #tpu.memory_space<vmem>> -> memref<512xi32, #tpu.memory_space<vmem>>
    %dma_start3A_995 = arith.constant 0 : i32
    %dma_start3A_996 = arith.constant 0 : i32
    %dma_start3A_997 = tpu.memref_slice %arg3[%dma_start3A_985, %dma_start3A_995, %dma_start3A_996] : memref<26x100000x32xf32, #tpu.memory_space<hbm>> -> memref<1x100000x32xf32, #tpu.memory_space<hbm>>
    %dma_start3A_998 = tpu.memref_squeeze %dma_start3A_997 : memref<1x100000x32xf32, #tpu.memory_space<hbm>> -> memref<100000x32xf32, #tpu.memory_space<hbm>>
    %dma_start3A_999 = arith.constant 0 : i32
    %dma_start3A_1000 = arith.constant 0 : i32
    %dma_start3A_1001 = tpu.memref_slice %dma_start3A_998[%dma_start3A_999, %dma_start3A_1000] : memref<100000x32xf32, #tpu.memory_space<hbm>> -> memref<100000x32xf32, #tpu.memory_space<hbm>>
    tpu.enqueue_indirect_dma source(%dma_start3A_1001 : memref<100000x32xf32, #tpu.memory_space<hbm>>) target(%dma_start3A_991 : memref<512x32xf32, #tpu.memory_space<vmem>>) offsets(%dma_start3A_994 : memref<512xi32, #tpu.memory_space<vmem>>) semaphore(%arg8 : memref<!tpu.dma_semaphore, #tpu.memory_space<semaphore_mem>>)
    %dma_wait3A_1002 = arith.constant 16 : i32
    %dma_wait3A_1003 = arith.constant 16 : i32
    %dma_wait3A_1004 = arith.constant 0 : i32
    %dma_wait3A_1005 = arith.constant 0 : i32
    %dma_wait3A_1006 = arith.constant 0 : i32
    %dma_wait3A_1007 = tpu.memref_slice %arg7[%dma_wait3A_1004, %dma_wait3A_1005, %dma_wait3A_1006] : memref<2x512x32xf32, #tpu.memory_space<vmem>> -> memref<1x512x32xf32, #tpu.memory_space<vmem>>
    %dma_wait3A_1008 = tpu.memref_squeeze %dma_wait3A_1007 : memref<1x512x32xf32, #tpu.memory_space<vmem>> -> memref<512x32xf32, #tpu.memory_space<vmem>>
    %dma_wait3A_1009 = arith.constant 0 : i32
    %dma_wait3A_1010 = tpu.memref_slice %arg6[%dma_wait3A_1003, %dma_wait3A_1009] : memref<26x512xi32, #tpu.memory_space<vmem>> -> memref<1x512xi32, #tpu.memory_space<vmem>>
    %dma_wait3A_1011 = tpu.memref_squeeze %dma_wait3A_1010 : memref<1x512xi32, #tpu.memory_space<vmem>> -> memref<512xi32, #tpu.memory_space<vmem>>
    %dma_wait3A_1012 = arith.constant 0 : i32
    %dma_wait3A_1013 = arith.constant 0 : i32
    %dma_wait3A_1014 = tpu.memref_slice %arg3[%dma_wait3A_1002, %dma_wait3A_1012, %dma_wait3A_1013] : memref<26x100000x32xf32, #tpu.memory_space<hbm>> -> memref<1x100000x32xf32, #tpu.memory_space<hbm>>
    %dma_wait3A_1015 = tpu.memref_squeeze %dma_wait3A_1014 : memref<1x100000x32xf32, #tpu.memory_space<hbm>> -> memref<100000x32xf32, #tpu.memory_space<hbm>>
    %dma_wait3A_1016 = arith.constant 0 : i32
    %dma_wait3A_1017 = arith.constant 0 : i32
    %dma_wait3A_1018 = tpu.memref_slice %dma_wait3A_1015[%dma_wait3A_1016, %dma_wait3A_1017] : memref<100000x32xf32, #tpu.memory_space<hbm>> -> memref<100000x32xf32, #tpu.memory_space<hbm>>
    tpu.wait_indirect_dma semaphore(%arg8 : memref<!tpu.dma_semaphore, #tpu.memory_space<semaphore_mem>>) src(%dma_wait3A_1018 : memref<100000x32xf32, #tpu.memory_space<hbm>>) dst(%dma_wait3A_1008 : memref<512x32xf32, #tpu.memory_space<vmem>>)
    %add3A_1019 = arith.constant 262144 : i32
    %add3A_1020 = arith.addi %add3A_1019, %mul3A_2 : i32
    %dma_start3A_1021 = arith.constant 0 : i32
    %dma_start3A_1022 = arith.constant 0 : i32
    %dma_start3A_1023 = arith.constant 0 : i32
    %dma_start3A_1024 = tpu.memref_slice %arg7[%dma_start3A_1021, %dma_start3A_1022, %dma_start3A_1023] : memref<2x512x32xf32, #tpu.memory_space<vmem>> -> memref<1x512x32xf32, #tpu.memory_space<vmem>>
    %dma_start3A_1025 = tpu.memref_squeeze %dma_start3A_1024 : memref<1x512x32xf32, #tpu.memory_space<vmem>> -> memref<512x32xf32, #tpu.memory_space<vmem>>
    %dma_start3A_1026 = arith.constant 0 : i32
    %dma_start3A_1027 = tpu.memref_slice %arg4[%add3A_1020, %dma_start3A_1026] : memref<425984x128xf32, #tpu.memory_space<hbm>> -> memref<512x32xf32, #tpu.memory_space<hbm>>
    %dma_start3A_1028 = arith.constant 0 : i32
    %dma_start3A_1029 = tpu.memref_slice %arg4[%add3A_1020, %dma_start3A_1028] : memref<425984x128xf32, #tpu.memory_space<hbm>> -> memref<512x32xf32, #tpu.memory_space<hbm>>
    %dma_start3A_1030 = arith.constant 0 : i32
    %dma_start3A_1031 = arith.constant 0 : i32
    %dma_start3A_1032 = tpu.memref_slice %arg7[%dma_start3A_1021, %dma_start3A_1030, %dma_start3A_1031] : memref<2x512x32xf32, #tpu.memory_space<vmem>> -> memref<1x512x32xf32, #tpu.memory_space<vmem>>
    %dma_start3A_1033 = tpu.memref_squeeze %dma_start3A_1032 : memref<1x512x32xf32, #tpu.memory_space<vmem>> -> memref<512x32xf32, #tpu.memory_space<vmem>>
    tpu.enqueue_dma source(%dma_start3A_1033 : memref<512x32xf32, #tpu.memory_space<vmem>>) target(%dma_start3A_1029 : memref<512x32xf32, #tpu.memory_space<hbm>>) target_semaphore(%arg10 : memref<!tpu.dma_semaphore, #tpu.memory_space<semaphore_mem>>)
    %dma_wait3A_1034 = arith.constant 1 : i32
    %dma_wait3A_1035 = arith.constant 0 : i32
    %dma_wait3A_1036 = arith.constant 0 : i32
    %dma_wait3A_1037 = tpu.memref_slice %arg7[%dma_wait3A_1034, %dma_wait3A_1035, %dma_wait3A_1036] : memref<2x512x32xf32, #tpu.memory_space<vmem>> -> memref<1x512x32xf32, #tpu.memory_space<vmem>>
    %dma_wait3A_1038 = tpu.memref_squeeze %dma_wait3A_1037 : memref<1x512x32xf32, #tpu.memory_space<vmem>> -> memref<512x32xf32, #tpu.memory_space<vmem>>
    %dma_wait3A_1039 = arith.constant 0 : i32
    %dma_wait3A_1040 = tpu.memref_slice %arg4[%add3A_958, %dma_wait3A_1039] : memref<425984x128xf32, #tpu.memory_space<hbm>> -> memref<512x32xf32, #tpu.memory_space<hbm>>
    %dma_wait3A_1041 = arith.constant 0 : i32
    %dma_wait3A_1042 = tpu.memref_slice %arg4[%add3A_958, %dma_wait3A_1041] : memref<425984x128xf32, #tpu.memory_space<hbm>> -> memref<512x32xf32, #tpu.memory_space<hbm>>
    %dma_wait3A_1043 = arith.constant 0 : i32
    %dma_wait3A_1044 = arith.constant 0 : i32
    %dma_wait3A_1045 = tpu.memref_slice %arg7[%dma_wait3A_1034, %dma_wait3A_1043, %dma_wait3A_1044] : memref<2x512x32xf32, #tpu.memory_space<vmem>> -> memref<1x512x32xf32, #tpu.memory_space<vmem>>
    %dma_wait3A_1046 = tpu.memref_squeeze %dma_wait3A_1045 : memref<1x512x32xf32, #tpu.memory_space<vmem>> -> memref<512x32xf32, #tpu.memory_space<vmem>>
    tpu.wait_dma2 semaphore(%arg11 : memref<!tpu.dma_semaphore, #tpu.memory_space<semaphore_mem>>) src(%dma_wait3A_1046 : memref<512x32xf32, #tpu.memory_space<vmem>>) dst(%dma_wait3A_1042 : memref<512x32xf32, #tpu.memory_space<hbm>>)
    %dma_start3A_1047 = arith.constant 17 : i32
    %dma_start3A_1048 = arith.constant 17 : i32
    %dma_start3A_1049 = arith.constant 1 : i32
    %dma_start3A_1050 = arith.constant 0 : i32
    %dma_start3A_1051 = arith.constant 0 : i32
    %dma_start3A_1052 = tpu.memref_slice %arg7[%dma_start3A_1049, %dma_start3A_1050, %dma_start3A_1051] : memref<2x512x32xf32, #tpu.memory_space<vmem>> -> memref<1x512x32xf32, #tpu.memory_space<vmem>>
    %dma_start3A_1053 = tpu.memref_squeeze %dma_start3A_1052 : memref<1x512x32xf32, #tpu.memory_space<vmem>> -> memref<512x32xf32, #tpu.memory_space<vmem>>
    %dma_start3A_1054 = arith.constant 0 : i32
    %dma_start3A_1055 = tpu.memref_slice %arg6[%dma_start3A_1048, %dma_start3A_1054] : memref<26x512xi32, #tpu.memory_space<vmem>> -> memref<1x512xi32, #tpu.memory_space<vmem>>
    %dma_start3A_1056 = tpu.memref_squeeze %dma_start3A_1055 : memref<1x512xi32, #tpu.memory_space<vmem>> -> memref<512xi32, #tpu.memory_space<vmem>>
    %dma_start3A_1057 = arith.constant 0 : i32
    %dma_start3A_1058 = arith.constant 0 : i32
    %dma_start3A_1059 = tpu.memref_slice %arg3[%dma_start3A_1047, %dma_start3A_1057, %dma_start3A_1058] : memref<26x100000x32xf32, #tpu.memory_space<hbm>> -> memref<1x100000x32xf32, #tpu.memory_space<hbm>>
    %dma_start3A_1060 = tpu.memref_squeeze %dma_start3A_1059 : memref<1x100000x32xf32, #tpu.memory_space<hbm>> -> memref<100000x32xf32, #tpu.memory_space<hbm>>
    %dma_start3A_1061 = arith.constant 0 : i32
    %dma_start3A_1062 = arith.constant 0 : i32
    %dma_start3A_1063 = tpu.memref_slice %dma_start3A_1060[%dma_start3A_1061, %dma_start3A_1062] : memref<100000x32xf32, #tpu.memory_space<hbm>> -> memref<100000x32xf32, #tpu.memory_space<hbm>>
    tpu.enqueue_indirect_dma source(%dma_start3A_1063 : memref<100000x32xf32, #tpu.memory_space<hbm>>) target(%dma_start3A_1053 : memref<512x32xf32, #tpu.memory_space<vmem>>) offsets(%dma_start3A_1056 : memref<512xi32, #tpu.memory_space<vmem>>) semaphore(%arg9 : memref<!tpu.dma_semaphore, #tpu.memory_space<semaphore_mem>>)
    %dma_wait3A_1064 = arith.constant 17 : i32
    %dma_wait3A_1065 = arith.constant 17 : i32
    %dma_wait3A_1066 = arith.constant 1 : i32
    %dma_wait3A_1067 = arith.constant 0 : i32
    %dma_wait3A_1068 = arith.constant 0 : i32
    %dma_wait3A_1069 = tpu.memref_slice %arg7[%dma_wait3A_1066, %dma_wait3A_1067, %dma_wait3A_1068] : memref<2x512x32xf32, #tpu.memory_space<vmem>> -> memref<1x512x32xf32, #tpu.memory_space<vmem>>
    %dma_wait3A_1070 = tpu.memref_squeeze %dma_wait3A_1069 : memref<1x512x32xf32, #tpu.memory_space<vmem>> -> memref<512x32xf32, #tpu.memory_space<vmem>>
    %dma_wait3A_1071 = arith.constant 0 : i32
    %dma_wait3A_1072 = tpu.memref_slice %arg6[%dma_wait3A_1065, %dma_wait3A_1071] : memref<26x512xi32, #tpu.memory_space<vmem>> -> memref<1x512xi32, #tpu.memory_space<vmem>>
    %dma_wait3A_1073 = tpu.memref_squeeze %dma_wait3A_1072 : memref<1x512xi32, #tpu.memory_space<vmem>> -> memref<512xi32, #tpu.memory_space<vmem>>
    %dma_wait3A_1074 = arith.constant 0 : i32
    %dma_wait3A_1075 = arith.constant 0 : i32
    %dma_wait3A_1076 = tpu.memref_slice %arg3[%dma_wait3A_1064, %dma_wait3A_1074, %dma_wait3A_1075] : memref<26x100000x32xf32, #tpu.memory_space<hbm>> -> memref<1x100000x32xf32, #tpu.memory_space<hbm>>
    %dma_wait3A_1077 = tpu.memref_squeeze %dma_wait3A_1076 : memref<1x100000x32xf32, #tpu.memory_space<hbm>> -> memref<100000x32xf32, #tpu.memory_space<hbm>>
    %dma_wait3A_1078 = arith.constant 0 : i32
    %dma_wait3A_1079 = arith.constant 0 : i32
    %dma_wait3A_1080 = tpu.memref_slice %dma_wait3A_1077[%dma_wait3A_1078, %dma_wait3A_1079] : memref<100000x32xf32, #tpu.memory_space<hbm>> -> memref<100000x32xf32, #tpu.memory_space<hbm>>
    tpu.wait_indirect_dma semaphore(%arg9 : memref<!tpu.dma_semaphore, #tpu.memory_space<semaphore_mem>>) src(%dma_wait3A_1080 : memref<100000x32xf32, #tpu.memory_space<hbm>>) dst(%dma_wait3A_1070 : memref<512x32xf32, #tpu.memory_space<vmem>>)
    %add3A_1081 = arith.constant 278528 : i32
    %add3A_1082 = arith.addi %add3A_1081, %mul3A_2 : i32
    %dma_start3A_1083 = arith.constant 1 : i32
    %dma_start3A_1084 = arith.constant 0 : i32
    %dma_start3A_1085 = arith.constant 0 : i32
    %dma_start3A_1086 = tpu.memref_slice %arg7[%dma_start3A_1083, %dma_start3A_1084, %dma_start3A_1085] : memref<2x512x32xf32, #tpu.memory_space<vmem>> -> memref<1x512x32xf32, #tpu.memory_space<vmem>>
    %dma_start3A_1087 = tpu.memref_squeeze %dma_start3A_1086 : memref<1x512x32xf32, #tpu.memory_space<vmem>> -> memref<512x32xf32, #tpu.memory_space<vmem>>
    %dma_start3A_1088 = arith.constant 0 : i32
    %dma_start3A_1089 = tpu.memref_slice %arg4[%add3A_1082, %dma_start3A_1088] : memref<425984x128xf32, #tpu.memory_space<hbm>> -> memref<512x32xf32, #tpu.memory_space<hbm>>
    %dma_start3A_1090 = arith.constant 0 : i32
    %dma_start3A_1091 = tpu.memref_slice %arg4[%add3A_1082, %dma_start3A_1090] : memref<425984x128xf32, #tpu.memory_space<hbm>> -> memref<512x32xf32, #tpu.memory_space<hbm>>
    %dma_start3A_1092 = arith.constant 0 : i32
    %dma_start3A_1093 = arith.constant 0 : i32
    %dma_start3A_1094 = tpu.memref_slice %arg7[%dma_start3A_1083, %dma_start3A_1092, %dma_start3A_1093] : memref<2x512x32xf32, #tpu.memory_space<vmem>> -> memref<1x512x32xf32, #tpu.memory_space<vmem>>
    %dma_start3A_1095 = tpu.memref_squeeze %dma_start3A_1094 : memref<1x512x32xf32, #tpu.memory_space<vmem>> -> memref<512x32xf32, #tpu.memory_space<vmem>>
    tpu.enqueue_dma source(%dma_start3A_1095 : memref<512x32xf32, #tpu.memory_space<vmem>>) target(%dma_start3A_1091 : memref<512x32xf32, #tpu.memory_space<hbm>>) target_semaphore(%arg11 : memref<!tpu.dma_semaphore, #tpu.memory_space<semaphore_mem>>)
    %dma_wait3A_1096 = arith.constant 0 : i32
    %dma_wait3A_1097 = arith.constant 0 : i32
    %dma_wait3A_1098 = arith.constant 0 : i32
    %dma_wait3A_1099 = tpu.memref_slice %arg7[%dma_wait3A_1096, %dma_wait3A_1097, %dma_wait3A_1098] : memref<2x512x32xf32, #tpu.memory_space<vmem>> -> memref<1x512x32xf32, #tpu.memory_space<vmem>>
    %dma_wait3A_1100 = tpu.memref_squeeze %dma_wait3A_1099 : memref<1x512x32xf32, #tpu.memory_space<vmem>> -> memref<512x32xf32, #tpu.memory_space<vmem>>
    %dma_wait3A_1101 = arith.constant 0 : i32
    %dma_wait3A_1102 = tpu.memref_slice %arg4[%add3A_1020, %dma_wait3A_1101] : memref<425984x128xf32, #tpu.memory_space<hbm>> -> memref<512x32xf32, #tpu.memory_space<hbm>>
    %dma_wait3A_1103 = arith.constant 0 : i32
    %dma_wait3A_1104 = tpu.memref_slice %arg4[%add3A_1020, %dma_wait3A_1103] : memref<425984x128xf32, #tpu.memory_space<hbm>> -> memref<512x32xf32, #tpu.memory_space<hbm>>
    %dma_wait3A_1105 = arith.constant 0 : i32
    %dma_wait3A_1106 = arith.constant 0 : i32
    %dma_wait3A_1107 = tpu.memref_slice %arg7[%dma_wait3A_1096, %dma_wait3A_1105, %dma_wait3A_1106] : memref<2x512x32xf32, #tpu.memory_space<vmem>> -> memref<1x512x32xf32, #tpu.memory_space<vmem>>
    %dma_wait3A_1108 = tpu.memref_squeeze %dma_wait3A_1107 : memref<1x512x32xf32, #tpu.memory_space<vmem>> -> memref<512x32xf32, #tpu.memory_space<vmem>>
    tpu.wait_dma2 semaphore(%arg10 : memref<!tpu.dma_semaphore, #tpu.memory_space<semaphore_mem>>) src(%dma_wait3A_1108 : memref<512x32xf32, #tpu.memory_space<vmem>>) dst(%dma_wait3A_1104 : memref<512x32xf32, #tpu.memory_space<hbm>>)
    %dma_start3A_1109 = arith.constant 18 : i32
    %dma_start3A_1110 = arith.constant 18 : i32
    %dma_start3A_1111 = arith.constant 0 : i32
    %dma_start3A_1112 = arith.constant 0 : i32
    %dma_start3A_1113 = arith.constant 0 : i32
    %dma_start3A_1114 = tpu.memref_slice %arg7[%dma_start3A_1111, %dma_start3A_1112, %dma_start3A_1113] : memref<2x512x32xf32, #tpu.memory_space<vmem>> -> memref<1x512x32xf32, #tpu.memory_space<vmem>>
    %dma_start3A_1115 = tpu.memref_squeeze %dma_start3A_1114 : memref<1x512x32xf32, #tpu.memory_space<vmem>> -> memref<512x32xf32, #tpu.memory_space<vmem>>
    %dma_start3A_1116 = arith.constant 0 : i32
    %dma_start3A_1117 = tpu.memref_slice %arg6[%dma_start3A_1110, %dma_start3A_1116] : memref<26x512xi32, #tpu.memory_space<vmem>> -> memref<1x512xi32, #tpu.memory_space<vmem>>
    %dma_start3A_1118 = tpu.memref_squeeze %dma_start3A_1117 : memref<1x512xi32, #tpu.memory_space<vmem>> -> memref<512xi32, #tpu.memory_space<vmem>>
    %dma_start3A_1119 = arith.constant 0 : i32
    %dma_start3A_1120 = arith.constant 0 : i32
    %dma_start3A_1121 = tpu.memref_slice %arg3[%dma_start3A_1109, %dma_start3A_1119, %dma_start3A_1120] : memref<26x100000x32xf32, #tpu.memory_space<hbm>> -> memref<1x100000x32xf32, #tpu.memory_space<hbm>>
    %dma_start3A_1122 = tpu.memref_squeeze %dma_start3A_1121 : memref<1x100000x32xf32, #tpu.memory_space<hbm>> -> memref<100000x32xf32, #tpu.memory_space<hbm>>
    %dma_start3A_1123 = arith.constant 0 : i32
    %dma_start3A_1124 = arith.constant 0 : i32
    %dma_start3A_1125 = tpu.memref_slice %dma_start3A_1122[%dma_start3A_1123, %dma_start3A_1124] : memref<100000x32xf32, #tpu.memory_space<hbm>> -> memref<100000x32xf32, #tpu.memory_space<hbm>>
    tpu.enqueue_indirect_dma source(%dma_start3A_1125 : memref<100000x32xf32, #tpu.memory_space<hbm>>) target(%dma_start3A_1115 : memref<512x32xf32, #tpu.memory_space<vmem>>) offsets(%dma_start3A_1118 : memref<512xi32, #tpu.memory_space<vmem>>) semaphore(%arg8 : memref<!tpu.dma_semaphore, #tpu.memory_space<semaphore_mem>>)
    %dma_wait3A_1126 = arith.constant 18 : i32
    %dma_wait3A_1127 = arith.constant 18 : i32
    %dma_wait3A_1128 = arith.constant 0 : i32
    %dma_wait3A_1129 = arith.constant 0 : i32
    %dma_wait3A_1130 = arith.constant 0 : i32
    %dma_wait3A_1131 = tpu.memref_slice %arg7[%dma_wait3A_1128, %dma_wait3A_1129, %dma_wait3A_1130] : memref<2x512x32xf32, #tpu.memory_space<vmem>> -> memref<1x512x32xf32, #tpu.memory_space<vmem>>
    %dma_wait3A_1132 = tpu.memref_squeeze %dma_wait3A_1131 : memref<1x512x32xf32, #tpu.memory_space<vmem>> -> memref<512x32xf32, #tpu.memory_space<vmem>>
    %dma_wait3A_1133 = arith.constant 0 : i32
    %dma_wait3A_1134 = tpu.memref_slice %arg6[%dma_wait3A_1127, %dma_wait3A_1133] : memref<26x512xi32, #tpu.memory_space<vmem>> -> memref<1x512xi32, #tpu.memory_space<vmem>>
    %dma_wait3A_1135 = tpu.memref_squeeze %dma_wait3A_1134 : memref<1x512xi32, #tpu.memory_space<vmem>> -> memref<512xi32, #tpu.memory_space<vmem>>
    %dma_wait3A_1136 = arith.constant 0 : i32
    %dma_wait3A_1137 = arith.constant 0 : i32
    %dma_wait3A_1138 = tpu.memref_slice %arg3[%dma_wait3A_1126, %dma_wait3A_1136, %dma_wait3A_1137] : memref<26x100000x32xf32, #tpu.memory_space<hbm>> -> memref<1x100000x32xf32, #tpu.memory_space<hbm>>
    %dma_wait3A_1139 = tpu.memref_squeeze %dma_wait3A_1138 : memref<1x100000x32xf32, #tpu.memory_space<hbm>> -> memref<100000x32xf32, #tpu.memory_space<hbm>>
    %dma_wait3A_1140 = arith.constant 0 : i32
    %dma_wait3A_1141 = arith.constant 0 : i32
    %dma_wait3A_1142 = tpu.memref_slice %dma_wait3A_1139[%dma_wait3A_1140, %dma_wait3A_1141] : memref<100000x32xf32, #tpu.memory_space<hbm>> -> memref<100000x32xf32, #tpu.memory_space<hbm>>
    tpu.wait_indirect_dma semaphore(%arg8 : memref<!tpu.dma_semaphore, #tpu.memory_space<semaphore_mem>>) src(%dma_wait3A_1142 : memref<100000x32xf32, #tpu.memory_space<hbm>>) dst(%dma_wait3A_1132 : memref<512x32xf32, #tpu.memory_space<vmem>>)
    %add3A_1143 = arith.constant 294912 : i32
    %add3A_1144 = arith.addi %add3A_1143, %mul3A_2 : i32
    %dma_start3A_1145 = arith.constant 0 : i32
    %dma_start3A_1146 = arith.constant 0 : i32
    %dma_start3A_1147 = arith.constant 0 : i32
    %dma_start3A_1148 = tpu.memref_slice %arg7[%dma_start3A_1145, %dma_start3A_1146, %dma_start3A_1147] : memref<2x512x32xf32, #tpu.memory_space<vmem>> -> memref<1x512x32xf32, #tpu.memory_space<vmem>>
    %dma_start3A_1149 = tpu.memref_squeeze %dma_start3A_1148 : memref<1x512x32xf32, #tpu.memory_space<vmem>> -> memref<512x32xf32, #tpu.memory_space<vmem>>
    %dma_start3A_1150 = arith.constant 0 : i32
    %dma_start3A_1151 = tpu.memref_slice %arg4[%add3A_1144, %dma_start3A_1150] : memref<425984x128xf32, #tpu.memory_space<hbm>> -> memref<512x32xf32, #tpu.memory_space<hbm>>
    %dma_start3A_1152 = arith.constant 0 : i32
    %dma_start3A_1153 = tpu.memref_slice %arg4[%add3A_1144, %dma_start3A_1152] : memref<425984x128xf32, #tpu.memory_space<hbm>> -> memref<512x32xf32, #tpu.memory_space<hbm>>
    %dma_start3A_1154 = arith.constant 0 : i32
    %dma_start3A_1155 = arith.constant 0 : i32
    %dma_start3A_1156 = tpu.memref_slice %arg7[%dma_start3A_1145, %dma_start3A_1154, %dma_start3A_1155] : memref<2x512x32xf32, #tpu.memory_space<vmem>> -> memref<1x512x32xf32, #tpu.memory_space<vmem>>
    %dma_start3A_1157 = tpu.memref_squeeze %dma_start3A_1156 : memref<1x512x32xf32, #tpu.memory_space<vmem>> -> memref<512x32xf32, #tpu.memory_space<vmem>>
    tpu.enqueue_dma source(%dma_start3A_1157 : memref<512x32xf32, #tpu.memory_space<vmem>>) target(%dma_start3A_1153 : memref<512x32xf32, #tpu.memory_space<hbm>>) target_semaphore(%arg10 : memref<!tpu.dma_semaphore, #tpu.memory_space<semaphore_mem>>)
    %dma_wait3A_1158 = arith.constant 1 : i32
    %dma_wait3A_1159 = arith.constant 0 : i32
    %dma_wait3A_1160 = arith.constant 0 : i32
    %dma_wait3A_1161 = tpu.memref_slice %arg7[%dma_wait3A_1158, %dma_wait3A_1159, %dma_wait3A_1160] : memref<2x512x32xf32, #tpu.memory_space<vmem>> -> memref<1x512x32xf32, #tpu.memory_space<vmem>>
    %dma_wait3A_1162 = tpu.memref_squeeze %dma_wait3A_1161 : memref<1x512x32xf32, #tpu.memory_space<vmem>> -> memref<512x32xf32, #tpu.memory_space<vmem>>
    %dma_wait3A_1163 = arith.constant 0 : i32
    %dma_wait3A_1164 = tpu.memref_slice %arg4[%add3A_1082, %dma_wait3A_1163] : memref<425984x128xf32, #tpu.memory_space<hbm>> -> memref<512x32xf32, #tpu.memory_space<hbm>>
    %dma_wait3A_1165 = arith.constant 0 : i32
    %dma_wait3A_1166 = tpu.memref_slice %arg4[%add3A_1082, %dma_wait3A_1165] : memref<425984x128xf32, #tpu.memory_space<hbm>> -> memref<512x32xf32, #tpu.memory_space<hbm>>
    %dma_wait3A_1167 = arith.constant 0 : i32
    %dma_wait3A_1168 = arith.constant 0 : i32
    %dma_wait3A_1169 = tpu.memref_slice %arg7[%dma_wait3A_1158, %dma_wait3A_1167, %dma_wait3A_1168] : memref<2x512x32xf32, #tpu.memory_space<vmem>> -> memref<1x512x32xf32, #tpu.memory_space<vmem>>
    %dma_wait3A_1170 = tpu.memref_squeeze %dma_wait3A_1169 : memref<1x512x32xf32, #tpu.memory_space<vmem>> -> memref<512x32xf32, #tpu.memory_space<vmem>>
    tpu.wait_dma2 semaphore(%arg11 : memref<!tpu.dma_semaphore, #tpu.memory_space<semaphore_mem>>) src(%dma_wait3A_1170 : memref<512x32xf32, #tpu.memory_space<vmem>>) dst(%dma_wait3A_1166 : memref<512x32xf32, #tpu.memory_space<hbm>>)
    %dma_start3A_1171 = arith.constant 19 : i32
    %dma_start3A_1172 = arith.constant 19 : i32
    %dma_start3A_1173 = arith.constant 1 : i32
    %dma_start3A_1174 = arith.constant 0 : i32
    %dma_start3A_1175 = arith.constant 0 : i32
    %dma_start3A_1176 = tpu.memref_slice %arg7[%dma_start3A_1173, %dma_start3A_1174, %dma_start3A_1175] : memref<2x512x32xf32, #tpu.memory_space<vmem>> -> memref<1x512x32xf32, #tpu.memory_space<vmem>>
    %dma_start3A_1177 = tpu.memref_squeeze %dma_start3A_1176 : memref<1x512x32xf32, #tpu.memory_space<vmem>> -> memref<512x32xf32, #tpu.memory_space<vmem>>
    %dma_start3A_1178 = arith.constant 0 : i32
    %dma_start3A_1179 = tpu.memref_slice %arg6[%dma_start3A_1172, %dma_start3A_1178] : memref<26x512xi32, #tpu.memory_space<vmem>> -> memref<1x512xi32, #tpu.memory_space<vmem>>
    %dma_start3A_1180 = tpu.memref_squeeze %dma_start3A_1179 : memref<1x512xi32, #tpu.memory_space<vmem>> -> memref<512xi32, #tpu.memory_space<vmem>>
    %dma_start3A_1181 = arith.constant 0 : i32
    %dma_start3A_1182 = arith.constant 0 : i32
    %dma_start3A_1183 = tpu.memref_slice %arg3[%dma_start3A_1171, %dma_start3A_1181, %dma_start3A_1182] : memref<26x100000x32xf32, #tpu.memory_space<hbm>> -> memref<1x100000x32xf32, #tpu.memory_space<hbm>>
    %dma_start3A_1184 = tpu.memref_squeeze %dma_start3A_1183 : memref<1x100000x32xf32, #tpu.memory_space<hbm>> -> memref<100000x32xf32, #tpu.memory_space<hbm>>
    %dma_start3A_1185 = arith.constant 0 : i32
    %dma_start3A_1186 = arith.constant 0 : i32
    %dma_start3A_1187 = tpu.memref_slice %dma_start3A_1184[%dma_start3A_1185, %dma_start3A_1186] : memref<100000x32xf32, #tpu.memory_space<hbm>> -> memref<100000x32xf32, #tpu.memory_space<hbm>>
    tpu.enqueue_indirect_dma source(%dma_start3A_1187 : memref<100000x32xf32, #tpu.memory_space<hbm>>) target(%dma_start3A_1177 : memref<512x32xf32, #tpu.memory_space<vmem>>) offsets(%dma_start3A_1180 : memref<512xi32, #tpu.memory_space<vmem>>) semaphore(%arg9 : memref<!tpu.dma_semaphore, #tpu.memory_space<semaphore_mem>>)
    %dma_wait3A_1188 = arith.constant 19 : i32
    %dma_wait3A_1189 = arith.constant 19 : i32
    %dma_wait3A_1190 = arith.constant 1 : i32
    %dma_wait3A_1191 = arith.constant 0 : i32
    %dma_wait3A_1192 = arith.constant 0 : i32
    %dma_wait3A_1193 = tpu.memref_slice %arg7[%dma_wait3A_1190, %dma_wait3A_1191, %dma_wait3A_1192] : memref<2x512x32xf32, #tpu.memory_space<vmem>> -> memref<1x512x32xf32, #tpu.memory_space<vmem>>
    %dma_wait3A_1194 = tpu.memref_squeeze %dma_wait3A_1193 : memref<1x512x32xf32, #tpu.memory_space<vmem>> -> memref<512x32xf32, #tpu.memory_space<vmem>>
    %dma_wait3A_1195 = arith.constant 0 : i32
    %dma_wait3A_1196 = tpu.memref_slice %arg6[%dma_wait3A_1189, %dma_wait3A_1195] : memref<26x512xi32, #tpu.memory_space<vmem>> -> memref<1x512xi32, #tpu.memory_space<vmem>>
    %dma_wait3A_1197 = tpu.memref_squeeze %dma_wait3A_1196 : memref<1x512xi32, #tpu.memory_space<vmem>> -> memref<512xi32, #tpu.memory_space<vmem>>
    %dma_wait3A_1198 = arith.constant 0 : i32
    %dma_wait3A_1199 = arith.constant 0 : i32
    %dma_wait3A_1200 = tpu.memref_slice %arg3[%dma_wait3A_1188, %dma_wait3A_1198, %dma_wait3A_1199] : memref<26x100000x32xf32, #tpu.memory_space<hbm>> -> memref<1x100000x32xf32, #tpu.memory_space<hbm>>
    %dma_wait3A_1201 = tpu.memref_squeeze %dma_wait3A_1200 : memref<1x100000x32xf32, #tpu.memory_space<hbm>> -> memref<100000x32xf32, #tpu.memory_space<hbm>>
    %dma_wait3A_1202 = arith.constant 0 : i32
    %dma_wait3A_1203 = arith.constant 0 : i32
    %dma_wait3A_1204 = tpu.memref_slice %dma_wait3A_1201[%dma_wait3A_1202, %dma_wait3A_1203] : memref<100000x32xf32, #tpu.memory_space<hbm>> -> memref<100000x32xf32, #tpu.memory_space<hbm>>
    tpu.wait_indirect_dma semaphore(%arg9 : memref<!tpu.dma_semaphore, #tpu.memory_space<semaphore_mem>>) src(%dma_wait3A_1204 : memref<100000x32xf32, #tpu.memory_space<hbm>>) dst(%dma_wait3A_1194 : memref<512x32xf32, #tpu.memory_space<vmem>>)
    %add3A_1205 = arith.constant 311296 : i32
    %add3A_1206 = arith.addi %add3A_1205, %mul3A_2 : i32
    %dma_start3A_1207 = arith.constant 1 : i32
    %dma_start3A_1208 = arith.constant 0 : i32
    %dma_start3A_1209 = arith.constant 0 : i32
    %dma_start3A_1210 = tpu.memref_slice %arg7[%dma_start3A_1207, %dma_start3A_1208, %dma_start3A_1209] : memref<2x512x32xf32, #tpu.memory_space<vmem>> -> memref<1x512x32xf32, #tpu.memory_space<vmem>>
    %dma_start3A_1211 = tpu.memref_squeeze %dma_start3A_1210 : memref<1x512x32xf32, #tpu.memory_space<vmem>> -> memref<512x32xf32, #tpu.memory_space<vmem>>
    %dma_start3A_1212 = arith.constant 0 : i32
    %dma_start3A_1213 = tpu.memref_slice %arg4[%add3A_1206, %dma_start3A_1212] : memref<425984x128xf32, #tpu.memory_space<hbm>> -> memref<512x32xf32, #tpu.memory_space<hbm>>
    %dma_start3A_1214 = arith.constant 0 : i32
    %dma_start3A_1215 = tpu.memref_slice %arg4[%add3A_1206, %dma_start3A_1214] : memref<425984x128xf32, #tpu.memory_space<hbm>> -> memref<512x32xf32, #tpu.memory_space<hbm>>
    %dma_start3A_1216 = arith.constant 0 : i32
    %dma_start3A_1217 = arith.constant 0 : i32
    %dma_start3A_1218 = tpu.memref_slice %arg7[%dma_start3A_1207, %dma_start3A_1216, %dma_start3A_1217] : memref<2x512x32xf32, #tpu.memory_space<vmem>> -> memref<1x512x32xf32, #tpu.memory_space<vmem>>
    %dma_start3A_1219 = tpu.memref_squeeze %dma_start3A_1218 : memref<1x512x32xf32, #tpu.memory_space<vmem>> -> memref<512x32xf32, #tpu.memory_space<vmem>>
    tpu.enqueue_dma source(%dma_start3A_1219 : memref<512x32xf32, #tpu.memory_space<vmem>>) target(%dma_start3A_1215 : memref<512x32xf32, #tpu.memory_space<hbm>>) target_semaphore(%arg11 : memref<!tpu.dma_semaphore, #tpu.memory_space<semaphore_mem>>)
    %dma_wait3A_1220 = arith.constant 0 : i32
    %dma_wait3A_1221 = arith.constant 0 : i32
    %dma_wait3A_1222 = arith.constant 0 : i32
    %dma_wait3A_1223 = tpu.memref_slice %arg7[%dma_wait3A_1220, %dma_wait3A_1221, %dma_wait3A_1222] : memref<2x512x32xf32, #tpu.memory_space<vmem>> -> memref<1x512x32xf32, #tpu.memory_space<vmem>>
    %dma_wait3A_1224 = tpu.memref_squeeze %dma_wait3A_1223 : memref<1x512x32xf32, #tpu.memory_space<vmem>> -> memref<512x32xf32, #tpu.memory_space<vmem>>
    %dma_wait3A_1225 = arith.constant 0 : i32
    %dma_wait3A_1226 = tpu.memref_slice %arg4[%add3A_1144, %dma_wait3A_1225] : memref<425984x128xf32, #tpu.memory_space<hbm>> -> memref<512x32xf32, #tpu.memory_space<hbm>>
    %dma_wait3A_1227 = arith.constant 0 : i32
    %dma_wait3A_1228 = tpu.memref_slice %arg4[%add3A_1144, %dma_wait3A_1227] : memref<425984x128xf32, #tpu.memory_space<hbm>> -> memref<512x32xf32, #tpu.memory_space<hbm>>
    %dma_wait3A_1229 = arith.constant 0 : i32
    %dma_wait3A_1230 = arith.constant 0 : i32
    %dma_wait3A_1231 = tpu.memref_slice %arg7[%dma_wait3A_1220, %dma_wait3A_1229, %dma_wait3A_1230] : memref<2x512x32xf32, #tpu.memory_space<vmem>> -> memref<1x512x32xf32, #tpu.memory_space<vmem>>
    %dma_wait3A_1232 = tpu.memref_squeeze %dma_wait3A_1231 : memref<1x512x32xf32, #tpu.memory_space<vmem>> -> memref<512x32xf32, #tpu.memory_space<vmem>>
    tpu.wait_dma2 semaphore(%arg10 : memref<!tpu.dma_semaphore, #tpu.memory_space<semaphore_mem>>) src(%dma_wait3A_1232 : memref<512x32xf32, #tpu.memory_space<vmem>>) dst(%dma_wait3A_1228 : memref<512x32xf32, #tpu.memory_space<hbm>>)
    %dma_start3A_1233 = arith.constant 20 : i32
    %dma_start3A_1234 = arith.constant 20 : i32
    %dma_start3A_1235 = arith.constant 0 : i32
    %dma_start3A_1236 = arith.constant 0 : i32
    %dma_start3A_1237 = arith.constant 0 : i32
    %dma_start3A_1238 = tpu.memref_slice %arg7[%dma_start3A_1235, %dma_start3A_1236, %dma_start3A_1237] : memref<2x512x32xf32, #tpu.memory_space<vmem>> -> memref<1x512x32xf32, #tpu.memory_space<vmem>>
    %dma_start3A_1239 = tpu.memref_squeeze %dma_start3A_1238 : memref<1x512x32xf32, #tpu.memory_space<vmem>> -> memref<512x32xf32, #tpu.memory_space<vmem>>
    %dma_start3A_1240 = arith.constant 0 : i32
    %dma_start3A_1241 = tpu.memref_slice %arg6[%dma_start3A_1234, %dma_start3A_1240] : memref<26x512xi32, #tpu.memory_space<vmem>> -> memref<1x512xi32, #tpu.memory_space<vmem>>
    %dma_start3A_1242 = tpu.memref_squeeze %dma_start3A_1241 : memref<1x512xi32, #tpu.memory_space<vmem>> -> memref<512xi32, #tpu.memory_space<vmem>>
    %dma_start3A_1243 = arith.constant 0 : i32
    %dma_start3A_1244 = arith.constant 0 : i32
    %dma_start3A_1245 = tpu.memref_slice %arg3[%dma_start3A_1233, %dma_start3A_1243, %dma_start3A_1244] : memref<26x100000x32xf32, #tpu.memory_space<hbm>> -> memref<1x100000x32xf32, #tpu.memory_space<hbm>>
    %dma_start3A_1246 = tpu.memref_squeeze %dma_start3A_1245 : memref<1x100000x32xf32, #tpu.memory_space<hbm>> -> memref<100000x32xf32, #tpu.memory_space<hbm>>
    %dma_start3A_1247 = arith.constant 0 : i32
    %dma_start3A_1248 = arith.constant 0 : i32
    %dma_start3A_1249 = tpu.memref_slice %dma_start3A_1246[%dma_start3A_1247, %dma_start3A_1248] : memref<100000x32xf32, #tpu.memory_space<hbm>> -> memref<100000x32xf32, #tpu.memory_space<hbm>>
    tpu.enqueue_indirect_dma source(%dma_start3A_1249 : memref<100000x32xf32, #tpu.memory_space<hbm>>) target(%dma_start3A_1239 : memref<512x32xf32, #tpu.memory_space<vmem>>) offsets(%dma_start3A_1242 : memref<512xi32, #tpu.memory_space<vmem>>) semaphore(%arg8 : memref<!tpu.dma_semaphore, #tpu.memory_space<semaphore_mem>>)
    %dma_wait3A_1250 = arith.constant 20 : i32
    %dma_wait3A_1251 = arith.constant 20 : i32
    %dma_wait3A_1252 = arith.constant 0 : i32
    %dma_wait3A_1253 = arith.constant 0 : i32
    %dma_wait3A_1254 = arith.constant 0 : i32
    %dma_wait3A_1255 = tpu.memref_slice %arg7[%dma_wait3A_1252, %dma_wait3A_1253, %dma_wait3A_1254] : memref<2x512x32xf32, #tpu.memory_space<vmem>> -> memref<1x512x32xf32, #tpu.memory_space<vmem>>
    %dma_wait3A_1256 = tpu.memref_squeeze %dma_wait3A_1255 : memref<1x512x32xf32, #tpu.memory_space<vmem>> -> memref<512x32xf32, #tpu.memory_space<vmem>>
    %dma_wait3A_1257 = arith.constant 0 : i32
    %dma_wait3A_1258 = tpu.memref_slice %arg6[%dma_wait3A_1251, %dma_wait3A_1257] : memref<26x512xi32, #tpu.memory_space<vmem>> -> memref<1x512xi32, #tpu.memory_space<vmem>>
    %dma_wait3A_1259 = tpu.memref_squeeze %dma_wait3A_1258 : memref<1x512xi32, #tpu.memory_space<vmem>> -> memref<512xi32, #tpu.memory_space<vmem>>
    %dma_wait3A_1260 = arith.constant 0 : i32
    %dma_wait3A_1261 = arith.constant 0 : i32
    %dma_wait3A_1262 = tpu.memref_slice %arg3[%dma_wait3A_1250, %dma_wait3A_1260, %dma_wait3A_1261] : memref<26x100000x32xf32, #tpu.memory_space<hbm>> -> memref<1x100000x32xf32, #tpu.memory_space<hbm>>
    %dma_wait3A_1263 = tpu.memref_squeeze %dma_wait3A_1262 : memref<1x100000x32xf32, #tpu.memory_space<hbm>> -> memref<100000x32xf32, #tpu.memory_space<hbm>>
    %dma_wait3A_1264 = arith.constant 0 : i32
    %dma_wait3A_1265 = arith.constant 0 : i32
    %dma_wait3A_1266 = tpu.memref_slice %dma_wait3A_1263[%dma_wait3A_1264, %dma_wait3A_1265] : memref<100000x32xf32, #tpu.memory_space<hbm>> -> memref<100000x32xf32, #tpu.memory_space<hbm>>
    tpu.wait_indirect_dma semaphore(%arg8 : memref<!tpu.dma_semaphore, #tpu.memory_space<semaphore_mem>>) src(%dma_wait3A_1266 : memref<100000x32xf32, #tpu.memory_space<hbm>>) dst(%dma_wait3A_1256 : memref<512x32xf32, #tpu.memory_space<vmem>>)
    %add3A_1267 = arith.constant 327680 : i32
    %add3A_1268 = arith.addi %add3A_1267, %mul3A_2 : i32
    %dma_start3A_1269 = arith.constant 0 : i32
    %dma_start3A_1270 = arith.constant 0 : i32
    %dma_start3A_1271 = arith.constant 0 : i32
    %dma_start3A_1272 = tpu.memref_slice %arg7[%dma_start3A_1269, %dma_start3A_1270, %dma_start3A_1271] : memref<2x512x32xf32, #tpu.memory_space<vmem>> -> memref<1x512x32xf32, #tpu.memory_space<vmem>>
    %dma_start3A_1273 = tpu.memref_squeeze %dma_start3A_1272 : memref<1x512x32xf32, #tpu.memory_space<vmem>> -> memref<512x32xf32, #tpu.memory_space<vmem>>
    %dma_start3A_1274 = arith.constant 0 : i32
    %dma_start3A_1275 = tpu.memref_slice %arg4[%add3A_1268, %dma_start3A_1274] : memref<425984x128xf32, #tpu.memory_space<hbm>> -> memref<512x32xf32, #tpu.memory_space<hbm>>
    %dma_start3A_1276 = arith.constant 0 : i32
    %dma_start3A_1277 = tpu.memref_slice %arg4[%add3A_1268, %dma_start3A_1276] : memref<425984x128xf32, #tpu.memory_space<hbm>> -> memref<512x32xf32, #tpu.memory_space<hbm>>
    %dma_start3A_1278 = arith.constant 0 : i32
    %dma_start3A_1279 = arith.constant 0 : i32
    %dma_start3A_1280 = tpu.memref_slice %arg7[%dma_start3A_1269, %dma_start3A_1278, %dma_start3A_1279] : memref<2x512x32xf32, #tpu.memory_space<vmem>> -> memref<1x512x32xf32, #tpu.memory_space<vmem>>
    %dma_start3A_1281 = tpu.memref_squeeze %dma_start3A_1280 : memref<1x512x32xf32, #tpu.memory_space<vmem>> -> memref<512x32xf32, #tpu.memory_space<vmem>>
    tpu.enqueue_dma source(%dma_start3A_1281 : memref<512x32xf32, #tpu.memory_space<vmem>>) target(%dma_start3A_1277 : memref<512x32xf32, #tpu.memory_space<hbm>>) target_semaphore(%arg10 : memref<!tpu.dma_semaphore, #tpu.memory_space<semaphore_mem>>)
    %dma_wait3A_1282 = arith.constant 1 : i32
    %dma_wait3A_1283 = arith.constant 0 : i32
    %dma_wait3A_1284 = arith.constant 0 : i32
    %dma_wait3A_1285 = tpu.memref_slice %arg7[%dma_wait3A_1282, %dma_wait3A_1283, %dma_wait3A_1284] : memref<2x512x32xf32, #tpu.memory_space<vmem>> -> memref<1x512x32xf32, #tpu.memory_space<vmem>>
    %dma_wait3A_1286 = tpu.memref_squeeze %dma_wait3A_1285 : memref<1x512x32xf32, #tpu.memory_space<vmem>> -> memref<512x32xf32, #tpu.memory_space<vmem>>
    %dma_wait3A_1287 = arith.constant 0 : i32
    %dma_wait3A_1288 = tpu.memref_slice %arg4[%add3A_1206, %dma_wait3A_1287] : memref<425984x128xf32, #tpu.memory_space<hbm>> -> memref<512x32xf32, #tpu.memory_space<hbm>>
    %dma_wait3A_1289 = arith.constant 0 : i32
    %dma_wait3A_1290 = tpu.memref_slice %arg4[%add3A_1206, %dma_wait3A_1289] : memref<425984x128xf32, #tpu.memory_space<hbm>> -> memref<512x32xf32, #tpu.memory_space<hbm>>
    %dma_wait3A_1291 = arith.constant 0 : i32
    %dma_wait3A_1292 = arith.constant 0 : i32
    %dma_wait3A_1293 = tpu.memref_slice %arg7[%dma_wait3A_1282, %dma_wait3A_1291, %dma_wait3A_1292] : memref<2x512x32xf32, #tpu.memory_space<vmem>> -> memref<1x512x32xf32, #tpu.memory_space<vmem>>
    %dma_wait3A_1294 = tpu.memref_squeeze %dma_wait3A_1293 : memref<1x512x32xf32, #tpu.memory_space<vmem>> -> memref<512x32xf32, #tpu.memory_space<vmem>>
    tpu.wait_dma2 semaphore(%arg11 : memref<!tpu.dma_semaphore, #tpu.memory_space<semaphore_mem>>) src(%dma_wait3A_1294 : memref<512x32xf32, #tpu.memory_space<vmem>>) dst(%dma_wait3A_1290 : memref<512x32xf32, #tpu.memory_space<hbm>>)
    %dma_start3A_1295 = arith.constant 21 : i32
    %dma_start3A_1296 = arith.constant 21 : i32
    %dma_start3A_1297 = arith.constant 1 : i32
    %dma_start3A_1298 = arith.constant 0 : i32
    %dma_start3A_1299 = arith.constant 0 : i32
    %dma_start3A_1300 = tpu.memref_slice %arg7[%dma_start3A_1297, %dma_start3A_1298, %dma_start3A_1299] : memref<2x512x32xf32, #tpu.memory_space<vmem>> -> memref<1x512x32xf32, #tpu.memory_space<vmem>>
    %dma_start3A_1301 = tpu.memref_squeeze %dma_start3A_1300 : memref<1x512x32xf32, #tpu.memory_space<vmem>> -> memref<512x32xf32, #tpu.memory_space<vmem>>
    %dma_start3A_1302 = arith.constant 0 : i32
    %dma_start3A_1303 = tpu.memref_slice %arg6[%dma_start3A_1296, %dma_start3A_1302] : memref<26x512xi32, #tpu.memory_space<vmem>> -> memref<1x512xi32, #tpu.memory_space<vmem>>
    %dma_start3A_1304 = tpu.memref_squeeze %dma_start3A_1303 : memref<1x512xi32, #tpu.memory_space<vmem>> -> memref<512xi32, #tpu.memory_space<vmem>>
    %dma_start3A_1305 = arith.constant 0 : i32
    %dma_start3A_1306 = arith.constant 0 : i32
    %dma_start3A_1307 = tpu.memref_slice %arg3[%dma_start3A_1295, %dma_start3A_1305, %dma_start3A_1306] : memref<26x100000x32xf32, #tpu.memory_space<hbm>> -> memref<1x100000x32xf32, #tpu.memory_space<hbm>>
    %dma_start3A_1308 = tpu.memref_squeeze %dma_start3A_1307 : memref<1x100000x32xf32, #tpu.memory_space<hbm>> -> memref<100000x32xf32, #tpu.memory_space<hbm>>
    %dma_start3A_1309 = arith.constant 0 : i32
    %dma_start3A_1310 = arith.constant 0 : i32
    %dma_start3A_1311 = tpu.memref_slice %dma_start3A_1308[%dma_start3A_1309, %dma_start3A_1310] : memref<100000x32xf32, #tpu.memory_space<hbm>> -> memref<100000x32xf32, #tpu.memory_space<hbm>>
    tpu.enqueue_indirect_dma source(%dma_start3A_1311 : memref<100000x32xf32, #tpu.memory_space<hbm>>) target(%dma_start3A_1301 : memref<512x32xf32, #tpu.memory_space<vmem>>) offsets(%dma_start3A_1304 : memref<512xi32, #tpu.memory_space<vmem>>) semaphore(%arg9 : memref<!tpu.dma_semaphore, #tpu.memory_space<semaphore_mem>>)
    %dma_wait3A_1312 = arith.constant 21 : i32
    %dma_wait3A_1313 = arith.constant 21 : i32
    %dma_wait3A_1314 = arith.constant 1 : i32
    %dma_wait3A_1315 = arith.constant 0 : i32
    %dma_wait3A_1316 = arith.constant 0 : i32
    %dma_wait3A_1317 = tpu.memref_slice %arg7[%dma_wait3A_1314, %dma_wait3A_1315, %dma_wait3A_1316] : memref<2x512x32xf32, #tpu.memory_space<vmem>> -> memref<1x512x32xf32, #tpu.memory_space<vmem>>
    %dma_wait3A_1318 = tpu.memref_squeeze %dma_wait3A_1317 : memref<1x512x32xf32, #tpu.memory_space<vmem>> -> memref<512x32xf32, #tpu.memory_space<vmem>>
    %dma_wait3A_1319 = arith.constant 0 : i32
    %dma_wait3A_1320 = tpu.memref_slice %arg6[%dma_wait3A_1313, %dma_wait3A_1319] : memref<26x512xi32, #tpu.memory_space<vmem>> -> memref<1x512xi32, #tpu.memory_space<vmem>>
    %dma_wait3A_1321 = tpu.memref_squeeze %dma_wait3A_1320 : memref<1x512xi32, #tpu.memory_space<vmem>> -> memref<512xi32, #tpu.memory_space<vmem>>
    %dma_wait3A_1322 = arith.constant 0 : i32
    %dma_wait3A_1323 = arith.constant 0 : i32
    %dma_wait3A_1324 = tpu.memref_slice %arg3[%dma_wait3A_1312, %dma_wait3A_1322, %dma_wait3A_1323] : memref<26x100000x32xf32, #tpu.memory_space<hbm>> -> memref<1x100000x32xf32, #tpu.memory_space<hbm>>
    %dma_wait3A_1325 = tpu.memref_squeeze %dma_wait3A_1324 : memref<1x100000x32xf32, #tpu.memory_space<hbm>> -> memref<100000x32xf32, #tpu.memory_space<hbm>>
    %dma_wait3A_1326 = arith.constant 0 : i32
    %dma_wait3A_1327 = arith.constant 0 : i32
    %dma_wait3A_1328 = tpu.memref_slice %dma_wait3A_1325[%dma_wait3A_1326, %dma_wait3A_1327] : memref<100000x32xf32, #tpu.memory_space<hbm>> -> memref<100000x32xf32, #tpu.memory_space<hbm>>
    tpu.wait_indirect_dma semaphore(%arg9 : memref<!tpu.dma_semaphore, #tpu.memory_space<semaphore_mem>>) src(%dma_wait3A_1328 : memref<100000x32xf32, #tpu.memory_space<hbm>>) dst(%dma_wait3A_1318 : memref<512x32xf32, #tpu.memory_space<vmem>>)
    %add3A_1329 = arith.constant 344064 : i32
    %add3A_1330 = arith.addi %add3A_1329, %mul3A_2 : i32
    %dma_start3A_1331 = arith.constant 1 : i32
    %dma_start3A_1332 = arith.constant 0 : i32
    %dma_start3A_1333 = arith.constant 0 : i32
    %dma_start3A_1334 = tpu.memref_slice %arg7[%dma_start3A_1331, %dma_start3A_1332, %dma_start3A_1333] : memref<2x512x32xf32, #tpu.memory_space<vmem>> -> memref<1x512x32xf32, #tpu.memory_space<vmem>>
    %dma_start3A_1335 = tpu.memref_squeeze %dma_start3A_1334 : memref<1x512x32xf32, #tpu.memory_space<vmem>> -> memref<512x32xf32, #tpu.memory_space<vmem>>
    %dma_start3A_1336 = arith.constant 0 : i32
    %dma_start3A_1337 = tpu.memref_slice %arg4[%add3A_1330, %dma_start3A_1336] : memref<425984x128xf32, #tpu.memory_space<hbm>> -> memref<512x32xf32, #tpu.memory_space<hbm>>
    %dma_start3A_1338 = arith.constant 0 : i32
    %dma_start3A_1339 = tpu.memref_slice %arg4[%add3A_1330, %dma_start3A_1338] : memref<425984x128xf32, #tpu.memory_space<hbm>> -> memref<512x32xf32, #tpu.memory_space<hbm>>
    %dma_start3A_1340 = arith.constant 0 : i32
    %dma_start3A_1341 = arith.constant 0 : i32
    %dma_start3A_1342 = tpu.memref_slice %arg7[%dma_start3A_1331, %dma_start3A_1340, %dma_start3A_1341] : memref<2x512x32xf32, #tpu.memory_space<vmem>> -> memref<1x512x32xf32, #tpu.memory_space<vmem>>
    %dma_start3A_1343 = tpu.memref_squeeze %dma_start3A_1342 : memref<1x512x32xf32, #tpu.memory_space<vmem>> -> memref<512x32xf32, #tpu.memory_space<vmem>>
    tpu.enqueue_dma source(%dma_start3A_1343 : memref<512x32xf32, #tpu.memory_space<vmem>>) target(%dma_start3A_1339 : memref<512x32xf32, #tpu.memory_space<hbm>>) target_semaphore(%arg11 : memref<!tpu.dma_semaphore, #tpu.memory_space<semaphore_mem>>)
    %dma_wait3A_1344 = arith.constant 0 : i32
    %dma_wait3A_1345 = arith.constant 0 : i32
    %dma_wait3A_1346 = arith.constant 0 : i32
    %dma_wait3A_1347 = tpu.memref_slice %arg7[%dma_wait3A_1344, %dma_wait3A_1345, %dma_wait3A_1346] : memref<2x512x32xf32, #tpu.memory_space<vmem>> -> memref<1x512x32xf32, #tpu.memory_space<vmem>>
    %dma_wait3A_1348 = tpu.memref_squeeze %dma_wait3A_1347 : memref<1x512x32xf32, #tpu.memory_space<vmem>> -> memref<512x32xf32, #tpu.memory_space<vmem>>
    %dma_wait3A_1349 = arith.constant 0 : i32
    %dma_wait3A_1350 = tpu.memref_slice %arg4[%add3A_1268, %dma_wait3A_1349] : memref<425984x128xf32, #tpu.memory_space<hbm>> -> memref<512x32xf32, #tpu.memory_space<hbm>>
    %dma_wait3A_1351 = arith.constant 0 : i32
    %dma_wait3A_1352 = tpu.memref_slice %arg4[%add3A_1268, %dma_wait3A_1351] : memref<425984x128xf32, #tpu.memory_space<hbm>> -> memref<512x32xf32, #tpu.memory_space<hbm>>
    %dma_wait3A_1353 = arith.constant 0 : i32
    %dma_wait3A_1354 = arith.constant 0 : i32
    %dma_wait3A_1355 = tpu.memref_slice %arg7[%dma_wait3A_1344, %dma_wait3A_1353, %dma_wait3A_1354] : memref<2x512x32xf32, #tpu.memory_space<vmem>> -> memref<1x512x32xf32, #tpu.memory_space<vmem>>
    %dma_wait3A_1356 = tpu.memref_squeeze %dma_wait3A_1355 : memref<1x512x32xf32, #tpu.memory_space<vmem>> -> memref<512x32xf32, #tpu.memory_space<vmem>>
    tpu.wait_dma2 semaphore(%arg10 : memref<!tpu.dma_semaphore, #tpu.memory_space<semaphore_mem>>) src(%dma_wait3A_1356 : memref<512x32xf32, #tpu.memory_space<vmem>>) dst(%dma_wait3A_1352 : memref<512x32xf32, #tpu.memory_space<hbm>>)
    %dma_start3A_1357 = arith.constant 22 : i32
    %dma_start3A_1358 = arith.constant 22 : i32
    %dma_start3A_1359 = arith.constant 0 : i32
    %dma_start3A_1360 = arith.constant 0 : i32
    %dma_start3A_1361 = arith.constant 0 : i32
    %dma_start3A_1362 = tpu.memref_slice %arg7[%dma_start3A_1359, %dma_start3A_1360, %dma_start3A_1361] : memref<2x512x32xf32, #tpu.memory_space<vmem>> -> memref<1x512x32xf32, #tpu.memory_space<vmem>>
    %dma_start3A_1363 = tpu.memref_squeeze %dma_start3A_1362 : memref<1x512x32xf32, #tpu.memory_space<vmem>> -> memref<512x32xf32, #tpu.memory_space<vmem>>
    %dma_start3A_1364 = arith.constant 0 : i32
    %dma_start3A_1365 = tpu.memref_slice %arg6[%dma_start3A_1358, %dma_start3A_1364] : memref<26x512xi32, #tpu.memory_space<vmem>> -> memref<1x512xi32, #tpu.memory_space<vmem>>
    %dma_start3A_1366 = tpu.memref_squeeze %dma_start3A_1365 : memref<1x512xi32, #tpu.memory_space<vmem>> -> memref<512xi32, #tpu.memory_space<vmem>>
    %dma_start3A_1367 = arith.constant 0 : i32
    %dma_start3A_1368 = arith.constant 0 : i32
    %dma_start3A_1369 = tpu.memref_slice %arg3[%dma_start3A_1357, %dma_start3A_1367, %dma_start3A_1368] : memref<26x100000x32xf32, #tpu.memory_space<hbm>> -> memref<1x100000x32xf32, #tpu.memory_space<hbm>>
    %dma_start3A_1370 = tpu.memref_squeeze %dma_start3A_1369 : memref<1x100000x32xf32, #tpu.memory_space<hbm>> -> memref<100000x32xf32, #tpu.memory_space<hbm>>
    %dma_start3A_1371 = arith.constant 0 : i32
    %dma_start3A_1372 = arith.constant 0 : i32
    %dma_start3A_1373 = tpu.memref_slice %dma_start3A_1370[%dma_start3A_1371, %dma_start3A_1372] : memref<100000x32xf32, #tpu.memory_space<hbm>> -> memref<100000x32xf32, #tpu.memory_space<hbm>>
    tpu.enqueue_indirect_dma source(%dma_start3A_1373 : memref<100000x32xf32, #tpu.memory_space<hbm>>) target(%dma_start3A_1363 : memref<512x32xf32, #tpu.memory_space<vmem>>) offsets(%dma_start3A_1366 : memref<512xi32, #tpu.memory_space<vmem>>) semaphore(%arg8 : memref<!tpu.dma_semaphore, #tpu.memory_space<semaphore_mem>>)
    %dma_wait3A_1374 = arith.constant 22 : i32
    %dma_wait3A_1375 = arith.constant 22 : i32
    %dma_wait3A_1376 = arith.constant 0 : i32
    %dma_wait3A_1377 = arith.constant 0 : i32
    %dma_wait3A_1378 = arith.constant 0 : i32
    %dma_wait3A_1379 = tpu.memref_slice %arg7[%dma_wait3A_1376, %dma_wait3A_1377, %dma_wait3A_1378] : memref<2x512x32xf32, #tpu.memory_space<vmem>> -> memref<1x512x32xf32, #tpu.memory_space<vmem>>
    %dma_wait3A_1380 = tpu.memref_squeeze %dma_wait3A_1379 : memref<1x512x32xf32, #tpu.memory_space<vmem>> -> memref<512x32xf32, #tpu.memory_space<vmem>>
    %dma_wait3A_1381 = arith.constant 0 : i32
    %dma_wait3A_1382 = tpu.memref_slice %arg6[%dma_wait3A_1375, %dma_wait3A_1381] : memref<26x512xi32, #tpu.memory_space<vmem>> -> memref<1x512xi32, #tpu.memory_space<vmem>>
    %dma_wait3A_1383 = tpu.memref_squeeze %dma_wait3A_1382 : memref<1x512xi32, #tpu.memory_space<vmem>> -> memref<512xi32, #tpu.memory_space<vmem>>
    %dma_wait3A_1384 = arith.constant 0 : i32
    %dma_wait3A_1385 = arith.constant 0 : i32
    %dma_wait3A_1386 = tpu.memref_slice %arg3[%dma_wait3A_1374, %dma_wait3A_1384, %dma_wait3A_1385] : memref<26x100000x32xf32, #tpu.memory_space<hbm>> -> memref<1x100000x32xf32, #tpu.memory_space<hbm>>
    %dma_wait3A_1387 = tpu.memref_squeeze %dma_wait3A_1386 : memref<1x100000x32xf32, #tpu.memory_space<hbm>> -> memref<100000x32xf32, #tpu.memory_space<hbm>>
    %dma_wait3A_1388 = arith.constant 0 : i32
    %dma_wait3A_1389 = arith.constant 0 : i32
    %dma_wait3A_1390 = tpu.memref_slice %dma_wait3A_1387[%dma_wait3A_1388, %dma_wait3A_1389] : memref<100000x32xf32, #tpu.memory_space<hbm>> -> memref<100000x32xf32, #tpu.memory_space<hbm>>
    tpu.wait_indirect_dma semaphore(%arg8 : memref<!tpu.dma_semaphore, #tpu.memory_space<semaphore_mem>>) src(%dma_wait3A_1390 : memref<100000x32xf32, #tpu.memory_space<hbm>>) dst(%dma_wait3A_1380 : memref<512x32xf32, #tpu.memory_space<vmem>>)
    %add3A_1391 = arith.constant 360448 : i32
    %add3A_1392 = arith.addi %add3A_1391, %mul3A_2 : i32
    %dma_start3A_1393 = arith.constant 0 : i32
    %dma_start3A_1394 = arith.constant 0 : i32
    %dma_start3A_1395 = arith.constant 0 : i32
    %dma_start3A_1396 = tpu.memref_slice %arg7[%dma_start3A_1393, %dma_start3A_1394, %dma_start3A_1395] : memref<2x512x32xf32, #tpu.memory_space<vmem>> -> memref<1x512x32xf32, #tpu.memory_space<vmem>>
    %dma_start3A_1397 = tpu.memref_squeeze %dma_start3A_1396 : memref<1x512x32xf32, #tpu.memory_space<vmem>> -> memref<512x32xf32, #tpu.memory_space<vmem>>
    %dma_start3A_1398 = arith.constant 0 : i32
    %dma_start3A_1399 = tpu.memref_slice %arg4[%add3A_1392, %dma_start3A_1398] : memref<425984x128xf32, #tpu.memory_space<hbm>> -> memref<512x32xf32, #tpu.memory_space<hbm>>
    %dma_start3A_1400 = arith.constant 0 : i32
    %dma_start3A_1401 = tpu.memref_slice %arg4[%add3A_1392, %dma_start3A_1400] : memref<425984x128xf32, #tpu.memory_space<hbm>> -> memref<512x32xf32, #tpu.memory_space<hbm>>
    %dma_start3A_1402 = arith.constant 0 : i32
    %dma_start3A_1403 = arith.constant 0 : i32
    %dma_start3A_1404 = tpu.memref_slice %arg7[%dma_start3A_1393, %dma_start3A_1402, %dma_start3A_1403] : memref<2x512x32xf32, #tpu.memory_space<vmem>> -> memref<1x512x32xf32, #tpu.memory_space<vmem>>
    %dma_start3A_1405 = tpu.memref_squeeze %dma_start3A_1404 : memref<1x512x32xf32, #tpu.memory_space<vmem>> -> memref<512x32xf32, #tpu.memory_space<vmem>>
    tpu.enqueue_dma source(%dma_start3A_1405 : memref<512x32xf32, #tpu.memory_space<vmem>>) target(%dma_start3A_1401 : memref<512x32xf32, #tpu.memory_space<hbm>>) target_semaphore(%arg10 : memref<!tpu.dma_semaphore, #tpu.memory_space<semaphore_mem>>)
    %dma_wait3A_1406 = arith.constant 1 : i32
    %dma_wait3A_1407 = arith.constant 0 : i32
    %dma_wait3A_1408 = arith.constant 0 : i32
    %dma_wait3A_1409 = tpu.memref_slice %arg7[%dma_wait3A_1406, %dma_wait3A_1407, %dma_wait3A_1408] : memref<2x512x32xf32, #tpu.memory_space<vmem>> -> memref<1x512x32xf32, #tpu.memory_space<vmem>>
    %dma_wait3A_1410 = tpu.memref_squeeze %dma_wait3A_1409 : memref<1x512x32xf32, #tpu.memory_space<vmem>> -> memref<512x32xf32, #tpu.memory_space<vmem>>
    %dma_wait3A_1411 = arith.constant 0 : i32
    %dma_wait3A_1412 = tpu.memref_slice %arg4[%add3A_1330, %dma_wait3A_1411] : memref<425984x128xf32, #tpu.memory_space<hbm>> -> memref<512x32xf32, #tpu.memory_space<hbm>>
    %dma_wait3A_1413 = arith.constant 0 : i32
    %dma_wait3A_1414 = tpu.memref_slice %arg4[%add3A_1330, %dma_wait3A_1413] : memref<425984x128xf32, #tpu.memory_space<hbm>> -> memref<512x32xf32, #tpu.memory_space<hbm>>
    %dma_wait3A_1415 = arith.constant 0 : i32
    %dma_wait3A_1416 = arith.constant 0 : i32
    %dma_wait3A_1417 = tpu.memref_slice %arg7[%dma_wait3A_1406, %dma_wait3A_1415, %dma_wait3A_1416] : memref<2x512x32xf32, #tpu.memory_space<vmem>> -> memref<1x512x32xf32, #tpu.memory_space<vmem>>
    %dma_wait3A_1418 = tpu.memref_squeeze %dma_wait3A_1417 : memref<1x512x32xf32, #tpu.memory_space<vmem>> -> memref<512x32xf32, #tpu.memory_space<vmem>>
    tpu.wait_dma2 semaphore(%arg11 : memref<!tpu.dma_semaphore, #tpu.memory_space<semaphore_mem>>) src(%dma_wait3A_1418 : memref<512x32xf32, #tpu.memory_space<vmem>>) dst(%dma_wait3A_1414 : memref<512x32xf32, #tpu.memory_space<hbm>>)
    %dma_start3A_1419 = arith.constant 23 : i32
    %dma_start3A_1420 = arith.constant 23 : i32
    %dma_start3A_1421 = arith.constant 1 : i32
    %dma_start3A_1422 = arith.constant 0 : i32
    %dma_start3A_1423 = arith.constant 0 : i32
    %dma_start3A_1424 = tpu.memref_slice %arg7[%dma_start3A_1421, %dma_start3A_1422, %dma_start3A_1423] : memref<2x512x32xf32, #tpu.memory_space<vmem>> -> memref<1x512x32xf32, #tpu.memory_space<vmem>>
    %dma_start3A_1425 = tpu.memref_squeeze %dma_start3A_1424 : memref<1x512x32xf32, #tpu.memory_space<vmem>> -> memref<512x32xf32, #tpu.memory_space<vmem>>
    %dma_start3A_1426 = arith.constant 0 : i32
    %dma_start3A_1427 = tpu.memref_slice %arg6[%dma_start3A_1420, %dma_start3A_1426] : memref<26x512xi32, #tpu.memory_space<vmem>> -> memref<1x512xi32, #tpu.memory_space<vmem>>
    %dma_start3A_1428 = tpu.memref_squeeze %dma_start3A_1427 : memref<1x512xi32, #tpu.memory_space<vmem>> -> memref<512xi32, #tpu.memory_space<vmem>>
    %dma_start3A_1429 = arith.constant 0 : i32
    %dma_start3A_1430 = arith.constant 0 : i32
    %dma_start3A_1431 = tpu.memref_slice %arg3[%dma_start3A_1419, %dma_start3A_1429, %dma_start3A_1430] : memref<26x100000x32xf32, #tpu.memory_space<hbm>> -> memref<1x100000x32xf32, #tpu.memory_space<hbm>>
    %dma_start3A_1432 = tpu.memref_squeeze %dma_start3A_1431 : memref<1x100000x32xf32, #tpu.memory_space<hbm>> -> memref<100000x32xf32, #tpu.memory_space<hbm>>
    %dma_start3A_1433 = arith.constant 0 : i32
    %dma_start3A_1434 = arith.constant 0 : i32
    %dma_start3A_1435 = tpu.memref_slice %dma_start3A_1432[%dma_start3A_1433, %dma_start3A_1434] : memref<100000x32xf32, #tpu.memory_space<hbm>> -> memref<100000x32xf32, #tpu.memory_space<hbm>>
    tpu.enqueue_indirect_dma source(%dma_start3A_1435 : memref<100000x32xf32, #tpu.memory_space<hbm>>) target(%dma_start3A_1425 : memref<512x32xf32, #tpu.memory_space<vmem>>) offsets(%dma_start3A_1428 : memref<512xi32, #tpu.memory_space<vmem>>) semaphore(%arg9 : memref<!tpu.dma_semaphore, #tpu.memory_space<semaphore_mem>>)
    %dma_wait3A_1436 = arith.constant 23 : i32
    %dma_wait3A_1437 = arith.constant 23 : i32
    %dma_wait3A_1438 = arith.constant 1 : i32
    %dma_wait3A_1439 = arith.constant 0 : i32
    %dma_wait3A_1440 = arith.constant 0 : i32
    %dma_wait3A_1441 = tpu.memref_slice %arg7[%dma_wait3A_1438, %dma_wait3A_1439, %dma_wait3A_1440] : memref<2x512x32xf32, #tpu.memory_space<vmem>> -> memref<1x512x32xf32, #tpu.memory_space<vmem>>
    %dma_wait3A_1442 = tpu.memref_squeeze %dma_wait3A_1441 : memref<1x512x32xf32, #tpu.memory_space<vmem>> -> memref<512x32xf32, #tpu.memory_space<vmem>>
    %dma_wait3A_1443 = arith.constant 0 : i32
    %dma_wait3A_1444 = tpu.memref_slice %arg6[%dma_wait3A_1437, %dma_wait3A_1443] : memref<26x512xi32, #tpu.memory_space<vmem>> -> memref<1x512xi32, #tpu.memory_space<vmem>>
    %dma_wait3A_1445 = tpu.memref_squeeze %dma_wait3A_1444 : memref<1x512xi32, #tpu.memory_space<vmem>> -> memref<512xi32, #tpu.memory_space<vmem>>
    %dma_wait3A_1446 = arith.constant 0 : i32
    %dma_wait3A_1447 = arith.constant 0 : i32
    %dma_wait3A_1448 = tpu.memref_slice %arg3[%dma_wait3A_1436, %dma_wait3A_1446, %dma_wait3A_1447] : memref<26x100000x32xf32, #tpu.memory_space<hbm>> -> memref<1x100000x32xf32, #tpu.memory_space<hbm>>
    %dma_wait3A_1449 = tpu.memref_squeeze %dma_wait3A_1448 : memref<1x100000x32xf32, #tpu.memory_space<hbm>> -> memref<100000x32xf32, #tpu.memory_space<hbm>>
    %dma_wait3A_1450 = arith.constant 0 : i32
    %dma_wait3A_1451 = arith.constant 0 : i32
    %dma_wait3A_1452 = tpu.memref_slice %dma_wait3A_1449[%dma_wait3A_1450, %dma_wait3A_1451] : memref<100000x32xf32, #tpu.memory_space<hbm>> -> memref<100000x32xf32, #tpu.memory_space<hbm>>
    tpu.wait_indirect_dma semaphore(%arg9 : memref<!tpu.dma_semaphore, #tpu.memory_space<semaphore_mem>>) src(%dma_wait3A_1452 : memref<100000x32xf32, #tpu.memory_space<hbm>>) dst(%dma_wait3A_1442 : memref<512x32xf32, #tpu.memory_space<vmem>>)
    %add3A_1453 = arith.constant 376832 : i32
    %add3A_1454 = arith.addi %add3A_1453, %mul3A_2 : i32
    %dma_start3A_1455 = arith.constant 1 : i32
    %dma_start3A_1456 = arith.constant 0 : i32
    %dma_start3A_1457 = arith.constant 0 : i32
    %dma_start3A_1458 = tpu.memref_slice %arg7[%dma_start3A_1455, %dma_start3A_1456, %dma_start3A_1457] : memref<2x512x32xf32, #tpu.memory_space<vmem>> -> memref<1x512x32xf32, #tpu.memory_space<vmem>>
    %dma_start3A_1459 = tpu.memref_squeeze %dma_start3A_1458 : memref<1x512x32xf32, #tpu.memory_space<vmem>> -> memref<512x32xf32, #tpu.memory_space<vmem>>
    %dma_start3A_1460 = arith.constant 0 : i32
    %dma_start3A_1461 = tpu.memref_slice %arg4[%add3A_1454, %dma_start3A_1460] : memref<425984x128xf32, #tpu.memory_space<hbm>> -> memref<512x32xf32, #tpu.memory_space<hbm>>
    %dma_start3A_1462 = arith.constant 0 : i32
    %dma_start3A_1463 = tpu.memref_slice %arg4[%add3A_1454, %dma_start3A_1462] : memref<425984x128xf32, #tpu.memory_space<hbm>> -> memref<512x32xf32, #tpu.memory_space<hbm>>
    %dma_start3A_1464 = arith.constant 0 : i32
    %dma_start3A_1465 = arith.constant 0 : i32
    %dma_start3A_1466 = tpu.memref_slice %arg7[%dma_start3A_1455, %dma_start3A_1464, %dma_start3A_1465] : memref<2x512x32xf32, #tpu.memory_space<vmem>> -> memref<1x512x32xf32, #tpu.memory_space<vmem>>
    %dma_start3A_1467 = tpu.memref_squeeze %dma_start3A_1466 : memref<1x512x32xf32, #tpu.memory_space<vmem>> -> memref<512x32xf32, #tpu.memory_space<vmem>>
    tpu.enqueue_dma source(%dma_start3A_1467 : memref<512x32xf32, #tpu.memory_space<vmem>>) target(%dma_start3A_1463 : memref<512x32xf32, #tpu.memory_space<hbm>>) target_semaphore(%arg11 : memref<!tpu.dma_semaphore, #tpu.memory_space<semaphore_mem>>)
    %dma_wait3A_1468 = arith.constant 0 : i32
    %dma_wait3A_1469 = arith.constant 0 : i32
    %dma_wait3A_1470 = arith.constant 0 : i32
    %dma_wait3A_1471 = tpu.memref_slice %arg7[%dma_wait3A_1468, %dma_wait3A_1469, %dma_wait3A_1470] : memref<2x512x32xf32, #tpu.memory_space<vmem>> -> memref<1x512x32xf32, #tpu.memory_space<vmem>>
    %dma_wait3A_1472 = tpu.memref_squeeze %dma_wait3A_1471 : memref<1x512x32xf32, #tpu.memory_space<vmem>> -> memref<512x32xf32, #tpu.memory_space<vmem>>
    %dma_wait3A_1473 = arith.constant 0 : i32
    %dma_wait3A_1474 = tpu.memref_slice %arg4[%add3A_1392, %dma_wait3A_1473] : memref<425984x128xf32, #tpu.memory_space<hbm>> -> memref<512x32xf32, #tpu.memory_space<hbm>>
    %dma_wait3A_1475 = arith.constant 0 : i32
    %dma_wait3A_1476 = tpu.memref_slice %arg4[%add3A_1392, %dma_wait3A_1475] : memref<425984x128xf32, #tpu.memory_space<hbm>> -> memref<512x32xf32, #tpu.memory_space<hbm>>
    %dma_wait3A_1477 = arith.constant 0 : i32
    %dma_wait3A_1478 = arith.constant 0 : i32
    %dma_wait3A_1479 = tpu.memref_slice %arg7[%dma_wait3A_1468, %dma_wait3A_1477, %dma_wait3A_1478] : memref<2x512x32xf32, #tpu.memory_space<vmem>> -> memref<1x512x32xf32, #tpu.memory_space<vmem>>
    %dma_wait3A_1480 = tpu.memref_squeeze %dma_wait3A_1479 : memref<1x512x32xf32, #tpu.memory_space<vmem>> -> memref<512x32xf32, #tpu.memory_space<vmem>>
    tpu.wait_dma2 semaphore(%arg10 : memref<!tpu.dma_semaphore, #tpu.memory_space<semaphore_mem>>) src(%dma_wait3A_1480 : memref<512x32xf32, #tpu.memory_space<vmem>>) dst(%dma_wait3A_1476 : memref<512x32xf32, #tpu.memory_space<hbm>>)
    %dma_start3A_1481 = arith.constant 24 : i32
    %dma_start3A_1482 = arith.constant 24 : i32
    %dma_start3A_1483 = arith.constant 0 : i32
    %dma_start3A_1484 = arith.constant 0 : i32
    %dma_start3A_1485 = arith.constant 0 : i32
    %dma_start3A_1486 = tpu.memref_slice %arg7[%dma_start3A_1483, %dma_start3A_1484, %dma_start3A_1485] : memref<2x512x32xf32, #tpu.memory_space<vmem>> -> memref<1x512x32xf32, #tpu.memory_space<vmem>>
    %dma_start3A_1487 = tpu.memref_squeeze %dma_start3A_1486 : memref<1x512x32xf32, #tpu.memory_space<vmem>> -> memref<512x32xf32, #tpu.memory_space<vmem>>
    %dma_start3A_1488 = arith.constant 0 : i32
    %dma_start3A_1489 = tpu.memref_slice %arg6[%dma_start3A_1482, %dma_start3A_1488] : memref<26x512xi32, #tpu.memory_space<vmem>> -> memref<1x512xi32, #tpu.memory_space<vmem>>
    %dma_start3A_1490 = tpu.memref_squeeze %dma_start3A_1489 : memref<1x512xi32, #tpu.memory_space<vmem>> -> memref<512xi32, #tpu.memory_space<vmem>>
    %dma_start3A_1491 = arith.constant 0 : i32
    %dma_start3A_1492 = arith.constant 0 : i32
    %dma_start3A_1493 = tpu.memref_slice %arg3[%dma_start3A_1481, %dma_start3A_1491, %dma_start3A_1492] : memref<26x100000x32xf32, #tpu.memory_space<hbm>> -> memref<1x100000x32xf32, #tpu.memory_space<hbm>>
    %dma_start3A_1494 = tpu.memref_squeeze %dma_start3A_1493 : memref<1x100000x32xf32, #tpu.memory_space<hbm>> -> memref<100000x32xf32, #tpu.memory_space<hbm>>
    %dma_start3A_1495 = arith.constant 0 : i32
    %dma_start3A_1496 = arith.constant 0 : i32
    %dma_start3A_1497 = tpu.memref_slice %dma_start3A_1494[%dma_start3A_1495, %dma_start3A_1496] : memref<100000x32xf32, #tpu.memory_space<hbm>> -> memref<100000x32xf32, #tpu.memory_space<hbm>>
    tpu.enqueue_indirect_dma source(%dma_start3A_1497 : memref<100000x32xf32, #tpu.memory_space<hbm>>) target(%dma_start3A_1487 : memref<512x32xf32, #tpu.memory_space<vmem>>) offsets(%dma_start3A_1490 : memref<512xi32, #tpu.memory_space<vmem>>) semaphore(%arg8 : memref<!tpu.dma_semaphore, #tpu.memory_space<semaphore_mem>>)
    %dma_wait3A_1498 = arith.constant 24 : i32
    %dma_wait3A_1499 = arith.constant 24 : i32
    %dma_wait3A_1500 = arith.constant 0 : i32
    %dma_wait3A_1501 = arith.constant 0 : i32
    %dma_wait3A_1502 = arith.constant 0 : i32
    %dma_wait3A_1503 = tpu.memref_slice %arg7[%dma_wait3A_1500, %dma_wait3A_1501, %dma_wait3A_1502] : memref<2x512x32xf32, #tpu.memory_space<vmem>> -> memref<1x512x32xf32, #tpu.memory_space<vmem>>
    %dma_wait3A_1504 = tpu.memref_squeeze %dma_wait3A_1503 : memref<1x512x32xf32, #tpu.memory_space<vmem>> -> memref<512x32xf32, #tpu.memory_space<vmem>>
    %dma_wait3A_1505 = arith.constant 0 : i32
    %dma_wait3A_1506 = tpu.memref_slice %arg6[%dma_wait3A_1499, %dma_wait3A_1505] : memref<26x512xi32, #tpu.memory_space<vmem>> -> memref<1x512xi32, #tpu.memory_space<vmem>>
    %dma_wait3A_1507 = tpu.memref_squeeze %dma_wait3A_1506 : memref<1x512xi32, #tpu.memory_space<vmem>> -> memref<512xi32, #tpu.memory_space<vmem>>
    %dma_wait3A_1508 = arith.constant 0 : i32
    %dma_wait3A_1509 = arith.constant 0 : i32
    %dma_wait3A_1510 = tpu.memref_slice %arg3[%dma_wait3A_1498, %dma_wait3A_1508, %dma_wait3A_1509] : memref<26x100000x32xf32, #tpu.memory_space<hbm>> -> memref<1x100000x32xf32, #tpu.memory_space<hbm>>
    %dma_wait3A_1511 = tpu.memref_squeeze %dma_wait3A_1510 : memref<1x100000x32xf32, #tpu.memory_space<hbm>> -> memref<100000x32xf32, #tpu.memory_space<hbm>>
    %dma_wait3A_1512 = arith.constant 0 : i32
    %dma_wait3A_1513 = arith.constant 0 : i32
    %dma_wait3A_1514 = tpu.memref_slice %dma_wait3A_1511[%dma_wait3A_1512, %dma_wait3A_1513] : memref<100000x32xf32, #tpu.memory_space<hbm>> -> memref<100000x32xf32, #tpu.memory_space<hbm>>
    tpu.wait_indirect_dma semaphore(%arg8 : memref<!tpu.dma_semaphore, #tpu.memory_space<semaphore_mem>>) src(%dma_wait3A_1514 : memref<100000x32xf32, #tpu.memory_space<hbm>>) dst(%dma_wait3A_1504 : memref<512x32xf32, #tpu.memory_space<vmem>>)
    %add3A_1515 = arith.constant 393216 : i32
    %add3A_1516 = arith.addi %add3A_1515, %mul3A_2 : i32
    %dma_start3A_1517 = arith.constant 0 : i32
    %dma_start3A_1518 = arith.constant 0 : i32
    %dma_start3A_1519 = arith.constant 0 : i32
    %dma_start3A_1520 = tpu.memref_slice %arg7[%dma_start3A_1517, %dma_start3A_1518, %dma_start3A_1519] : memref<2x512x32xf32, #tpu.memory_space<vmem>> -> memref<1x512x32xf32, #tpu.memory_space<vmem>>
    %dma_start3A_1521 = tpu.memref_squeeze %dma_start3A_1520 : memref<1x512x32xf32, #tpu.memory_space<vmem>> -> memref<512x32xf32, #tpu.memory_space<vmem>>
    %dma_start3A_1522 = arith.constant 0 : i32
    %dma_start3A_1523 = tpu.memref_slice %arg4[%add3A_1516, %dma_start3A_1522] : memref<425984x128xf32, #tpu.memory_space<hbm>> -> memref<512x32xf32, #tpu.memory_space<hbm>>
    %dma_start3A_1524 = arith.constant 0 : i32
    %dma_start3A_1525 = tpu.memref_slice %arg4[%add3A_1516, %dma_start3A_1524] : memref<425984x128xf32, #tpu.memory_space<hbm>> -> memref<512x32xf32, #tpu.memory_space<hbm>>
    %dma_start3A_1526 = arith.constant 0 : i32
    %dma_start3A_1527 = arith.constant 0 : i32
    %dma_start3A_1528 = tpu.memref_slice %arg7[%dma_start3A_1517, %dma_start3A_1526, %dma_start3A_1527] : memref<2x512x32xf32, #tpu.memory_space<vmem>> -> memref<1x512x32xf32, #tpu.memory_space<vmem>>
    %dma_start3A_1529 = tpu.memref_squeeze %dma_start3A_1528 : memref<1x512x32xf32, #tpu.memory_space<vmem>> -> memref<512x32xf32, #tpu.memory_space<vmem>>
    tpu.enqueue_dma source(%dma_start3A_1529 : memref<512x32xf32, #tpu.memory_space<vmem>>) target(%dma_start3A_1525 : memref<512x32xf32, #tpu.memory_space<hbm>>) target_semaphore(%arg10 : memref<!tpu.dma_semaphore, #tpu.memory_space<semaphore_mem>>)
    %dma_wait3A_1530 = arith.constant 1 : i32
    %dma_wait3A_1531 = arith.constant 0 : i32
    %dma_wait3A_1532 = arith.constant 0 : i32
    %dma_wait3A_1533 = tpu.memref_slice %arg7[%dma_wait3A_1530, %dma_wait3A_1531, %dma_wait3A_1532] : memref<2x512x32xf32, #tpu.memory_space<vmem>> -> memref<1x512x32xf32, #tpu.memory_space<vmem>>
    %dma_wait3A_1534 = tpu.memref_squeeze %dma_wait3A_1533 : memref<1x512x32xf32, #tpu.memory_space<vmem>> -> memref<512x32xf32, #tpu.memory_space<vmem>>
    %dma_wait3A_1535 = arith.constant 0 : i32
    %dma_wait3A_1536 = tpu.memref_slice %arg4[%add3A_1454, %dma_wait3A_1535] : memref<425984x128xf32, #tpu.memory_space<hbm>> -> memref<512x32xf32, #tpu.memory_space<hbm>>
    %dma_wait3A_1537 = arith.constant 0 : i32
    %dma_wait3A_1538 = tpu.memref_slice %arg4[%add3A_1454, %dma_wait3A_1537] : memref<425984x128xf32, #tpu.memory_space<hbm>> -> memref<512x32xf32, #tpu.memory_space<hbm>>
    %dma_wait3A_1539 = arith.constant 0 : i32
    %dma_wait3A_1540 = arith.constant 0 : i32
    %dma_wait3A_1541 = tpu.memref_slice %arg7[%dma_wait3A_1530, %dma_wait3A_1539, %dma_wait3A_1540] : memref<2x512x32xf32, #tpu.memory_space<vmem>> -> memref<1x512x32xf32, #tpu.memory_space<vmem>>
    %dma_wait3A_1542 = tpu.memref_squeeze %dma_wait3A_1541 : memref<1x512x32xf32, #tpu.memory_space<vmem>> -> memref<512x32xf32, #tpu.memory_space<vmem>>
    tpu.wait_dma2 semaphore(%arg11 : memref<!tpu.dma_semaphore, #tpu.memory_space<semaphore_mem>>) src(%dma_wait3A_1542 : memref<512x32xf32, #tpu.memory_space<vmem>>) dst(%dma_wait3A_1538 : memref<512x32xf32, #tpu.memory_space<hbm>>)
    %dma_start3A_1543 = arith.constant 25 : i32
    %dma_start3A_1544 = arith.constant 25 : i32
    %dma_start3A_1545 = arith.constant 1 : i32
    %dma_start3A_1546 = arith.constant 0 : i32
    %dma_start3A_1547 = arith.constant 0 : i32
    %dma_start3A_1548 = tpu.memref_slice %arg7[%dma_start3A_1545, %dma_start3A_1546, %dma_start3A_1547] : memref<2x512x32xf32, #tpu.memory_space<vmem>> -> memref<1x512x32xf32, #tpu.memory_space<vmem>>
    %dma_start3A_1549 = tpu.memref_squeeze %dma_start3A_1548 : memref<1x512x32xf32, #tpu.memory_space<vmem>> -> memref<512x32xf32, #tpu.memory_space<vmem>>
    %dma_start3A_1550 = arith.constant 0 : i32
    %dma_start3A_1551 = tpu.memref_slice %arg6[%dma_start3A_1544, %dma_start3A_1550] : memref<26x512xi32, #tpu.memory_space<vmem>> -> memref<1x512xi32, #tpu.memory_space<vmem>>
    %dma_start3A_1552 = tpu.memref_squeeze %dma_start3A_1551 : memref<1x512xi32, #tpu.memory_space<vmem>> -> memref<512xi32, #tpu.memory_space<vmem>>
    %dma_start3A_1553 = arith.constant 0 : i32
    %dma_start3A_1554 = arith.constant 0 : i32
    %dma_start3A_1555 = tpu.memref_slice %arg3[%dma_start3A_1543, %dma_start3A_1553, %dma_start3A_1554] : memref<26x100000x32xf32, #tpu.memory_space<hbm>> -> memref<1x100000x32xf32, #tpu.memory_space<hbm>>
    %dma_start3A_1556 = tpu.memref_squeeze %dma_start3A_1555 : memref<1x100000x32xf32, #tpu.memory_space<hbm>> -> memref<100000x32xf32, #tpu.memory_space<hbm>>
    %dma_start3A_1557 = arith.constant 0 : i32
    %dma_start3A_1558 = arith.constant 0 : i32
    %dma_start3A_1559 = tpu.memref_slice %dma_start3A_1556[%dma_start3A_1557, %dma_start3A_1558] : memref<100000x32xf32, #tpu.memory_space<hbm>> -> memref<100000x32xf32, #tpu.memory_space<hbm>>
    tpu.enqueue_indirect_dma source(%dma_start3A_1559 : memref<100000x32xf32, #tpu.memory_space<hbm>>) target(%dma_start3A_1549 : memref<512x32xf32, #tpu.memory_space<vmem>>) offsets(%dma_start3A_1552 : memref<512xi32, #tpu.memory_space<vmem>>) semaphore(%arg9 : memref<!tpu.dma_semaphore, #tpu.memory_space<semaphore_mem>>)
    %dma_wait3A_1560 = arith.constant 25 : i32
    %dma_wait3A_1561 = arith.constant 25 : i32
    %dma_wait3A_1562 = arith.constant 1 : i32
    %dma_wait3A_1563 = arith.constant 0 : i32
    %dma_wait3A_1564 = arith.constant 0 : i32
    %dma_wait3A_1565 = tpu.memref_slice %arg7[%dma_wait3A_1562, %dma_wait3A_1563, %dma_wait3A_1564] : memref<2x512x32xf32, #tpu.memory_space<vmem>> -> memref<1x512x32xf32, #tpu.memory_space<vmem>>
    %dma_wait3A_1566 = tpu.memref_squeeze %dma_wait3A_1565 : memref<1x512x32xf32, #tpu.memory_space<vmem>> -> memref<512x32xf32, #tpu.memory_space<vmem>>
    %dma_wait3A_1567 = arith.constant 0 : i32
    %dma_wait3A_1568 = tpu.memref_slice %arg6[%dma_wait3A_1561, %dma_wait3A_1567] : memref<26x512xi32, #tpu.memory_space<vmem>> -> memref<1x512xi32, #tpu.memory_space<vmem>>
    %dma_wait3A_1569 = tpu.memref_squeeze %dma_wait3A_1568 : memref<1x512xi32, #tpu.memory_space<vmem>> -> memref<512xi32, #tpu.memory_space<vmem>>
    %dma_wait3A_1570 = arith.constant 0 : i32
    %dma_wait3A_1571 = arith.constant 0 : i32
    %dma_wait3A_1572 = tpu.memref_slice %arg3[%dma_wait3A_1560, %dma_wait3A_1570, %dma_wait3A_1571] : memref<26x100000x32xf32, #tpu.memory_space<hbm>> -> memref<1x100000x32xf32, #tpu.memory_space<hbm>>
    %dma_wait3A_1573 = tpu.memref_squeeze %dma_wait3A_1572 : memref<1x100000x32xf32, #tpu.memory_space<hbm>> -> memref<100000x32xf32, #tpu.memory_space<hbm>>
    %dma_wait3A_1574 = arith.constant 0 : i32
    %dma_wait3A_1575 = arith.constant 0 : i32
    %dma_wait3A_1576 = tpu.memref_slice %dma_wait3A_1573[%dma_wait3A_1574, %dma_wait3A_1575] : memref<100000x32xf32, #tpu.memory_space<hbm>> -> memref<100000x32xf32, #tpu.memory_space<hbm>>
    tpu.wait_indirect_dma semaphore(%arg9 : memref<!tpu.dma_semaphore, #tpu.memory_space<semaphore_mem>>) src(%dma_wait3A_1576 : memref<100000x32xf32, #tpu.memory_space<hbm>>) dst(%dma_wait3A_1566 : memref<512x32xf32, #tpu.memory_space<vmem>>)
    %add3A_1577 = arith.constant 409600 : i32
    %add3A_1578 = arith.addi %add3A_1577, %mul3A_2 : i32
    %dma_start3A_1579 = arith.constant 1 : i32
    %dma_start3A_1580 = arith.constant 0 : i32
    %dma_start3A_1581 = arith.constant 0 : i32
    %dma_start3A_1582 = tpu.memref_slice %arg7[%dma_start3A_1579, %dma_start3A_1580, %dma_start3A_1581] : memref<2x512x32xf32, #tpu.memory_space<vmem>> -> memref<1x512x32xf32, #tpu.memory_space<vmem>>
    %dma_start3A_1583 = tpu.memref_squeeze %dma_start3A_1582 : memref<1x512x32xf32, #tpu.memory_space<vmem>> -> memref<512x32xf32, #tpu.memory_space<vmem>>
    %dma_start3A_1584 = arith.constant 0 : i32
    %dma_start3A_1585 = tpu.memref_slice %arg4[%add3A_1578, %dma_start3A_1584] : memref<425984x128xf32, #tpu.memory_space<hbm>> -> memref<512x32xf32, #tpu.memory_space<hbm>>
    %dma_start3A_1586 = arith.constant 0 : i32
    %dma_start3A_1587 = tpu.memref_slice %arg4[%add3A_1578, %dma_start3A_1586] : memref<425984x128xf32, #tpu.memory_space<hbm>> -> memref<512x32xf32, #tpu.memory_space<hbm>>
    %dma_start3A_1588 = arith.constant 0 : i32
    %dma_start3A_1589 = arith.constant 0 : i32
    %dma_start3A_1590 = tpu.memref_slice %arg7[%dma_start3A_1579, %dma_start3A_1588, %dma_start3A_1589] : memref<2x512x32xf32, #tpu.memory_space<vmem>> -> memref<1x512x32xf32, #tpu.memory_space<vmem>>
    %dma_start3A_1591 = tpu.memref_squeeze %dma_start3A_1590 : memref<1x512x32xf32, #tpu.memory_space<vmem>> -> memref<512x32xf32, #tpu.memory_space<vmem>>
    tpu.enqueue_dma source(%dma_start3A_1591 : memref<512x32xf32, #tpu.memory_space<vmem>>) target(%dma_start3A_1587 : memref<512x32xf32, #tpu.memory_space<hbm>>) target_semaphore(%arg11 : memref<!tpu.dma_semaphore, #tpu.memory_space<semaphore_mem>>)
    %dma_wait3A_1592 = arith.constant 0 : i32
    %dma_wait3A_1593 = arith.constant 0 : i32
    %dma_wait3A_1594 = arith.constant 0 : i32
    %dma_wait3A_1595 = tpu.memref_slice %arg7[%dma_wait3A_1592, %dma_wait3A_1593, %dma_wait3A_1594] : memref<2x512x32xf32, #tpu.memory_space<vmem>> -> memref<1x512x32xf32, #tpu.memory_space<vmem>>
    %dma_wait3A_1596 = tpu.memref_squeeze %dma_wait3A_1595 : memref<1x512x32xf32, #tpu.memory_space<vmem>> -> memref<512x32xf32, #tpu.memory_space<vmem>>
    %dma_wait3A_1597 = arith.constant 0 : i32
    %dma_wait3A_1598 = tpu.memref_slice %arg4[%add3A_1516, %dma_wait3A_1597] : memref<425984x128xf32, #tpu.memory_space<hbm>> -> memref<512x32xf32, #tpu.memory_space<hbm>>
    %dma_wait3A_1599 = arith.constant 0 : i32
    %dma_wait3A_1600 = tpu.memref_slice %arg4[%add3A_1516, %dma_wait3A_1599] : memref<425984x128xf32, #tpu.memory_space<hbm>> -> memref<512x32xf32, #tpu.memory_space<hbm>>
    %dma_wait3A_1601 = arith.constant 0 : i32
    %dma_wait3A_1602 = arith.constant 0 : i32
    %dma_wait3A_1603 = tpu.memref_slice %arg7[%dma_wait3A_1592, %dma_wait3A_1601, %dma_wait3A_1602] : memref<2x512x32xf32, #tpu.memory_space<vmem>> -> memref<1x512x32xf32, #tpu.memory_space<vmem>>
    %dma_wait3A_1604 = tpu.memref_squeeze %dma_wait3A_1603 : memref<1x512x32xf32, #tpu.memory_space<vmem>> -> memref<512x32xf32, #tpu.memory_space<vmem>>
    tpu.wait_dma2 semaphore(%arg10 : memref<!tpu.dma_semaphore, #tpu.memory_space<semaphore_mem>>) src(%dma_wait3A_1604 : memref<512x32xf32, #tpu.memory_space<vmem>>) dst(%dma_wait3A_1600 : memref<512x32xf32, #tpu.memory_space<hbm>>)
    %dma_wait3A_1605 = arith.constant 1 : i32
    %dma_wait3A_1606 = arith.constant 0 : i32
    %dma_wait3A_1607 = arith.constant 0 : i32
    %dma_wait3A_1608 = tpu.memref_slice %arg7[%dma_wait3A_1605, %dma_wait3A_1606, %dma_wait3A_1607] : memref<2x512x32xf32, #tpu.memory_space<vmem>> -> memref<1x512x32xf32, #tpu.memory_space<vmem>>
    %dma_wait3A_1609 = tpu.memref_squeeze %dma_wait3A_1608 : memref<1x512x32xf32, #tpu.memory_space<vmem>> -> memref<512x32xf32, #tpu.memory_space<vmem>>
    %dma_wait3A_1610 = arith.constant 0 : i32
    %dma_wait3A_1611 = tpu.memref_slice %arg4[%add3A_1578, %dma_wait3A_1610] : memref<425984x128xf32, #tpu.memory_space<hbm>> -> memref<512x32xf32, #tpu.memory_space<hbm>>
    %dma_wait3A_1612 = arith.constant 0 : i32
    %dma_wait3A_1613 = tpu.memref_slice %arg4[%add3A_1578, %dma_wait3A_1612] : memref<425984x128xf32, #tpu.memory_space<hbm>> -> memref<512x32xf32, #tpu.memory_space<hbm>>
    %dma_wait3A_1614 = arith.constant 0 : i32
    %dma_wait3A_1615 = arith.constant 0 : i32
    %dma_wait3A_1616 = tpu.memref_slice %arg7[%dma_wait3A_1605, %dma_wait3A_1614, %dma_wait3A_1615] : memref<2x512x32xf32, #tpu.memory_space<vmem>> -> memref<1x512x32xf32, #tpu.memory_space<vmem>>
    %dma_wait3A_1617 = tpu.memref_squeeze %dma_wait3A_1616 : memref<1x512x32xf32, #tpu.memory_space<vmem>> -> memref<512x32xf32, #tpu.memory_space<vmem>>
    tpu.wait_dma2 semaphore(%arg11 : memref<!tpu.dma_semaphore, #tpu.memory_space<semaphore_mem>>) src(%dma_wait3A_1617 : memref<512x32xf32, #tpu.memory_space<vmem>>) dst(%dma_wait3A_1613 : memref<512x32xf32, #tpu.memory_space<hbm>>)
    return
  }
}

</mosaic_0001>

<sc_bundles>
// kernel: kernel.3.cloned.1.call-start
scs
__scs_entry_jumppad:
0x0: {  	(pc) =	sbr.rel $0x88, $3  }
0x1: {  	(tag) =	ssettag $0x0;
	lr =	simm.s32 $0x1  }
0x2: {  	[smem:$0x3F9F] =	sst lr;
	_ =	strace $0xD0000000  }
0x3: {  	_ = 	snop  }
0x4: {  	_ = 	snop  }
0x5: {  	_ = 	snop  }
0x6: {  	_ = 	snop  }
0x7: {  	_ = 	snop  }
__scs_overlays_trampoline_lowered:
0x8: {  	[smem:$0x3FAE] =	sst s0  }
0x9: {  	[smem:$0x3FAF] =	sst s1  }
0xa: {  	[smem:$0x3FB0] =	sst s2  }
0xb: {  	[smem:$0x3FB1] =	sst s3  }
0xc: {  	[smem:$0x3FB2] =	sst s4  }
0xd: {  	[smem:$0x3FB3] =	sst s5  }
0xe: {  	[smem:$0x3FB4] =	sst s6  }
0xf: {  	[smem:$0x3FB5] =	sst s7  }
0x10: {  	[smem:$0x3FB6] =	sst s8  }
0x11: {  	[smem:$0x3FB7] =	sst s9;
	s0 =	simm.s32 @!p0 $0x0  }
0x12: {  	s1 =	sld [smem:$0x3F9D];
	s0 =	simm.s32 @p0 $0x1  }
0x13: {  	[smem:$0x3FB8] =	sst s0;
	s0 =	simm.s32 @!p1 $0x0  }
0x14: {  	s2 =	sld [smem:$0x3F9C];
	s0 =	simm.s32 @p1 $0x1  }
0x15: {  	[smem:$0x3FB9] =	sst s0;
	s0 =	simm.s32 @!p2 $0x0  }
0x16: {  	s3 =	sld [smem:$0x3FDB];
	s0 =	simm.s32 @p2 $0x1  }
0x17: {  	s4 =	simm.s32 $0x1BF5;
	[smem:$0x3FBB] =	sst s0  }
0x18: {  	s0 =	sld [smem:$0x3F9E];
	_ =	swait.ge [sflag:s4], $0x0  }
0x19: {  	s7 =	sld [smem:$0x3F9F]  }
0x1a: {  	s8 =	sadd.s32 $0xFFFFE003, lr  }
0x1b: {  	s9 =	sadd.s32 $0xFFFFFEF7, lr;
	s5 =	simm.s32 $0xFFFFFFFF;
	p2 =	slt.u32 s8, $0xFFFFF086  }
0x1c: {  	p1 =	slt.u32 s9, $0xF7A;
	s5 =	simm.s32 @!p2 $0x0  }
0x1d: {  	s5 =	simm.s32 @p1 $0x1;
	p0 =	seq.s32 s7, s2  }
0x1e: {  	s7 =	smul.u32 @!p0 $0xF7A, s2;
	p2 =	seq.s32 @!p0 s5, $0x0  }
0x1f: {  	s9 =	smul.u32 $0xF7A, s1;
	s8 =	simm.s32 @!p0 $0x1BF5;
	p2 =	por !p2, p0  }
0x20: {  	[sflag:s8] =	ssyncset.s32 @!p0 $0xFFFFF086;
	s6 =	sadd.s32 @!p0 s3, s7;
	s7 =	simm.s32 @!p0 $0x108  }
0x21: {  	s3 =	sadd.s32 s3, s9;
	s6 =	sadd.s32 @!p0 $0x88, s6;
	s7 =	simm.s32 @p2 $0x1082  }
0x22: {  	[simem:s7], [sflag:s8] =	dma.local @!p0 [hbm:s6], $0xF7A  }
0x23: {  	s9 =	sor.u32 $0xD0000000, s2;
	s6 =	simm.s32 $0x108;
	_ =	swait.ge @!p0 [sflag:s8], $0x0  }
0x24: {  	s3 =	sadd.s32 $0x88, s3;
	s6 =	simm.s32 @!p1 $0x1082;
	[sflag:s4] =	ssyncset.s32 $0xFFFFF086  }
0x25: {  	[simem:s6], [sflag:s4] =	dma.local [hbm:s3], $0xF7A  }
0x26: {  	[smem:$0x3F9F] =	sst s1;
	(tag) =	ssettag s2;
	_ =	strace s9  }
0x27: {  	s1 =	sld [smem:$0x3FAF]  }
0x28: {  	s2 =	sld [smem:$0x3FB0]  }
0x29: {  	s4 =	sld [smem:$0x3FB2]  }
0x2a: {  	p0 =	seq.s32 s5, $0x0;
	s5 =	sld [smem:$0x3FB3]  }
0x2b: {  	s6 =	sld [smem:$0x3FB4]  }
0x2c: {  	s7 =	sld [smem:$0x3FB5]  }
0x2d: {  	s3 =	simm.s32 $0x108;
	s8 =	sld [smem:$0x3FB6]  }
0x2e: {  	s3 =	simm.s32 @!p0 $0x1082;
	s9 =	sld [smem:$0x3FB7]  }
0x2f: {  	lr =	sadd.s32 s0, s3;
	s0 =	sld [smem:$0x3FAE]  }
0x30: {  	s3 =	sld [smem:$0x3FB1]  }
0x31: {  	[smem:$0x3FBA] =	sst s10  }
0x32: {  	s10 =	sld [smem:$0x3FB8];
	_ =	sdelay $0x3  }
0x33: {  	p0 =	seq.s32 s10, $0x1;
	s10 =	sld [smem:$0x3FBA];
	_ =	sdelay $0x3  }
0x34: {  	[smem:$0x3FBA] =	sst s10  }
0x35: {  	s10 =	sld [smem:$0x3FB9];
	_ =	sdelay $0x3  }
0x36: {  	p1 =	seq.s32 s10, $0x1;
	s10 =	sld [smem:$0x3FBA];
	_ =	sdelay $0x3  }
0x37: {  	[smem:$0x3FBA] =	sst s10  }
0x38: {  	s10 =	sld [smem:$0x3FBB]  }
0x39: {  	_ = 	snop;
	(pc) =	sbr.ind lr, $3  }
0x3a: {  	_ = 	snop  }
0x3b: {  	_ = 	snop  }
0x3c: {  	p2 =	seq.s32 s10, $0x1;
	s10 =	sld [smem:$0x3FBA]  }
0x3d: {  	_ =	shalt  }
0x3e: {  	_ =	shalt  }
0x3f: {  	_ =	shalt  }
0x40: {  	_ =	shalt  }
0x41: {  	_ =	shalt  }
0x42: {  	_ =	shalt  }
0x43: {  	_ =	shalt  }
0x44: {  	_ =	shalt  }
0x45: {  	_ =	shalt  }
0x46: {  	_ =	shalt  }
0x47: {  	_ =	shalt  }
0x48: {  	_ =	shalt  }
0x49: {  	_ =	shalt  }
0x4a: {  	_ =	shalt  }
0x4b: {  	_ =	shalt  }
0x4c: {  	_ =	shalt  }
0x4d: {  	_ =	shalt  }
0x4e: {  	_ =	shalt  }
0x4f: {  	_ =	shalt  }
0x50: {  	_ =	shalt  }
0x51: {  	_ =	shalt  }
0x52: {  	_ =	shalt  }
0x53: {  	_ =	shalt  }
0x54: {  	_ =	shalt  }
0x55: {  	_ =	shalt  }
0x56: {  	_ =	shalt  }
0x57: {  	_ =	shalt  }
0x58: {  	_ =	shalt  }
0x59: {  	_ =	shalt  }
0x5a: {  	_ =	shalt  }
0x5b: {  	_ =	shalt  }
0x5c: {  	_ =	shalt  }
0x5d: {  	_ =	shalt  }
0x5e: {  	_ =	shalt  }
0x5f: {  	_ =	shalt  }
0x60: {  	_ =	shalt  }
0x61: {  	_ =	shalt  }
0x62: {  	_ =	shalt  }
0x63: {  	_ =	shalt  }
0x64: {  	_ =	shalt  }
0x65: {  	_ =	shalt  }
0x66: {  	_ =	shalt  }
0x67: {  	_ =	shalt  }
0x68: {  	_ =	shalt  }
0x69: {  	_ =	shalt  }
0x6a: {  	_ =	shalt  }
0x6b: {  	_ =	shalt  }
0x6c: {  	_ =	shalt  }
0x6d: {  	_ =	shalt  }
0x6e: {  	_ =	shalt  }
0x6f: {  	_ =	shalt  }
0x70: {  	_ =	shalt  }
0x71: {  	_ =	shalt  }
0x72: {  	_ =	shalt  }
0x73: {  	_ =	shalt  }
0x74: {  	_ =	shalt  }
0x75: {  	_ =	shalt  }
0x76: {  	_ =	shalt  }
0x77: {  	_ =	shalt  }
0x78: {  	_ =	shalt  }
0x79: {  	_ =	shalt  }
0x7a: {  	_ =	shalt  }
0x7b: {  	_ =	shalt  }
0x7c: {  	_ =	shalt  }
0x7d: {  	_ =	shalt  }
0x7e: {  	_ =	shalt  }
0x7f: {  	_ =	shalt  }
0x80: {  	_ =	shalt  }
0x81: {  	_ =	shalt  }
0x82: {  	_ =	shalt  }
0x83: {  	_ =	shalt  }
0x84: {  	_ =	shalt  }
0x85: {  	_ =	shalt  }
0x86: {  	_ =	shalt  }
0x87: {  	_ =	shalt  }
.Lfunc_end0:
.L_simem_size_0:
called_computation.1_lowered:
.L_overlay_start_0:
0x88: {  	s2 =	sld [smem:$0x3FD9]  }
0x89: {  	s3 =	sld [smem:$0x3FFE];
	_ =	sdelay $0x1  }
0x8a: {  	s1 =	srdreg.scid  }
0x8b: {  	s0 =	sand.u32 $0x1, s1  }
0x8c: {  	s17 =	sshll.u32 s0, $0xA;
	s2 =	sadd.s32 s3, s2  }
0x8d: {  	s2 =	sadd.s32 s2, s17  }
0x8e: {  	[smem:$0x3FC6] =	sst s2  }
0x8f: {  	_ = 	snop  }
0x90: {  	s2 =	sld [smem:$0x3FD0];
	(tm) =	ssettm $0x1  }
0x91: {  	s18 =	sld [smem:$0x3FFB];
	_ =	sdelay $0x3  }
0x92: {  	_ =	strace s18  }
0x93: {  	s3 =	sld [smem:$0x3FFC];
	_ =	sdelay $0x3  }
0x94: {  	_ =	strace s3  }
0x95: {  	s3 =	sld [smem:$0x3FFD];
	_ =	sdelay $0x3  }
0x96: {  	_ =	strace s3  }
0x97: {  	_ =	strace $0x8FFFFFFF  }
0x98: {  	s19 =	sld [smem:$0x3FDB];
	_ =	sdelay $0x1  }
0x99: {  	s4 =	simm.s32 $_scs_section_size  }
0x9a: {  	s5 =	simm.s32 $_size__tile_overlayer_lowered;
	s6 =	simm.s32 $_tile_overlayer_lowered  }
0x9b: {  	s22 =	simm.s32 $0x1BFF;
	s21 =	sshll.u32 s6, $0x1;
	s3 =	sadd.s32 s4, s19  }
0x9c: {  	s7 =	simm.s32 $0x0;
	s20 =	sshll.u32 s5, $0x1;
	s5 =	sadd.s32 s21, s3  }
0x9d: {  	[timem:s7], [sflag:s22] =	dma.local [hbm:s5], s20  }
0x9e: {  	_ =	swait.ge [sflag:s22], s20  }
0x9f: {  	s4 =	ssub.s32 $0x0, s20;
	[sflag:s22] =	ssyncset.done $0x0  }
0xa0: {  	[sflag:s22] =	ssyncadd.s32 s4;
	_ =	sdelay $0x1  }
0xa1: {  	s23 =	simm.s32 $0x1B8B  }
0xa2: {  	_ =	swait.ge [sflag:s23], $0x1  }
0xa3: {  	[sflag:s23] =	ssyncset.done $0x0  }
0xa4: {  	s25 =	simm.s32 $0x1B8E;
	s24 =	sld [smem:$0x3FFE];
	[sflag:s23] =	ssyncadd.s32 $0xFFFFFFFF  }
0xa5: {  	s26 =	simm.s32 $execute0_lowered;
	[smem:$0x3FD2] =	sst s25  }
0xa6: {  	s5 =	sshll.u32 s26, $0x1;
	_ =	strace $0x80000046;
	[dreg:$0x1] =	wrdreg $0xFFFFFFFF  }
0xa7: {  	s28 =	simm.s32 $_size_execute0_lowered;
	s3 =	sadd.s32 s3, s5;
	[dreg:$0x0] =	wrdreg $0x0  }
0xa8: {  	s5 =	sshll.u32 s28, $0x1;
	[dreg:$0x2] =	wrdreg s3  }
0xa9: {  	[dreg:$0x3] =	wrdreg s5  }
0xaa: {  	[dreg:$0x4] =	wrdreg $0xC0  }
0xab: {  	_ =	task [dreg:s7], $0x5FFFF  }
0xac: {  	[dreg:$0x1] =	wrdreg $0xFFFFFFFF  }
0xad: {  	[dreg:$0x0] =	wrdreg $0x60  }
0xae: {  	[dreg:$0x2] =	wrdreg s2  }
0xaf: {  	[dreg:$0x3] =	wrdreg s24  }
0xb0: {  	[dreg:$0x4] =	wrdreg $0x9  }
0xb1: {  	_ =	task.clear_ibuf [dreg:s7], $0x5FFFF;
	_ =	strace $0x90000046  }
0xb2: {  	s29 =	simm.s32 $0x9;
	_ =	strace $0x80000048  }
0xb3: {  	_ =	swait.ge [sflag:s29], $0x1  }
0xb4: {  	[sflag:s29] =	ssyncadd.s32 $0xFFFFFFFF  }
0xb5: {  	_ =	strace $0x90000048  }
0xb6: {  	_ =	sfence  }
0xb7: {  	s30 =	sld [smem:$0x0];
	_ =	sdelay $0x2  }
0xb8: {  	s31 =	sshll.u32 s1, $0xD;
	s1 =	sshrl.u32 s1, $0x2  }
0xb9: {  	s3 =	sand.u32 $0x4000, s31;
	s1 =	sadd.s32 s1, s30  }
0xba: {  	s0 =	sor.u32 s3, s0;
	s1 =	sshll.u32 s1, $0x11  }
0xbb: {  	s0 =	sor.u32 s1, s0  }
0xbc: {  	s0 =	sadd.s32 $0x8F2B, s0  }
0xbd: {  	[sflag:s0] =	ssyncadd.remote.s32 $0x1  }
0xbe: {  	_ =	sfence.sel $0xFFFF  }
0xbf: {  	[dreg:$0x0] =	wrdreg $0xFFFFFFFF;
	(pc) =	sbr.abs _section_cstart, $3  }
0xc0: {  	[dreg:$0x1] =	wrdreg $0xFFFFFFFF  }
0xc1: {  	_ =	task.clear_ibuf [dreg:s7], $0x2FFFF;
	_ =	strace $0x9FFFFFFF  }
0xc2: {  	(tm) =	ssettm $0x7FFFFFFF  }
0xc3: {  	_ =	shalt  }
tec
execute0_lowered:
.L_overlay_start_1:
0x0: {  	(tag) =	ssettag $0x1  }
0x1: {  	s0 =	rddreg [dreg:$0x0]  }
0x2: {  	s2 =	rddreg [dreg:$0x1];
	s1 =	simm.s32 $0x0  }
0x3: {  	[smem:$0x7FF] =	sst s1;
	s4 =	sadd.s32 $0x27ACE00, s2  }
0x4: {  	s6 =	sadd.s32 $0x280E880, s2;
	_ =	strace $0x80000047;
	[dreg:$0x3] =	wrdreg s4  }
0x5: {  	s10 =	sadd.s32 $0x2870300, s2;
	[dreg:$0x4] =	wrdreg s6  }
0x6: {  	s11 =	sadd.s32 $0x28D1D80, s2;
	[dreg:$0x5] =	wrdreg s10  }
0x7: {  	s12 =	sadd.s32 $0x2933800, s2;
	[dreg:$0x6] =	wrdreg s11  }
0x8: {  	s13 =	sadd.s32 $0x2995280, s2;
	[dreg:$0x7] =	wrdreg s12  }
0x9: {  	s14 =	sadd.s32 $0x29F6D00, s2;
	[dreg:$0x8] =	wrdreg s13  }
0xa: {  	s15 =	sadd.s32 $0x2A58780, s2;
	[dreg:$0x9] =	wrdreg s14  }
0xb: {  	s16 =	sadd.s32 $0x2ABA200, s2;
	[dreg:$0xa] =	wrdreg s15  }
0xc: {  	s17 =	sadd.s32 $0x2B1BC80, s2;
	[dreg:$0xb] =	wrdreg s16  }
0xd: {  	s18 =	sadd.s32 $0x2B7D700, s2;
	[dreg:$0xc] =	wrdreg s17  }
0xe: {  	s19 =	sadd.s32 $0x2BDF180, s2;
	[dreg:$0xd] =	wrdreg s18  }
0xf: {  	s3 =	srdreg.scid;
	s20 =	sadd.s32 $0x2C40C00, s2;
	[dreg:$0xe] =	wrdreg s19  }
0x10: {  	s9 =	stileid.u32;
	s21 =	sadd.s32 $0x2CA2680, s2;
	[dreg:$0xf] =	wrdreg s20  }
0x11: {  	s28 =	simm.s32 $0x5;
	s22 =	sadd.s32 $0x2D04100, s2;
	[dreg:$0x10] =	wrdreg s21  }
0x12: {  	s29 =	simm.s32 $0x200;
	s23 =	sadd.s32 $0x2D65B80, s2;
	[dreg:$0x11] =	wrdreg s22  }
0x13: {  	s30 =	simm.s32 $0x7400;
	s24 =	sadd.s32 $0x2DC7600, s2;
	[dreg:$0x12] =	wrdreg s23  }
0x14: {  	s31 =	simm.s32 $0x1;
	s25 =	sadd.s32 $0x2E29080, s2;
	[dreg:$0x13] =	wrdreg s24  }
0x15: {  	s3 =	sand.u32 $0x1, s3;
	s26 =	sadd.s32 $0x2E8AB00, s2;
	[dreg:$0x14] =	wrdreg s25  }
0x16: {  	s8 =	sadd.s32 $0x2FAFA80, s2;
	s4 =	sshll.u32 s9, $0xA;
	[dreg:$0x15] =	wrdreg s26  }
0x17: {  	s5 =	sshll.u32 s3, $0x9;
	s6 =	sadd.s32 $0x2EEC580, s2;
	[dreg:$0x17] =	wrdreg s8  }
0x18: {  	s9 =	sadd.s32 $0x3011500, s2;
	s10 =	sadd.s32 $0x3072F80, s2;
	[dreg:$0x16] =	wrdreg s6  }
0x19: {  	s11 =	sadd.s32 $0x30D4A00, s2;
	s12 =	sadd.s32 $0x2F4E000, s2;
	[dreg:$0x18] =	wrdreg s9  }
0x1a: {  	s25 =	ssub.s32 $0x2, s3;
	s4 =	sor.u32 s5, s4;
	[dreg:$0x19] =	wrdreg s10  }
0x1b: {  	s8 =	simm.s32 $0x0;
	[dreg:$0x1a] =	wrdreg s11;
	s7 =	sshll.u32 s4, $0x4  }
0x1c: {  	[dreg:$0x1b] =	wrdreg s12;
	s5 =	sadd.s32 s7, s2;
	s2 =	sadd.s32 $0x3136480, s2  }
0x1d: {  	[dreg:$0x1c] =	wrdreg s2;
	s13 =	sadd.s32 $0x40A00, s5;
	s16 =	sadd.s32 $0x100A00, s5  }
0x1e: {  	s17 =	sadd.s32 $0x140A00, s5;
	s18 =	sadd.s32 $0x180A00, s5;
	[dreg:$0x1d] =	wrdreg s13  }
0x1f: {  	s3 =	sshrl.u32 s25, $0x1;
	s19 =	sadd.s32 $0x1C0A00, s5;
	[smem:$0x7F5] =	sst s16  }
0x20: {  	s6 =	simm.s32 $0x4;
	s20 =	sadd.s32 $0x200A00, s5;
	[smem:$0x7F6] =	sst s17  }
0x21: {  	s26 =	sshll.u32 s4, $0x2;
	s21 =	sadd.s32 $0x240A00, s5;
	[smem:$0x7F7] =	sst s18  }
0x22: {  	s4 =	simm.s32 $0x2;
	s22 =	sadd.s32 $0x280A00, s5;
	[smem:$0x7F8] =	sst s19  }
0x23: {  	s7 =	simm.s32 $0x5A00;
	s23 =	sadd.s32 $0x2C0A00, s5;
	[smem:$0x7F9] =	sst s20  }
0x24: {  	s14 =	sadd.s32 $0x80A00, s5;
	s24 =	sadd.s32 $0x300A00, s5;
	[smem:$0x7FA] =	sst s21  }
0x25: {  	s15 =	sadd.s32 $0xC0A00, s5;
	s11 =	sadd.s32 $0x340A00, s5;
	[smem:$0x7FB] =	sst s22  }
0x26: {  	s12 =	sadd.s32 $0x380A00, s5;
	s2 =	ssub.s32 s25, s3;
	[smem:$0x7FC] =	sst s23  }
0x27: {  	s25 =	sadd.s32 $0x640A00, s5;
	s3 =	simm.s32 $0xB400;
	[smem:$0x7FD] =	sst s24  }
0x28: {  	[dreg:$0x1e] =	wrdreg s14;
	s13 =	sadd.s32 $0x3C0A00, s5;
	s14 =	sadd.s32 $0x400A00, s5  }
0x29: {  	[dreg:$0x1f] =	wrdreg s15;
	s15 =	sadd.s32 $0x440A00, s5;
	s16 =	sadd.s32 $0x480A00, s5  }
0x2a: {  	s17 =	sadd.s32 $0x4C0A00, s5;
	s18 =	sadd.s32 $0x500A00, s5;
	s19 =	sadd.s32 s0, s26  }
0x2b: {  	s20 =	sadd.s32 $0x540A00, s5;
	s21 =	sadd.s32 $0x580A00, s5;
	s22 =	sadd.s32 $0xA00, s5  }
0x2c: {  	v0 =	vlaneseq.u32;
	s23 =	sadd.s32 $0x5C0A00, s5;
	s24 =	sadd.s32 $0x600A00, s5;
	s26 =	smax.u32 s2, $0x1  }
0x2d: {  	v0 =	vmul.u32 $0x20, v0;
	s0 =	simm.s32 $0x20;
	s2 =	simm.s32 $0x80;
	s5 =	simm.s32 $0x3  }
.LBB2_1:
0x2e: {  	v1 =	vmov s1  }
0x2f: {  	v1 =	vshll.u32 v1, $0x5  }
0x30: {  	v1 =	vor.u32 v0, v1  }
0x31: {  	[tilespmem:s1], [sflag:$0x5] =	stream.linear.gather [hbm4b:s19+s1], $0x4000, $0x38;
	[tilespmem:$0xF400] =	vst v63  }
0x32: {  	_ =	swait.ge [sflag:s28], $0x4000  }
0x33: {  	[sflag:s28] =	ssyncset.done $0x0  }
0x34: {  	[sflag:s28] =	ssyncadd.s32 $0xFFFFC000  }
0x35: {  	v2 =	vld.idx.msk [tilespmem:v1+s1+$0x0], $0xffff  }
0x36: {  	v3 =	vor.u32 $0x1, v1;
	_ =	sdelay $0x3  }
0x37: {  	[tilespmem:s7+$0xFFFFE600] =	vst v2  }
0x38: {  	v2 =	vld.idx.msk [tilespmem:v3+s1+$0x0], $0xffff  }
0x39: {  	v3 =	vor.u32 $0x2, v1;
	_ =	sdelay $0x3  }
0x3a: {  	[tilespmem:s7+$0xFFFFE800] =	vst v2  }
0x3b: {  	v2 =	vld.idx.msk [tilespmem:v3+s1+$0x0], $0xffff  }
0x3c: {  	v3 =	vor.u32 $0x3, v1;
	_ =	sdelay $0x3  }
0x3d: {  	[tilespmem:s7+$0xFFFFEA00] =	vst v2  }
0x3e: {  	v2 =	vld.idx.msk [tilespmem:v3+s1+$0x0], $0xffff  }
0x3f: {  	v3 =	vor.u32 $0x4, v1;
	_ =	sdelay $0x3  }
0x40: {  	[tilespmem:s7+$0xFFFFEC00] =	vst v2  }
0x41: {  	v2 =	vld.idx.msk [tilespmem:v3+s1+$0x0], $0xffff  }
0x42: {  	v3 =	vor.u32 $0x5, v1;
	_ =	sdelay $0x3  }
0x43: {  	[tilespmem:s7+$0xFFFFEE00] =	vst v2  }
0x44: {  	v2 =	vld.idx.msk [tilespmem:v3+s1+$0x0], $0xffff  }
0x45: {  	v3 =	vor.u32 $0x6, v1;
	_ =	sdelay $0x3  }
0x46: {  	[tilespmem:s7+$0xFFFFF000] =	vst v2  }
0x47: {  	v2 =	vld.idx.msk [tilespmem:v3+s1+$0x0], $0xffff  }
0x48: {  	v3 =	vor.u32 $0x7, v1;
	_ =	sdelay $0x3  }
0x49: {  	[tilespmem:s7+$0xFFFFF200] =	vst v2  }
0x4a: {  	v2 =	vld.idx.msk [tilespmem:v3+s1+$0x0], $0xffff  }
0x4b: {  	v3 =	vor.u32 $0x8, v1;
	_ =	sdelay $0x3  }
0x4c: {  	[tilespmem:s7+$0xFFFFF400] =	vst v2  }
0x4d: {  	v2 =	vld.idx.msk [tilespmem:v3+s1+$0x0], $0xffff  }
0x4e: {  	v3 =	vor.u32 $0x9, v1;
	_ =	sdelay $0x3  }
0x4f: {  	[tilespmem:s7+$0xFFFFF600] =	vst v2  }
0x50: {  	v2 =	vld.idx.msk [tilespmem:v3+s1+$0x0], $0xffff  }
0x51: {  	v3 =	vor.u32 $0xA, v1;
	_ =	sdelay $0x3  }
0x52: {  	[tilespmem:s7+$0xFFFFF800] =	vst v2  }
0x53: {  	v2 =	vld.idx.msk [tilespmem:v3+s1+$0x0], $0xffff  }
0x54: {  	v3 =	vor.u32 $0xB, v1;
	_ =	sdelay $0x3  }
0x55: {  	[tilespmem:s7+$0xFFFFFA00] =	vst v2  }
0x56: {  	v2 =	vld.idx.msk [tilespmem:v3+s1+$0x0], $0xffff  }
0x57: {  	v3 =	vor.u32 $0xC, v1;
	_ =	sdelay $0x3  }
0x58: {  	[tilespmem:s7+$0xFFFFFC00] =	vst v2  }
0x59: {  	v2 =	vld.idx.msk [tilespmem:v3+s1+$0x0], $0xffff  }
0x5a: {  	v3 =	vor.u32 $0xD, v1;
	_ =	sdelay $0x3  }
0x5b: {  	[tilespmem:s7+$0xFFFFFE00] =	vst v2  }
0x5c: {  	v2 =	vld.idx.msk [tilespmem:v3+s1+$0x0], $0xffff  }
0x5d: {  	v3 =	vor.u32 $0xE, v1;
	_ =	sdelay $0x3  }
0x5e: {  	[tilespmem:s7+$0x0] =	vst v2  }
0x5f: {  	v2 =	vld.idx.msk [tilespmem:v3+s1+$0x0], $0xffff  }
0x60: {  	v3 =	vor.u32 $0xF, v1;
	_ =	sdelay $0x3  }
0x61: {  	[tilespmem:s7+$0x200] =	vst v2  }
0x62: {  	v2 =	vld.idx.msk [tilespmem:v3+s1+$0x0], $0xffff  }
0x63: {  	v3 =	vor.u32 $0x10, v1;
	_ =	sdelay $0x3  }
0x64: {  	[tilespmem:s7+$0x400] =	vst v2  }
0x65: {  	v2 =	vld.idx.msk [tilespmem:v3+s1+$0x0], $0xffff  }
0x66: {  	v3 =	vor.u32 $0x11, v1;
	_ =	sdelay $0x3  }
0x67: {  	[tilespmem:s7+$0x600] =	vst v2  }
0x68: {  	v2 =	vld.idx.msk [tilespmem:v3+s1+$0x0], $0xffff  }
0x69: {  	v3 =	vor.u32 $0x12, v1;
	_ =	sdelay $0x3  }
0x6a: {  	[tilespmem:s7+$0x800] =	vst v2  }
0x6b: {  	v2 =	vld.idx.msk [tilespmem:v3+s1+$0x0], $0xffff  }
0x6c: {  	v3 =	vor.u32 $0x13, v1;
	_ =	sdelay $0x3  }
0x6d: {  	[tilespmem:s7+$0xA00] =	vst v2  }
0x6e: {  	v2 =	vld.idx.msk [tilespmem:v3+s1+$0x0], $0xffff  }
0x6f: {  	v3 =	vor.u32 $0x14, v1;
	_ =	sdelay $0x3  }
0x70: {  	[tilespmem:s7+$0xC00] =	vst v2  }
0x71: {  	v2 =	vld.idx.msk [tilespmem:v3+s1+$0x0], $0xffff  }
0x72: {  	v3 =	vor.u32 $0x15, v1;
	_ =	sdelay $0x3  }
0x73: {  	[tilespmem:s7+$0xE00] =	vst v2  }
0x74: {  	v2 =	vld.idx.msk [tilespmem:v3+s1+$0x0], $0xffff  }
0x75: {  	v3 =	vor.u32 $0x16, v1;
	_ =	sdelay $0x3  }
0x76: {  	[tilespmem:s7+$0x1000] =	vst v2  }
0x77: {  	v2 =	vld.idx.msk [tilespmem:v3+s1+$0x0], $0xffff  }
0x78: {  	v3 =	vor.u32 $0x17, v1;
	_ =	sdelay $0x3  }
0x79: {  	[tilespmem:s7+$0x1200] =	vst v2  }
0x7a: {  	v2 =	vld.idx.msk [tilespmem:v3+s1+$0x0], $0xffff  }
0x7b: {  	v3 =	vor.u32 $0x18, v1;
	_ =	sdelay $0x3  }
0x7c: {  	[tilespmem:s7+$0x1400] =	vst v2  }
0x7d: {  	v2 =	vld.idx.msk [tilespmem:v3+s1+$0x0], $0xffff  }
0x7e: {  	v3 =	vor.u32 $0x19, v1;
	_ =	sdelay $0x3  }
0x7f: {  	s9 =	simm.s32 $0x10;
	[tilespmem:s7+$0x1600] =	vst v2  }
0x80: {  	s10 =	simm.s32 $0x20;
	v1 =	vmov s9;
	s9 =	simm.s32 $0x5A00;
	v2 =	vld.idx.msk [tilespmem:v3+s1+$0x0], $0xffff  }
.LBB2_2:
0x81: {  	p0 =	sne.s32 s10, $0x1F0;
	v1 =	vshll.u32 v1, $0x5  }
0x82: {  	v1 =	vor.u32 v0, v1;
	_ =	sdelay $0x3  }
0x83: {  	[tilespmem:s9+$0x1800] =	vst v2  }
0x84: {  	v2 =	vld.idx.msk [tilespmem:v1+s1+$0x0], $0xffff;
	_ =	sdelay $0x1  }
0x85: {  	v3 =	vor.u32 $0x1, v1;
	_ =	sdelay $0x2  }
0x86: {  	s9 =	sadd.s32 $0x10, s9  }
0x87: {  	[tilespmem:s9+$0xFFFFE600] =	vst v2  }
0x88: {  	v2 =	vld.idx.msk [tilespmem:v3+s1+$0x0], $0xffff;
	_ =	sdelay $0x1  }
0x89: {  	v3 =	vor.u32 $0x2, v1;
	_ =	sdelay $0x3  }
0x8a: {  	[tilespmem:s9+$0xFFFFE800] =	vst v2  }
0x8b: {  	v2 =	vld.idx.msk [tilespmem:v3+s1+$0x0], $0xffff;
	_ =	sdelay $0x1  }
0x8c: {  	v3 =	vor.u32 $0x3, v1;
	_ =	sdelay $0x3  }
0x8d: {  	[tilespmem:s9+$0xFFFFEA00] =	vst v2  }
0x8e: {  	v2 =	vld.idx.msk [tilespmem:v3+s1+$0x0], $0xffff;
	_ =	sdelay $0x1  }
0x8f: {  	v3 =	vor.u32 $0x4, v1;
	_ =	sdelay $0x3  }
0x90: {  	[tilespmem:s9+$0xFFFFEC00] =	vst v2  }
0x91: {  	v2 =	vld.idx.msk [tilespmem:v3+s1+$0x0], $0xffff;
	_ =	sdelay $0x1  }
0x92: {  	v3 =	vor.u32 $0x5, v1;
	_ =	sdelay $0x3  }
0x93: {  	[tilespmem:s9+$0xFFFFEE00] =	vst v2  }
0x94: {  	v2 =	vld.idx.msk [tilespmem:v3+s1+$0x0], $0xffff;
	_ =	sdelay $0x1  }
0x95: {  	v3 =	vor.u32 $0x6, v1;
	_ =	sdelay $0x3  }
0x96: {  	[tilespmem:s9+$0xFFFFF000] =	vst v2  }
0x97: {  	v2 =	vld.idx.msk [tilespmem:v3+s1+$0x0], $0xffff;
	_ =	sdelay $0x1  }
0x98: {  	v3 =	vor.u32 $0x7, v1;
	_ =	sdelay $0x3  }
0x99: {  	[tilespmem:s9+$0xFFFFF200] =	vst v2  }
0x9a: {  	v2 =	vld.idx.msk [tilespmem:v3+s1+$0x0], $0xffff;
	_ =	sdelay $0x1  }
0x9b: {  	v3 =	vor.u32 $0x8, v1;
	_ =	sdelay $0x3  }
0x9c: {  	[tilespmem:s9+$0xFFFFF400] =	vst v2  }
0x9d: {  	v2 =	vld.idx.msk [tilespmem:v3+s1+$0x0], $0xffff;
	_ =	sdelay $0x1  }
0x9e: {  	v3 =	vor.u32 $0x9, v1;
	_ =	sdelay $0x3  }
0x9f: {  	[tilespmem:s9+$0xFFFFF600] =	vst v2  }
0xa0: {  	v2 =	vld.idx.msk [tilespmem:v3+s1+$0x0], $0xffff;
	_ =	sdelay $0x1  }
0xa1: {  	v3 =	vor.u32 $0xA, v1;
	_ =	sdelay $0x3  }
0xa2: {  	[tilespmem:s9+$0xFFFFF800] =	vst v2  }
0xa3: {  	v2 =	vld.idx.msk [tilespmem:v3+s1+$0x0], $0xffff;
	_ =	sdelay $0x1  }
0xa4: {  	v3 =	vor.u32 $0xB, v1;
	_ =	sdelay $0x3  }
0xa5: {  	[tilespmem:s9+$0xFFFFFA00] =	vst v2  }
0xa6: {  	v2 =	vld.idx.msk [tilespmem:v3+s1+$0x0], $0xffff;
	_ =	sdelay $0x1  }
0xa7: {  	v3 =	vor.u32 $0xC, v1;
	_ =	sdelay $0x3  }
0xa8: {  	[tilespmem:s9+$0xFFFFFC00] =	vst v2  }
0xa9: {  	v2 =	vld.idx.msk [tilespmem:v3+s1+$0x0], $0xffff;
	_ =	sdelay $0x1  }
0xaa: {  	v3 =	vor.u32 $0xD, v1;
	_ =	sdelay $0x3  }
0xab: {  	[tilespmem:s9+$0xFFFFFE00] =	vst v2  }
0xac: {  	v2 =	vld.idx.msk [tilespmem:v3+s1+$0x0], $0xffff;
	_ =	sdelay $0x1  }
0xad: {  	v3 =	vor.u32 $0xE, v1;
	_ =	sdelay $0x3  }
0xae: {  	[tilespmem:s9+$0x0] =	vst v2  }
0xaf: {  	v2 =	vld.idx.msk [tilespmem:v3+s1+$0x0], $0xffff;
	_ =	sdelay $0x1  }
0xb0: {  	v3 =	vor.u32 $0xF, v1;
	_ =	sdelay $0x3  }
0xb1: {  	[tilespmem:s9+$0x200] =	vst v2  }
0xb2: {  	v2 =	vld.idx.msk [tilespmem:v3+s1+$0x0], $0xffff;
	_ =	sdelay $0x1  }
0xb3: {  	v3 =	vor.u32 $0x10, v1;
	_ =	sdelay $0x3  }
0xb4: {  	[tilespmem:s9+$0x400] =	vst v2  }
0xb5: {  	v2 =	vld.idx.msk [tilespmem:v3+s1+$0x0], $0xffff;
	_ =	sdelay $0x1  }
0xb6: {  	v3 =	vor.u32 $0x11, v1;
	_ =	sdelay $0x3  }
0xb7: {  	[tilespmem:s9+$0x600] =	vst v2  }
0xb8: {  	v2 =	vld.idx.msk [tilespmem:v3+s1+$0x0], $0xffff;
	_ =	sdelay $0x1  }
0xb9: {  	v3 =	vor.u32 $0x12, v1;
	_ =	sdelay $0x3  }
0xba: {  	[tilespmem:s9+$0x800] =	vst v2  }
0xbb: {  	v2 =	vld.idx.msk [tilespmem:v3+s1+$0x0], $0xffff;
	_ =	sdelay $0x1  }
0xbc: {  	v3 =	vor.u32 $0x13, v1;
	_ =	sdelay $0x3  }
0xbd: {  	[tilespmem:s9+$0xA00] =	vst v2  }
0xbe: {  	v2 =	vld.idx.msk [tilespmem:v3+s1+$0x0], $0xffff;
	_ =	sdelay $0x1  }
0xbf: {  	v3 =	vor.u32 $0x14, v1;
	_ =	sdelay $0x3  }
0xc0: {  	[tilespmem:s9+$0xC00] =	vst v2  }
0xc1: {  	v2 =	vld.idx.msk [tilespmem:v3+s1+$0x0], $0xffff;
	_ =	sdelay $0x1  }
0xc2: {  	v3 =	vor.u32 $0x15, v1;
	_ =	sdelay $0x3  }
0xc3: {  	[tilespmem:s9+$0xE00] =	vst v2  }
0xc4: {  	v2 =	vld.idx.msk [tilespmem:v3+s1+$0x0], $0xffff;
	_ =	sdelay $0x1  }
0xc5: {  	v3 =	vor.u32 $0x16, v1;
	_ =	sdelay $0x3  }
0xc6: {  	[tilespmem:s9+$0x1000] =	vst v2  }
0xc7: {  	v2 =	vld.idx.msk [tilespmem:v3+s1+$0x0], $0xffff;
	_ =	sdelay $0x1  }
0xc8: {  	v3 =	vor.u32 $0x17, v1;
	_ =	sdelay $0x3  }
0xc9: {  	[tilespmem:s9+$0x1200] =	vst v2  }
0xca: {  	v2 =	vld.idx.msk [tilespmem:v3+s1+$0x0], $0xffff;
	_ =	sdelay $0x1  }
0xcb: {  	v3 =	vor.u32 $0x18, v1;
	_ =	sdelay $0x3  }
0xcc: {  	[tilespmem:s9+$0x1400] =	vst v2  }
0xcd: {  	v2 =	vld.idx.msk [tilespmem:v3+s1+$0x0], $0xffff;
	_ =	sdelay $0x1  }
0xce: {  	v3 =	vor.u32 $0x19, v1  }
.Ltmp0:
0xcf: {  	(pc) =	sbr.rel @p0 .LBB2_2-.Ltmp0, $3  }
0xd0: {  	_ =	sdelay $0x1  }
0xd1: {  	[tilespmem:s9+$0x1600] =	vst v2  }
0xd2: {  	v1 =	vmov s10;
	s10 =	sadd.s32 $0x10, s10;
	v2 =	vld.idx.msk [tilespmem:v3+s1+$0x0], $0xffff  }
0xd3: {  	v1 =	vshll.u32 v1, $0x5  }
0xd4: {  	v1 =	vor.u32 v0, v1;
	_ =	sdelay $0x3  }
0xd5: {  	[tilespmem:s9+$0x1800] =	vst v2  }
0xd6: {  	v2 =	vld.idx.msk [tilespmem:v1+s1+$0x0], $0xffff  }
0xd7: {  	v3 =	vor.u32 $0x1, v1;
	_ =	sdelay $0x2  }
0xd8: {  	s10 =	sadd.s32 $0x10, s9  }
0xd9: {  	[tilespmem:s10+$0xFFFFE600] =	vst v2  }
0xda: {  	v2 =	vld.idx.msk [tilespmem:v3+s1+$0x0], $0xffff  }
0xdb: {  	v3 =	vor.u32 $0x2, v1;
	_ =	sdelay $0x3  }
0xdc: {  	[tilespmem:s10+$0xFFFFE800] =	vst v2  }
0xdd: {  	v2 =	vld.idx.msk [tilespmem:v3+s1+$0x0], $0xffff  }
0xde: {  	v3 =	vor.u32 $0x3, v1;
	_ =	sdelay $0x3  }
0xdf: {  	[tilespmem:s10+$0xFFFFEA00] =	vst v2  }
0xe0: {  	v2 =	vld.idx.msk [tilespmem:v3+s1+$0x0], $0xffff  }
0xe1: {  	v3 =	vor.u32 $0x4, v1;
	_ =	sdelay $0x3  }
0xe2: {  	[tilespmem:s10+$0xFFFFEC00] =	vst v2  }
0xe3: {  	v2 =	vld.idx.msk [tilespmem:v3+s1+$0x0], $0xffff  }
0xe4: {  	v3 =	vor.u32 $0x5, v1;
	_ =	sdelay $0x3  }
0xe5: {  	[tilespmem:s10+$0xFFFFEE00] =	vst v2  }
0xe6: {  	v2 =	vld.idx.msk [tilespmem:v3+s1+$0x0], $0xffff  }
0xe7: {  	v3 =	vor.u32 $0x6, v1;
	_ =	sdelay $0x3  }
0xe8: {  	[tilespmem:s10+$0xFFFFF000] =	vst v2  }
0xe9: {  	v2 =	vld.idx.msk [tilespmem:v3+s1+$0x0], $0xffff  }
0xea: {  	v3 =	vor.u32 $0x7, v1;
	_ =	sdelay $0x3  }
0xeb: {  	[tilespmem:s10+$0xFFFFF200] =	vst v2  }
0xec: {  	v2 =	vld.idx.msk [tilespmem:v3+s1+$0x0], $0xffff  }
0xed: {  	v3 =	vor.u32 $0x8, v1;
	_ =	sdelay $0x3  }
0xee: {  	[tilespmem:s10+$0xFFFFF400] =	vst v2  }
0xef: {  	v2 =	vld.idx.msk [tilespmem:v3+s1+$0x0], $0xffff  }
0xf0: {  	v3 =	vor.u32 $0x9, v1;
	_ =	sdelay $0x3  }
0xf1: {  	[tilespmem:s10+$0xFFFFF600] =	vst v2  }
0xf2: {  	v2 =	vld.idx.msk [tilespmem:v3+s1+$0x0], $0xffff  }
0xf3: {  	v3 =	vor.u32 $0xA, v1;
	_ =	sdelay $0x3  }
0xf4: {  	[tilespmem:s10+$0xFFFFF800] =	vst v2  }
0xf5: {  	v2 =	vld.idx.msk [tilespmem:v3+s1+$0x0], $0xffff  }
0xf6: {  	v3 =	vor.u32 $0xB, v1;
	_ =	sdelay $0x3  }
0xf7: {  	[tilespmem:s10+$0xFFFFFA00] =	vst v2  }
0xf8: {  	v2 =	vld.idx.msk [tilespmem:v3+s1+$0x0], $0xffff  }
0xf9: {  	v3 =	vor.u32 $0xC, v1;
	_ =	sdelay $0x3  }
0xfa: {  	[tilespmem:s10+$0xFFFFFC00] =	vst v2  }
0xfb: {  	v2 =	vld.idx.msk [tilespmem:v3+s1+$0x0], $0xffff  }
0xfc: {  	v3 =	vor.u32 $0xD, v1;
	_ =	sdelay $0x3  }
0xfd: {  	[tilespmem:s10+$0xFFFFFE00] =	vst v2  }
0xfe: {  	v2 =	vld.idx.msk [tilespmem:v3+s1+$0x0], $0xffff  }
0xff: {  	v3 =	vor.u32 $0xE, v1;
	_ =	sdelay $0x3  }
0x100: {  	[tilespmem:s10+$0x0] =	vst v2  }
0x101: {  	v2 =	vld.idx.msk [tilespmem:v3+s1+$0x0], $0xffff  }
0x102: {  	v3 =	vor.u32 $0xF, v1;
	_ =	sdelay $0x3  }
0x103: {  	[tilespmem:s10+$0x200] =	vst v2  }
0x104: {  	v2 =	vld.idx.msk [tilespmem:v3+s1+$0x0], $0xffff  }
0x105: {  	v3 =	vor.u32 $0x10, v1;
	_ =	sdelay $0x3  }
0x106: {  	[tilespmem:s10+$0x400] =	vst v2  }
0x107: {  	v2 =	vld.idx.msk [tilespmem:v3+s1+$0x0], $0xffff  }
0x108: {  	v3 =	vor.u32 $0x11, v1;
	_ =	sdelay $0x3  }
0x109: {  	[tilespmem:s10+$0x600] =	vst v2  }
0x10a: {  	v2 =	vld.idx.msk [tilespmem:v3+s1+$0x0], $0xffff  }
0x10b: {  	v3 =	vor.u32 $0x12, v1;
	_ =	sdelay $0x3  }
0x10c: {  	[tilespmem:s10+$0x800] =	vst v2  }
0x10d: {  	v2 =	vld.idx.msk [tilespmem:v3+s1+$0x0], $0xffff  }
0x10e: {  	v3 =	vor.u32 $0x13, v1;
	_ =	sdelay $0x3  }
0x10f: {  	[tilespmem:s10+$0xA00] =	vst v2  }
0x110: {  	v2 =	vld.idx.msk [tilespmem:v3+s1+$0x0], $0xffff  }
0x111: {  	v3 =	vor.u32 $0x14, v1;
	_ =	sdelay $0x3  }
0x112: {  	[tilespmem:s10+$0xC00] =	vst v2  }
0x113: {  	v2 =	vld.idx.msk [tilespmem:v3+s1+$0x0], $0xffff  }
0x114: {  	v3 =	vor.u32 $0x15, v1;
	_ =	sdelay $0x3  }
0x115: {  	[tilespmem:s10+$0xE00] =	vst v2  }
0x116: {  	v2 =	vld.idx.msk [tilespmem:v3+s1+$0x0], $0xffff  }
0x117: {  	v3 =	vor.u32 $0x16, v1;
	_ =	sdelay $0x3  }
0x118: {  	[tilespmem:s10+$0x1000] =	vst v2  }
0x119: {  	v2 =	vld.idx.msk [tilespmem:v3+s1+$0x0], $0xffff  }
0x11a: {  	v3 =	vor.u32 $0x17, v1;
	_ =	sdelay $0x3  }
0x11b: {  	[tilespmem:s10+$0x1200] =	vst v2  }
0x11c: {  	v2 =	vld.idx.msk [tilespmem:v3+s1+$0x0], $0xffff  }
0x11d: {  	v3 =	vor.u32 $0x18, v1;
	_ =	sdelay $0x3  }
0x11e: {  	[tilespmem:s10+$0x1400] =	vst v2  }
0x11f: {  	v2 =	vld.idx.msk [tilespmem:v3+s1+$0x0], $0xffff  }
0x120: {  	v1 =	vor.u32 $0x19, v1;
	_ =	sdelay $0x3  }
0x121: {  	[tilespmem:s10+$0x1600] =	vst v2  }
0x122: {  	v1 =	vld.idx.msk [tilespmem:v1+s1+$0x0], $0xffff;
	_ =	sdelay $0x4  }
0x123: {  	s9 =	rddreg [dreg:$0x3];
	[tilespmem:s10+$0x1800] =	vst v1;
	s10 =	simm.s32 $0x4000  }
0x124: {  	[tilespmem:s30], [sflag:$0x1] =	stream.indirect.gather [hbm4b:s9+s29], $0x20, s10, s29, $0xb8;
	[tilespmem:$0xF400] =	vst v63  }
0x125: {  	_ =	swait.ge [sflag:s31], $0x4000  }
0x126: {  	[sflag:s31] =	ssyncset.done $0x0  }
0x127: {  	[sflag:s31] =	ssyncadd.s32 $0xFFFFC000  }
0x128: {  	[hbm4b:s22+s0] =	stream.strided.scatter [tilespmem:s30], [sflag:$0x3], $0x4000, s2, s0, $0x38;
	[tilespmem:$0xF400] =	vst v63  }
0x129: {  	s10 =	simm.s32 $0x4200;
	s9 =	rddreg [dreg:$0x4]  }
0x12a: {  	[tilespmem:s3], [sflag:$0x2] =	stream.indirect.gather [hbm4b:s9+s29], $0x20, s10, s29, $0xb8;
	[tilespmem:$0xF400] =	vst v63  }
0x12b: {  	_ =	swait.ge [sflag:s4], $0x4000  }
0x12c: {  	[sflag:s4] =	ssyncset.done $0x0  }
0x12d: {  	s10 =	rddreg [dreg:$0x1d];
	[sflag:s4] =	ssyncadd.s32 $0xFFFFC000  }
0x12e: {  	[hbm4b:s10+s0] =	stream.strided.scatter [tilespmem:s3], [sflag:$0x4], $0x4000, s2, s0, $0x38;
	[tilespmem:$0xF400] =	vst v63  }
0x12f: {  	_ =	swait.ge [sflag:s5], $0x4000  }
0x130: {  	[sflag:s5] =	ssyncset.done $0x0  }
0x131: {  	s10 =	simm.s32 $0x4400;
	s9 =	rddreg [dreg:$0x5];
	[sflag:s5] =	ssyncadd.s32 $0xFFFFC000  }
0x132: {  	[tilespmem:s30], [sflag:$0x1] =	stream.indirect.gather [hbm4b:s9+s29], $0x20, s10, s29, $0xb8;
	[tilespmem:$0xF400] =	vst v63  }
0x133: {  	_ =	swait.ge [sflag:s31], $0x4000  }
0x134: {  	[sflag:s31] =	ssyncset.done $0x0  }
0x135: {  	s10 =	rddreg [dreg:$0x1e];
	[sflag:s31] =	ssyncadd.s32 $0xFFFFC000  }
0x136: {  	[hbm4b:s10+s0] =	stream.strided.scatter [tilespmem:s30], [sflag:$0x3], $0x4000, s2, s0, $0x38;
	[tilespmem:$0xF400] =	vst v63  }
0x137: {  	_ =	swait.ge [sflag:s6], $0x4000  }
0x138: {  	[sflag:s6] =	ssyncset.done $0x0  }
0x139: {  	s10 =	simm.s32 $0x4600;
	s9 =	rddreg [dreg:$0x6];
	[sflag:s6] =	ssyncadd.s32 $0xFFFFC000  }
0x13a: {  	[tilespmem:s3], [sflag:$0x2] =	stream.indirect.gather [hbm4b:s9+s29], $0x20, s10, s29, $0xb8;
	[tilespmem:$0xF400] =	vst v63  }
0x13b: {  	_ =	swait.ge [sflag:s4], $0x4000  }
0x13c: {  	[sflag:s4] =	ssyncset.done $0x0  }
0x13d: {  	s10 =	rddreg [dreg:$0x1f];
	[sflag:s4] =	ssyncadd.s32 $0xFFFFC000  }
0x13e: {  	[hbm4b:s10+s0] =	stream.strided.scatter [tilespmem:s3], [sflag:$0x4], $0x4000, s2, s0, $0x38;
	[tilespmem:$0xF400] =	vst v63  }
0x13f: {  	_ =	swait.ge [sflag:s5], $0x4000  }
0x140: {  	[sflag:s5] =	ssyncset.done $0x0  }
0x141: {  	s10 =	simm.s32 $0x4800;
	s9 =	rddreg [dreg:$0x7];
	[sflag:s5] =	ssyncadd.s32 $0xFFFFC000  }
0x142: {  	[tilespmem:s30], [sflag:$0x1] =	stream.indirect.gather [hbm4b:s9+s29], $0x20, s10, s29, $0xb8;
	[tilespmem:$0xF400] =	vst v63  }
0x143: {  	_ =	swait.ge [sflag:s31], $0x4000  }
0x144: {  	s10 =	sld [smem:$0x7F5]  }
0x145: {  	[sflag:s31] =	ssyncset.done $0x0  }
0x146: {  	[sflag:s31] =	ssyncadd.s32 $0xFFFFC000  }
0x147: {  	[hbm4b:s10+s0] =	stream.strided.scatter [tilespmem:s30], [sflag:$0x3], $0x4000, s2, s0, $0x38;
	[tilespmem:$0xF400] =	vst v63  }
0x148: {  	_ =	swait.ge [sflag:s6], $0x4000  }
0x149: {  	[sflag:s6] =	ssyncset.done $0x0  }
0x14a: {  	s10 =	simm.s32 $0x4A00;
	s9 =	rddreg [dreg:$0x8];
	[sflag:s6] =	ssyncadd.s32 $0xFFFFC000  }
0x14b: {  	[tilespmem:s3], [sflag:$0x2] =	stream.indirect.gather [hbm4b:s9+s29], $0x20, s10, s29, $0xb8;
	[tilespmem:$0xF400] =	vst v63  }
0x14c: {  	_ =	swait.ge [sflag:s4], $0x4000  }
0x14d: {  	s10 =	sld [smem:$0x7F6]  }
0x14e: {  	[sflag:s4] =	ssyncset.done $0x0  }
0x14f: {  	[sflag:s4] =	ssyncadd.s32 $0xFFFFC000  }
0x150: {  	[hbm4b:s10+s0] =	stream.strided.scatter [tilespmem:s3], [sflag:$0x4], $0x4000, s2, s0, $0x38;
	[tilespmem:$0xF400] =	vst v63  }
0x151: {  	_ =	swait.ge [sflag:s5], $0x4000  }
0x152: {  	[sflag:s5] =	ssyncset.done $0x0  }
0x153: {  	s10 =	simm.s32 $0x4C00;
	s9 =	rddreg [dreg:$0x9];
	[sflag:s5] =	ssyncadd.s32 $0xFFFFC000  }
0x154: {  	[tilespmem:s30], [sflag:$0x1] =	stream.indirect.gather [hbm4b:s9+s29], $0x20, s10, s29, $0xb8;
	[tilespmem:$0xF400] =	vst v63  }
0x155: {  	_ =	swait.ge [sflag:s31], $0x4000  }
0x156: {  	s10 =	sld [smem:$0x7F7]  }
0x157: {  	[sflag:s31] =	ssyncset.done $0x0  }
0x158: {  	[sflag:s31] =	ssyncadd.s32 $0xFFFFC000  }
0x159: {  	[hbm4b:s10+s0] =	stream.strided.scatter [tilespmem:s30], [sflag:$0x3], $0x4000, s2, s0, $0x38;
	[tilespmem:$0xF400] =	vst v63  }
0x15a: {  	_ =	swait.ge [sflag:s6], $0x4000  }
0x15b: {  	[sflag:s6] =	ssyncset.done $0x0  }
0x15c: {  	s10 =	simm.s32 $0x4E00;
	s9 =	rddreg [dreg:$0xa];
	[sflag:s6] =	ssyncadd.s32 $0xFFFFC000  }
0x15d: {  	[tilespmem:s3], [sflag:$0x2] =	stream.indirect.gather [hbm4b:s9+s29], $0x20, s10, s29, $0xb8;
	[tilespmem:$0xF400] =	vst v63  }
0x15e: {  	_ =	swait.ge [sflag:s4], $0x4000  }
0x15f: {  	s10 =	sld [smem:$0x7F8]  }
0x160: {  	[sflag:s4] =	ssyncset.done $0x0  }
0x161: {  	[sflag:s4] =	ssyncadd.s32 $0xFFFFC000  }
0x162: {  	[hbm4b:s10+s0] =	stream.strided.scatter [tilespmem:s3], [sflag:$0x4], $0x4000, s2, s0, $0x38;
	[tilespmem:$0xF400] =	vst v63  }
0x163: {  	_ =	swait.ge [sflag:s5], $0x4000  }
0x164: {  	[sflag:s5] =	ssyncset.done $0x0  }
0x165: {  	s10 =	simm.s32 $0x5000;
	s9 =	rddreg [dreg:$0xb];
	[sflag:s5] =	ssyncadd.s32 $0xFFFFC000  }
0x166: {  	[tilespmem:s30], [sflag:$0x1] =	stream.indirect.gather [hbm4b:s9+s29], $0x20, s10, s29, $0xb8;
	[tilespmem:$0xF400] =	vst v63  }
0x167: {  	_ =	swait.ge [sflag:s31], $0x4000  }
0x168: {  	s10 =	sld [smem:$0x7F9]  }
0x169: {  	[sflag:s31] =	ssyncset.done $0x0  }
0x16a: {  	[sflag:s31] =	ssyncadd.s32 $0xFFFFC000  }
0x16b: {  	[hbm4b:s10+s0] =	stream.strided.scatter [tilespmem:s30], [sflag:$0x3], $0x4000, s2, s0, $0x38;
	[tilespmem:$0xF400] =	vst v63  }
0x16c: {  	_ =	swait.ge [sflag:s6], $0x4000  }
0x16d: {  	[sflag:s6] =	ssyncset.done $0x0  }
0x16e: {  	s10 =	simm.s32 $0x5200;
	s9 =	rddreg [dreg:$0xc];
	[sflag:s6] =	ssyncadd.s32 $0xFFFFC000  }
0x16f: {  	[tilespmem:s3], [sflag:$0x2] =	stream.indirect.gather [hbm4b:s9+s29], $0x20, s10, s29, $0xb8;
	[tilespmem:$0xF400] =	vst v63  }
0x170: {  	_ =	swait.ge [sflag:s4], $0x4000  }
0x171: {  	s10 =	sld [smem:$0x7FA]  }
0x172: {  	[sflag:s4] =	ssyncset.done $0x0  }
0x173: {  	[sflag:s4] =	ssyncadd.s32 $0xFFFFC000  }
0x174: {  	[hbm4b:s10+s0] =	stream.strided.scatter [tilespmem:s3], [sflag:$0x4], $0x4000, s2, s0, $0x38;
	[tilespmem:$0xF400] =	vst v63  }
0x175: {  	_ =	swait.ge [sflag:s5], $0x4000  }
0x176: {  	[sflag:s5] =	ssyncset.done $0x0  }
0x177: {  	s10 =	simm.s32 $0x5400;
	s9 =	rddreg [dreg:$0xd];
	[sflag:s5] =	ssyncadd.s32 $0xFFFFC000  }
0x178: {  	[tilespmem:s30], [sflag:$0x1] =	stream.indirect.gather [hbm4b:s9+s29], $0x20, s10, s29, $0xb8;
	[tilespmem:$0xF400] =	vst v63  }
0x179: {  	_ =	swait.ge [sflag:s31], $0x4000  }
0x17a: {  	s10 =	sld [smem:$0x7FB]  }
0x17b: {  	[sflag:s31] =	ssyncset.done $0x0  }
0x17c: {  	[sflag:s31] =	ssyncadd.s32 $0xFFFFC000  }
0x17d: {  	[hbm4b:s10+s0] =	stream.strided.scatter [tilespmem:s30], [sflag:$0x3], $0x4000, s2, s0, $0x38;
	[tilespmem:$0xF400] =	vst v63  }
0x17e: {  	_ =	swait.ge [sflag:s6], $0x4000  }
0x17f: {  	[sflag:s6] =	ssyncset.done $0x0  }
0x180: {  	s10 =	simm.s32 $0x5600;
	s9 =	rddreg [dreg:$0xe];
	[sflag:s6] =	ssyncadd.s32 $0xFFFFC000  }
0x181: {  	[tilespmem:s3], [sflag:$0x2] =	stream.indirect.gather [hbm4b:s9+s29], $0x20, s10, s29, $0xb8;
	[tilespmem:$0xF400] =	vst v63  }
0x182: {  	_ =	swait.ge [sflag:s4], $0x4000  }
0x183: {  	s10 =	sld [smem:$0x7FC]  }
0x184: {  	[sflag:s4] =	ssyncset.done $0x0  }
0x185: {  	[sflag:s4] =	ssyncadd.s32 $0xFFFFC000  }
0x186: {  	[hbm4b:s10+s0] =	stream.strided.scatter [tilespmem:s3], [sflag:$0x4], $0x4000, s2, s0, $0x38;
	[tilespmem:$0xF400] =	vst v63  }
0x187: {  	_ =	swait.ge [sflag:s5], $0x4000  }
0x188: {  	[sflag:s5] =	ssyncset.done $0x0  }
0x189: {  	s10 =	simm.s32 $0x5800;
	s9 =	rddreg [dreg:$0xf];
	[sflag:s5] =	ssyncadd.s32 $0xFFFFC000  }
0x18a: {  	[tilespmem:s30], [sflag:$0x1] =	stream.indirect.gather [hbm4b:s9+s29], $0x20, s10, s29, $0xb8;
	[tilespmem:$0xF400] =	vst v63  }
0x18b: {  	_ =	swait.ge [sflag:s31], $0x4000  }
0x18c: {  	s10 =	sld [smem:$0x7FD]  }
0x18d: {  	[sflag:s31] =	ssyncset.done $0x0  }
0x18e: {  	[sflag:s31] =	ssyncadd.s32 $0xFFFFC000  }
0x18f: {  	[hbm4b:s10+s0] =	stream.strided.scatter [tilespmem:s30], [sflag:$0x3], $0x4000, s2, s0, $0x38;
	[tilespmem:$0xF400] =	vst v63  }
0x190: {  	_ =	swait.ge [sflag:s6], $0x4000  }
0x191: {  	[sflag:s6] =	ssyncset.done $0x0  }
0x192: {  	s10 =	rddreg [dreg:$0x10];
	[sflag:s6] =	ssyncadd.s32 $0xFFFFC000  }
0x193: {  	[tilespmem:s3], [sflag:$0x2] =	stream.indirect.gather [hbm4b:s10+s29], $0x20, s7, s29, $0xb8;
	[tilespmem:$0xF400] =	vst v63  }
0x194: {  	_ =	swait.ge [sflag:s4], $0x4000  }
0x195: {  	[sflag:s4] =	ssyncset.done $0x0  }
0x196: {  	[sflag:s4] =	ssyncadd.s32 $0xFFFFC000  }
0x197: {  	[hbm4b:s11+s0] =	stream.strided.scatter [tilespmem:s3], [sflag:$0x4], $0x4000, s2, s0, $0x38;
	[tilespmem:$0xF400] =	vst v63  }
0x198: {  	_ =	swait.ge [sflag:s5], $0x4000  }
0x199: {  	[sflag:s5] =	ssyncset.done $0x0  }
0x19a: {  	s10 =	simm.s32 $0x5C00;
	s9 =	rddreg [dreg:$0x11];
	[sflag:s5] =	ssyncadd.s32 $0xFFFFC000  }
0x19b: {  	[tilespmem:s30], [sflag:$0x1] =	stream.indirect.gather [hbm4b:s9+s29], $0x20, s10, s29, $0xb8;
	[tilespmem:$0xF400] =	vst v63  }
0x19c: {  	_ =	swait.ge [sflag:s31], $0x4000  }
0x19d: {  	[sflag:s31] =	ssyncset.done $0x0  }
0x19e: {  	[sflag:s31] =	ssyncadd.s32 $0xFFFFC000  }
0x19f: {  	[hbm4b:s12+s0] =	stream.strided.scatter [tilespmem:s30], [sflag:$0x3], $0x4000, s2, s0, $0x38;
	[tilespmem:$0xF400] =	vst v63  }
0x1a0: {  	_ =	swait.ge [sflag:s6], $0x4000  }
0x1a1: {  	[sflag:s6] =	ssyncset.done $0x0  }
0x1a2: {  	s10 =	simm.s32 $0x5E00;
	s9 =	rddreg [dreg:$0x12];
	[sflag:s6] =	ssyncadd.s32 $0xFFFFC000  }
0x1a3: {  	[tilespmem:s3], [sflag:$0x2] =	stream.indirect.gather [hbm4b:s9+s29], $0x20, s10, s29, $0xb8;
	[tilespmem:$0xF400] =	vst v63  }
0x1a4: {  	_ =	swait.ge [sflag:s4], $0x4000  }
0x1a5: {  	[sflag:s4] =	ssyncset.done $0x0  }
0x1a6: {  	[sflag:s4] =	ssyncadd.s32 $0xFFFFC000  }
0x1a7: {  	[hbm4b:s13+s0] =	stream.strided.scatter [tilespmem:s3], [sflag:$0x4], $0x4000, s2, s0, $0x38;
	[tilespmem:$0xF400] =	vst v63  }
0x1a8: {  	_ =	swait.ge [sflag:s5], $0x4000  }
0x1a9: {  	[sflag:s5] =	ssyncset.done $0x0  }
0x1aa: {  	s10 =	simm.s32 $0x6000;
	s9 =	rddreg [dreg:$0x13];
	[sflag:s5] =	ssyncadd.s32 $0xFFFFC000  }
0x1ab: {  	[tilespmem:s30], [sflag:$0x1] =	stream.indirect.gather [hbm4b:s9+s29], $0x20, s10, s29, $0xb8;
	[tilespmem:$0xF400] =	vst v63  }
0x1ac: {  	_ =	swait.ge [sflag:s31], $0x4000  }
0x1ad: {  	[sflag:s31] =	ssyncset.done $0x0  }
0x1ae: {  	[sflag:s31] =	ssyncadd.s32 $0xFFFFC000  }
0x1af: {  	[hbm4b:s14+s0] =	stream.strided.scatter [tilespmem:s30], [sflag:$0x3], $0x4000, s2, s0, $0x38;
	[tilespmem:$0xF400] =	vst v63  }
0x1b0: {  	_ =	swait.ge [sflag:s6], $0x4000  }
0x1b1: {  	[sflag:s6] =	ssyncset.done $0x0  }
0x1b2: {  	s10 =	simm.s32 $0x6200;
	s9 =	rddreg [dreg:$0x14];
	[sflag:s6] =	ssyncadd.s32 $0xFFFFC000  }
0x1b3: {  	[tilespmem:s3], [sflag:$0x2] =	stream.indirect.gather [hbm4b:s9+s29], $0x20, s10, s29, $0xb8;
	[tilespmem:$0xF400] =	vst v63  }
0x1b4: {  	_ =	swait.ge [sflag:s4], $0x4000  }
0x1b5: {  	[sflag:s4] =	ssyncset.done $0x0  }
0x1b6: {  	[sflag:s4] =	ssyncadd.s32 $0xFFFFC000  }
0x1b7: {  	[hbm4b:s15+s0] =	stream.strided.scatter [tilespmem:s3], [sflag:$0x4], $0x4000, s2, s0, $0x38;
	[tilespmem:$0xF400] =	vst v63  }
0x1b8: {  	_ =	swait.ge [sflag:s5], $0x4000  }
0x1b9: {  	[sflag:s5] =	ssyncset.done $0x0  }
0x1ba: {  	s10 =	simm.s32 $0x6400;
	s9 =	rddreg [dreg:$0x15];
	[sflag:s5] =	ssyncadd.s32 $0xFFFFC000  }
0x1bb: {  	[tilespmem:s30], [sflag:$0x1] =	stream.indirect.gather [hbm4b:s9+s29], $0x20, s10, s29, $0xb8;
	[tilespmem:$0xF400] =	vst v63  }
0x1bc: {  	_ =	swait.ge [sflag:s31], $0x4000  }
0x1bd: {  	[sflag:s31] =	ssyncset.done $0x0  }
0x1be: {  	[sflag:s31] =	ssyncadd.s32 $0xFFFFC000  }
0x1bf: {  	[hbm4b:s16+s0] =	stream.strided.scatter [tilespmem:s30], [sflag:$0x3], $0x4000, s2, s0, $0x38;
	[tilespmem:$0xF400] =	vst v63  }
0x1c0: {  	_ =	swait.ge [sflag:s6], $0x4000  }
0x1c1: {  	[sflag:s6] =	ssyncset.done $0x0  }
0x1c2: {  	s10 =	simm.s32 $0x6600;
	s9 =	rddreg [dreg:$0x16];
	[sflag:s6] =	ssyncadd.s32 $0xFFFFC000  }
0x1c3: {  	[tilespmem:s3], [sflag:$0x2] =	stream.indirect.gather [hbm4b:s9+s29], $0x20, s10, s29, $0xb8;
	[tilespmem:$0xF400] =	vst v63  }
0x1c4: {  	_ =	swait.ge [sflag:s4], $0x4000  }
0x1c5: {  	[sflag:s4] =	ssyncset.done $0x0  }
0x1c6: {  	[sflag:s4] =	ssyncadd.s32 $0xFFFFC000  }
0x1c7: {  	[hbm4b:s17+s0] =	stream.strided.scatter [tilespmem:s3], [sflag:$0x4], $0x4000, s2, s0, $0x38;
	[tilespmem:$0xF400] =	vst v63  }
0x1c8: {  	_ =	swait.ge [sflag:s5], $0x4000  }
0x1c9: {  	[sflag:s5] =	ssyncset.done $0x0  }
0x1ca: {  	s10 =	simm.s32 $0x6800;
	s9 =	rddreg [dreg:$0x1b];
	[sflag:s5] =	ssyncadd.s32 $0xFFFFC000  }
0x1cb: {  	[tilespmem:s30], [sflag:$0x1] =	stream.indirect.gather [hbm4b:s9+s29], $0x20, s10, s29, $0xb8;
	[tilespmem:$0xF400] =	vst v63  }
0x1cc: {  	_ =	swait.ge [sflag:s31], $0x4000  }
0x1cd: {  	[sflag:s31] =	ssyncset.done $0x0  }
0x1ce: {  	[sflag:s31] =	ssyncadd.s32 $0xFFFFC000  }
0x1cf: {  	[hbm4b:s18+s0] =	stream.strided.scatter [tilespmem:s30], [sflag:$0x3], $0x4000, s2, s0, $0x38;
	[tilespmem:$0xF400] =	vst v63  }
0x1d0: {  	_ =	swait.ge [sflag:s6], $0x4000  }
0x1d1: {  	[sflag:s6] =	ssyncset.done $0x0  }
0x1d2: {  	s10 =	simm.s32 $0x6A00;
	s9 =	rddreg [dreg:$0x17];
	[sflag:s6] =	ssyncadd.s32 $0xFFFFC000  }
0x1d3: {  	[tilespmem:s3], [sflag:$0x2] =	stream.indirect.gather [hbm4b:s9+s29], $0x20, s10, s29, $0xb8;
	[tilespmem:$0xF400] =	vst v63  }
0x1d4: {  	_ =	swait.ge [sflag:s4], $0x4000  }
0x1d5: {  	[sflag:s4] =	ssyncset.done $0x0  }
0x1d6: {  	[sflag:s4] =	ssyncadd.s32 $0xFFFFC000  }
0x1d7: {  	[hbm4b:s20+s0] =	stream.strided.scatter [tilespmem:s3], [sflag:$0x4], $0x4000, s2, s0, $0x38;
	[tilespmem:$0xF400] =	vst v63  }
0x1d8: {  	_ =	swait.ge [sflag:s5], $0x4000  }
0x1d9: {  	[sflag:s5] =	ssyncset.done $0x0  }
0x1da: {  	s10 =	simm.s32 $0x6C00;
	s9 =	rddreg [dreg:$0x18];
	[sflag:s5] =	ssyncadd.s32 $0xFFFFC000  }
0x1db: {  	[tilespmem:s30], [sflag:$0x1] =	stream.indirect.gather [hbm4b:s9+s29], $0x20, s10, s29, $0xb8;
	[tilespmem:$0xF400] =	vst v63  }
0x1dc: {  	_ =	swait.ge [sflag:s31], $0x4000  }
0x1dd: {  	[sflag:s31] =	ssyncset.done $0x0  }
0x1de: {  	[sflag:s31] =	ssyncadd.s32 $0xFFFFC000  }
0x1df: {  	[hbm4b:s21+s0] =	stream.strided.scatter [tilespmem:s30], [sflag:$0x3], $0x4000, s2, s0, $0x38;
	[tilespmem:$0xF400] =	vst v63  }
0x1e0: {  	_ =	swait.ge [sflag:s6], $0x4000  }
0x1e1: {  	[sflag:s6] =	ssyncset.done $0x0  }
0x1e2: {  	s10 =	simm.s32 $0x6E00;
	s9 =	rddreg [dreg:$0x19];
	[sflag:s6] =	ssyncadd.s32 $0xFFFFC000  }
0x1e3: {  	[tilespmem:s3], [sflag:$0x2] =	stream.indirect.gather [hbm4b:s9+s29], $0x20, s10, s29, $0xb8;
	[tilespmem:$0xF400] =	vst v63  }
0x1e4: {  	_ =	swait.ge [sflag:s4], $0x4000  }
0x1e5: {  	[sflag:s4] =	ssyncset.done $0x0  }
0x1e6: {  	[sflag:s4] =	ssyncadd.s32 $0xFFFFC000  }
0x1e7: {  	[hbm4b:s23+s0] =	stream.strided.scatter [tilespmem:s3], [sflag:$0x4], $0x4000, s2, s0, $0x38;
	[tilespmem:$0xF400] =	vst v63  }
0x1e8: {  	_ =	swait.ge [sflag:s5], $0x4000  }
0x1e9: {  	[sflag:s5] =	ssyncset.done $0x0  }
0x1ea: {  	s10 =	simm.s32 $0x7000;
	s9 =	rddreg [dreg:$0x1a];
	[sflag:s5] =	ssyncadd.s32 $0xFFFFC000  }
0x1eb: {  	[tilespmem:s30], [sflag:$0x1] =	stream.indirect.gather [hbm4b:s9+s29], $0x20, s10, s29, $0xb8;
	[tilespmem:$0xF400] =	vst v63  }
0x1ec: {  	_ =	swait.ge [sflag:s31], $0x4000  }
0x1ed: {  	[sflag:s31] =	ssyncset.done $0x0  }
0x1ee: {  	[sflag:s31] =	ssyncadd.s32 $0xFFFFC000  }
0x1ef: {  	[hbm4b:s24+s0] =	stream.strided.scatter [tilespmem:s30], [sflag:$0x3], $0x4000, s2, s0, $0x38;
	[tilespmem:$0xF400] =	vst v63  }
0x1f0: {  	_ =	swait.ge [sflag:s6], $0x4000  }
0x1f1: {  	[sflag:s6] =	ssyncset.done $0x0  }
0x1f2: {  	s10 =	simm.s32 $0x7200;
	s9 =	rddreg [dreg:$0x1c];
	[sflag:s6] =	ssyncadd.s32 $0xFFFFC000  }
0x1f3: {  	[tilespmem:s3], [sflag:$0x2] =	stream.indirect.gather [hbm4b:s9+s29], $0x20, s10, s29, $0xb8;
	[tilespmem:$0xF400] =	vst v63  }
0x1f4: {  	_ =	swait.ge [sflag:s4], $0x4000  }
0x1f5: {  	[sflag:s4] =	ssyncset.done $0x0  }
0x1f6: {  	s8 =	sadd.s32 $0x1, s8;
	[sflag:s4] =	ssyncadd.s32 $0xFFFFC000  }
0x1f7: {  	[hbm4b:s25+s0] =	stream.strided.scatter [tilespmem:s3], [sflag:$0x4], $0x4000, s2, s0, $0x38;
	[tilespmem:$0xF400] =	vst v63  }
0x1f8: {  	p0 =	sne.s32 s8, s26;
	_ =	swait.ge [sflag:s5], $0x4000  }
.Ltmp1:
0x1f9: {  	[sflag:s5] =	ssyncset.done $0x0;
	(pc) =	sbr.rel @p0 .LBB2_1-.Ltmp1, $4  }
0x1fa: {  	[sflag:s5] =	ssyncadd.s32 $0xFFFFC000  }
0x1fb: {  	_ =	swait.ge [sflag:s6], $0x4000  }
0x1fc: {  	[sflag:s6] =	ssyncset.done $0x0  }
0x1fd: {  	[sflag:s6] =	ssyncadd.s32 $0xFFFFC000  }
0x1fe: {  	_ =	sfence.sel $0x180000  }
0x1ff: {  	[bflag:$0x0] =	sbarrier.arrive $0xFFFF  }
0x200: {  	_ =	strace $0x90000047  }
0x201: {  	s0 =	stileid.u32;
	[bflag:$0x2] =	sbarrier.arrive $0xFFFF  }
0x202: {  	p0 =	sne.s32 s0, $0x0;
	s0 =	rddreg [dreg:$0x2]  }
0x203: {  	s0 =	sadd.s32 @!p0 $0x100000, s0  }
0x204: {  	[sflag:s0] =	ssyncadd.tile.s32 @!p0 $0x1;
	_ =	shalt  }
.Lfunc_end2:
_tile_overlayer_lowered:
.L_overlay_start_2:
0x205: {  	(tag) =	ssettag $0x2  }
0x206: {  	s0 =	rddreg [dreg:$0x0];
	s2 =	stileid.u32  }
0x207: {  	s1 =	rddreg [dreg:$0x1];
	p0 =	sne.s32 s2, $0x0  }
0x208: {  	s3 =	rddreg [dreg:$0x2];
	[bflag:$0x3] =	sbarrier.arrive $0xFFFF;
	s2 =	simm.s32 @!p0 $0x1C05  }
0x209: {  	[timem:s3], [sflag:s2] =	dma.local @!p0 [hbm:s0], s1  }
0x20a: {  	s0 =	simm.s32 @!p0 $0x5  }
0x20b: {  	_ =	swait.ge @!p0 [sflag:s0], s1  }
0x20c: {  	s1 =	ssub.s32 @!p0 $0x0, s1;
	[sflag:s0] =	ssyncset.done @!p0 $0x0  }
0x20d: {  	[sflag:s0] =	ssyncadd.s32 @!p0 s1  }
0x20e: {  	[bflag:$0x3] =	sbarrier.arrive $0xFFFF  }
0x20f: {  	_ =	shalt  }

// kernel: sparse-core-data-format-call.cloned.1.call-start
scs
called_computation_lowered:
.L_overlay_start_0:
0x0: {  	s2 =	sld [smem:$0x3FD9]  }
0x1: {  	s3 =	sld [smem:$0x3FFE];
	_ =	sdelay $0x1  }
0x2: {  	s1 =	srdreg.scid  }
0x3: {  	s0 =	sand.u32 $0x1, s1  }
0x4: {  	s18 =	sshll.u32 s0, $0xA;
	s2 =	sadd.s32 s3, s2  }
0x5: {  	s2 =	sadd.s32 s2, s18  }
0x6: {  	[smem:$0x3FC6] =	sst s2  }
0x7: {  	_ = 	snop  }
0x8: {  	s2 =	sld [smem:$0x3FD0];
	(tm) =	ssettm $0x1  }
0x9: {  	s19 =	sld [smem:$0x3FFB];
	_ =	sdelay $0x3  }
0xa: {  	_ =	strace s19  }
0xb: {  	s3 =	sld [smem:$0x3FFC];
	_ =	sdelay $0x3  }
0xc: {  	_ =	strace s3  }
0xd: {  	s3 =	sld [smem:$0x3FFD];
	_ =	sdelay $0x3  }
0xe: {  	_ =	strace s3  }
0xf: {  	_ =	strace $0x8FFFFFFF  }
0x10: {  	s20 =	sld [smem:$0x3FDB];
	_ =	sdelay $0x1  }
0x11: {  	s4 =	simm.s32 $_scs_section_size  }
0x12: {  	s5 =	simm.s32 $_size__tile_overlayer_lowered;
	s6 =	simm.s32 $_tile_overlayer_lowered  }
0x13: {  	s23 =	simm.s32 $0x1BFF;
	s22 =	sshll.u32 s6, $0x1;
	s3 =	sadd.s32 s4, s20  }
0x14: {  	s7 =	simm.s32 $0x0;
	s21 =	sshll.u32 s5, $0x1;
	s5 =	sadd.s32 s22, s3  }
0x15: {  	[timem:s7], [sflag:s23] =	dma.local [hbm:s5], s21  }
0x16: {  	_ =	swait.ge [sflag:s23], s21  }
0x17: {  	s4 =	ssub.s32 $0x0, s21;
	[sflag:s23] =	ssyncset.done $0x0  }
0x18: {  	[sflag:s23] =	ssyncadd.s32 s4;
	_ =	sdelay $0x1  }
0x19: {  	s24 =	simm.s32 $0x1B8B  }
0x1a: {  	_ =	swait.ge [sflag:s24], $0x1  }
0x1b: {  	[sflag:s24] =	ssyncset.done $0x0  }
0x1c: {  	s26 =	simm.s32 $0x1B8E;
	s25 =	sld [smem:$0x3FFE];
	[sflag:s24] =	ssyncadd.s32 $0xFFFFFFFF  }
0x1d: {  	s27 =	simm.s32 $execute0_lowered;
	[smem:$0x3FD2] =	sst s26  }
0x1e: {  	s5 =	sshll.u32 s27, $0x1;
	_ =	strace $0x80000049;
	[dreg:$0x1] =	wrdreg $0xFFFFFFFF  }
0x1f: {  	s28 =	simm.s32 $_size_execute0_lowered;
	s3 =	sadd.s32 s3, s5;
	[dreg:$0x0] =	wrdreg $0x0  }
0x20: {  	s5 =	sshll.u32 s28, $0x1;
	[dreg:$0x2] =	wrdreg s3  }
0x21: {  	[dreg:$0x3] =	wrdreg s5  }
0x22: {  	[dreg:$0x4] =	wrdreg $0xC0  }
0x23: {  	_ =	task [dreg:s7], $0x5FFFF  }
0x24: {  	[dreg:$0x1] =	wrdreg $0xFFFFFFFF  }
0x25: {  	[dreg:$0x0] =	wrdreg $0x60  }
0x26: {  	[dreg:$0x2] =	wrdreg s25  }
0x27: {  	[dreg:$0x3] =	wrdreg s2  }
0x28: {  	[dreg:$0x4] =	wrdreg $0x9  }
0x29: {  	_ =	task.clear_ibuf [dreg:s7], $0x5FFFF;
	_ =	strace $0x90000049  }
0x2a: {  	s29 =	simm.s32 $0x9;
	_ =	strace $0x8000004B  }
0x2b: {  	_ =	swait.ge [sflag:s29], $0x1  }
0x2c: {  	[sflag:s29] =	ssyncadd.s32 $0xFFFFFFFF  }
0x2d: {  	_ =	strace $0x9000004B  }
0x2e: {  	_ =	sfence  }
0x2f: {  	s30 =	sld [smem:$0x0];
	_ =	sdelay $0x2  }
0x30: {  	s31 =	sshll.u32 s1, $0xD;
	s1 =	sshrl.u32 s1, $0x2  }
0x31: {  	s3 =	sand.u32 $0x4000, s31;
	s1 =	sadd.s32 s1, s30  }
0x32: {  	s0 =	sor.u32 s3, s0;
	s1 =	sshll.u32 s1, $0x11  }
0x33: {  	s0 =	sor.u32 s1, s0  }
0x34: {  	s0 =	sadd.s32 $0x8F2B, s0  }
0x35: {  	[sflag:s0] =	ssyncadd.remote.s32 $0x1  }
0x36: {  	_ =	sfence.sel $0xFFFF  }
0x37: {  	[dreg:$0x0] =	wrdreg $0xFFFFFFFF;
	(pc) =	sbr.abs _section_cstart, $3  }
0x38: {  	[dreg:$0x1] =	wrdreg $0xFFFFFFFF  }
0x39: {  	_ =	task.clear_ibuf [dreg:s7], $0x2FFFF;
	_ =	strace $0x9FFFFFFF  }
0x3a: {  	(tm) =	ssettm $0x7FFFFFFF  }
0x3b: {  	_ =	shalt  }
tec
execute0_lowered:
.L_overlay_start_1:
0x0: {  	(tag) =	ssettag $0x1  }
0x1: {  	s0 =	srdreg.scid  }
0x2: {  	s1 =	sshll.u32 s0, $0x4  }
0x3: {  	s0 =	stileid.u32;
	s1 =	sand.u32 $0x10, s1  }
0x4: {  	s7 =	rddreg [dreg:$0x0];
	s1 =	sor.u32 s0, s1  }
0x5: {  	s4 =	simm.s32 $0x1;
	s8 =	simm.s32 $0x2;
	s2 =	sshll.u32 s1, $0x7  }
0x6: {  	s13 =	simm.s32 $0x0;
	s9 =	simm.s32 $0x20000;
	s1 =	ssub.s32 $0x4000, s2  }
0x7: {  	s14 =	simm.s32 $0x0;
	s11 =	simm.s32 $0x0;
	s3 =	sand.u32 $0xF80, s1  }
0x8: {  	s12 =	simm.s32 $0x0;
	s5 =	sshrl.u32 s1, $0xC;
	p0 =	sne.s32 s3, $0x0  }
.Ltmp0:
0x9: {  	s1 =	rddreg [dreg:$0x2];
	s4 =	simm.s32 @!p0 $0x0;
	(pc) =	sbr.rel .LBB1_1-.Ltmp0, $4  }
0xa: {  	s6 =	sadd.s32 $0xA00, s7;
	s3 =	rddreg [dreg:$0x1];
	s5 =	sadd.s32 s4, s5  }
0xb: {  	_ =	strace $0x8000004A;
	s4 =	simm.s32 $0x1;
	s5 =	smul.u32 $0xD, s5  }
0xc: {  	s7 =	sadd.s32 $0x40A00, s7;
	s10 =	smov.u32 s2;
	[sflag:s4] =	ssyncpa.u1 $0x0  }
0xd: {  	p0 =	por $0x0, $0x0;
	[sflag:s8] =	ssyncpa.u1 $0x0;
	s8 =	sadd.s32 $0x1, s5  }
.LBB1_7:
0xe: {  	s15 =	sadd.s32 $0x1000, s10  }
0xf: {  	s13 =	sadd.s32 $0x2, s11;
	s17 =	smov.u32 s11;
	p2 =	sgt.s32 s15, $0x3FFF  }
0x10: {  	s17 =	smov.u32 @p2 s13  }
0x11: {  	s15 =	smov.u32 @p2 s2;
	p2 =	sgt.s32 s17, $0x19  }
0x12: {  	s17 =	simm.s32 @p2 $0x0;
	p2 =	sne.s32 s12, s8  }
.Ltmp1:
0x13: {  	p1 =	slt.u32 s12, $0x2;
	(pc) =	sbr.rel @!p2 .LBB1_8-.Ltmp1, $4  }
0x14: {  	s16 =	simm.s32 @!p1 $0x2  }
0x15: {  	s14 =	smov.u32 s11;
	p0 =	por !p0, !p0;
	_ =	swait.ge @!p1 [sflag:s16], $0x2000  }
0x16: {  	s13 =	smov.u32 s10;
	[sflag:s16] =	ssyncset.done @!p1 $0x0;
	s10 =	smov.u32 s15  }
0x17: {  	s12 =	sadd.s32 $0x1, s12;
	[sflag:s16] =	ssyncadd.s32 @!p1 $0xFFFFE000;
	s11 =	smov.u32 s17  }
.LBB1_1:
0x18: {  	p1 =	sge.u32 s12, s5  }
0x19: {  	s15 =	sxor.u32 @!p1 $0xFFFFFFFF, s12;
	s16 =	sshll.u32 @!p1 s11, $0x12  }
0x1a: {  	s17 =	sshll.u32 @!p1 s10, $0x4;
	s19 =	simm.s32 @!p1 $0x20;
	s20 =	simm.s32 @!p1 $0x80  }
0x1b: {  	s15 =	sshll.u32 @!p1 s15, $0xD;
	s17 =	sand.u32 @!p1 $0x3FFF0, s17;
	s18 =	sadd.s32 @!p1 s6, s16  }
0x1c: {  	s16 =	sadd.s32 @!p1 s16, s7;
	s15 =	sand.u32 @!p1 $0x2000, s15;
	s18 =	sadd.s32 @!p1 s17, s18  }
0x1d: {  	[tilespmem:s15], [sflag:$0x1] =	stream.strided.gather @!p1 [hbm4b:s18+s19], $0x1000, s20, s19, $0x38;
	[tilespmem:$0x8080] =	vst v63  }
0x1e: {  	s31 =	sadd.s32 $0xFFFFFFFF, s12;
	s16 =	sadd.s32 @!p1 s17, s16;
	s15 =	sor.u32 @!p1 $0x1000, s15  }
0x1f: {  	[tilespmem:s15], [sflag:$0x1] =	stream.strided.gather @!p1 [hbm4b:s16+s19], $0x1000, s20, s19, $0x38;
	[tilespmem:$0x8080] =	vst v63  }
0x20: {  	p1 =	sge.u32 s31, s5  }
.Ltmp2:
0x21: {  	_ = 	snop;
	(pc) =	sbr.rel @p1 .LBB1_7-.Ltmp2, $1  }
0x22: {  	_ =	sdelay $0x3  }
0x23: {  	s15 =	simm.s32 $0x1;
	s17 =	sand.u32 $0x1, s12  }
0x24: {  	_ =	swait.ge [sflag:s4], $0x2000;
	s15 =	simm.s32 @!p0 $0x0;
	s17 =	smul.u32 $0x8100, s17  }
0x25: {  	p2 =	por $0x1, $0x1;
	[sflag:s4] =	ssyncset.done $0x0;
	s16 =	smul.u32 $0x8100, s15  }
0x26: {  	s18 =	sshll.u32 s15, $0xF;
	[sflag:s4] =	ssyncadd.s32 $0xFFFFE000;
	s30 =	sshrl.u32 s17, $0x2  }
0x27: {  	s31 =	sshrl.u32 s18, $0x2;
	s18 =	simm.s32 $0x0;
	s16 =	sshrl.u32 s16, $0x2  }
0x28: {  	s15 =	sor.u32 $0x4000, s30;
	s17 =	sadd.s32 $0x10, s31;
	s16 =	sor.u32 $0x4000, s16  }
.LBB1_3:
0x29: {  	s19 =	sshll.u32 s18, $0xC  }
0x2a: {  	s19 =	sand.u32 $0x3FFFF000, s19  }
0x2b: {  	s20 =	sadd.s32 s19, s17  }
0x2c: {  	s31 =	smul.u32 $0x4080, s18;
	v1 =	vld [tilespmem:s20+$0x0]  }
0x2d: {  	v0 =	vld [tilespmem:s20+$0xFFFFFFF0]  }
0x2e: {  	s18 =	sshra.s32 s31, $0x2  }
0x2f: {  	s18 =	sadd.s32 s18, s16  }
0x30: {  	s21 =	sadd.s32 $0x0, s18  }
0x31: {  	p1 =	por p2, p2;
	s19 =	simm.s32 $0x4;
	s20 =	sadd.s32 $0x20, s20;
	[tilespmem:s21+$0x810 ss:$0x81] =	vst.msk $0xffff, v1  }
.LBB1_4:
0x32: {  	v1 =	vld [tilespmem:s20+$0x0];
	p2 =	sne.s32 s19, $0x1FC;
	[tilespmem:s21+$0x0 ss:$0x81] =	vst.msk $0xffff, v0;
	s21 =	smov.u32 s19;
	s19 =	sadd.s32 $0x4, s19  }
.Ltmp3:
0x33: {  	v0 =	vld [tilespmem:s20+$0xFFFFFFF0];
	(pc) =	sbr.rel @p2 .LBB1_4-.Ltmp3, $4  }
0x34: {  	_ = 	snop  }
0x35: {  	s21 =	sshra.s32 s21, $0x2  }
0x36: {  	s21 =	sadd.s32 s21, s18  }
0x37: {  	s20 =	sadd.s32 $0x20, s20;
	[tilespmem:s21+$0x810 ss:$0x81] =	vst.msk $0xffff, v1  }
.Ltmp4:
0x38: {  	(pc) =	sbr.rel @p1 .LBB1_3-.Ltmp4, $2  }
0x39: {  	_ =	sdelay $0x2  }
0x3a: {  	[tilespmem:s21+$0x0 ss:$0x81] =	vst.msk $0xffff, v0;
	s18 =	simm.s32 $0x1;
	p2 =	por $0x0, $0x0  }
0x3b: {  	s16 =	sshll.u32 s13, $0x3;
	s17 =	sand.u32 $0x78, s13;
	s14 =	sshll.u32 s14, $0x10  }
.Ltmp5:
0x3c: {  	s30 =	sand.u32 $0xF800, s13;
	s16 =	sand.u32 $0x3C00, s16;
	(pc) =	sbr.rel .LBB1_7-.Ltmp5, $4  }
0x3d: {  	s31 =	sand.u32 $0x7, s13;
	s14 =	sadd.s32 s3, s14;
	s16 =	sor.u32 s17, s16  }
0x3e: {  	s13 =	sshll.u32 s31, $0x12;
	s14 =	sadd.s32 s30, s14;
	s16 =	sshrl.u32 s16, $0x3  }
0x3f: {  	s13 =	sor.u32 $0x400, s13;
	s14 =	sadd.s32 s16, s14  }
0x40: {  	[hbm4b:s14+s13] =	stream.strided.scatter [tilespmem:s15], [sflag:$0x2], $0x2000, s9, s13, $0x20;
	[tilespmem:$0x8080] =	vst v63  }
.LBB1_8:
0x41: {  	_ =	sfence.sel $0x180000  }
0x42: {  	s2 =	simm.s32 $0x1;
	[bflag:$0x0] =	sbarrier.arrive $0xFFFF  }
0x43: {  	s31 =	simm.s32 $0x2;
	[sflag:s2] =	ssyncpa.u1 $0x1  }
0x44: {  	[sflag:s31] =	ssyncpa.u1 $0x1  }
0x45: {  	p0 =	sne.s32 s0, $0x0;
	_ =	strace $0x9000004A  }
0x46: {  	s0 =	sadd.s32 @!p0 $0x100000, s1;
	[bflag:$0x2] =	sbarrier.arrive $0xFFFF  }
0x47: {  	[sflag:s0] =	ssyncadd.tile.s32 @!p0 $0x1;
	_ =	shalt  }
.Lfunc_end1:
_tile_overlayer_lowered:
.L_overlay_start_2:
0x48: {  	(tag) =	ssettag $0x2  }
0x49: {  	s0 =	rddreg [dreg:$0x0];
	s2 =	stileid.u32  }
0x4a: {  	s1 =	rddreg [dreg:$0x1];
	p0 =	sne.s32 s2, $0x0  }
0x4b: {  	s3 =	rddreg [dreg:$0x2];
	[bflag:$0x3] =	sbarrier.arrive $0xFFFF;
	s2 =	simm.s32 @!p0 $0x1C01  }
0x4c: {  	[timem:s3], [sflag:s2] =	dma.local @!p0 [hbm:s0], s1  }
0x4d: {  	s0 =	simm.s32 @!p0 $0x1  }
0x4e: {  	_ =	swait.ge @!p0 [sflag:s0], s1  }
0x4f: {  	s1 =	ssub.s32 @!p0 $0x0, s1;
	[sflag:s0] =	ssyncset.done @!p0 $0x0  }
0x50: {  	[sflag:s0] =	ssyncadd.s32 @!p0 s1  }
0x51: {  	[bflag:$0x3] =	sbarrier.arrive $0xFFFF  }
0x52: {  	_ =	shalt  }

</sc_bundles>
